<compile_context>
chip_gen: v7x
topology: tpu7x:2x2x1
jax: 0.10.2.dev20260603
libtpu: 0.0.44.dev20260713+nightly
codegen_flags: <defaults>
</compile_context>

<pallas_src>
import functools

import jax
import jax.numpy as jnp
from jax import lax
from jax.experimental import pallas as pl
from jax.experimental.pallas import tpu as pltpu
from jax.experimental.pallas import tpu_sc as plsc

_VOCAB = 100000
_EMB = 50
_EMBP = 64
_LANE = 128
_WIN = 5
_HID = 150
_TAGS = 45
_BATCH = 16384
_C = 128
_CP = _C // 2
_NB = _BATCH // _C
_NCHUNKS = _WIN * _NB


def _gather_sum_sc(vi_flat, ve_flat, pref_map, suff_map, e64, ep64, es64,
                   batch):
    nb = batch // _C
    nchunks = _WIN * nb
    info = plsc.get_sparse_core_info()
    nc, ns = info.num_cores, info.num_subcores
    per_w = nchunks // (nc * ns)
    pairs = per_w // 2
    mesh = plsc.VectorSubcoreMesh(core_axis_name="c", subcore_axis_name="s")

    idx_t = pltpu.VMEM((_C,), jnp.int32)
    row_t = pltpu.VMEM((_C, _EMBP), jnp.float32)
    out_t = pltpu.VMEM((_CP, _LANE), jnp.float32)

    @functools.partial(
        pl.kernel,
        mesh=mesh,
        compiler_params=pltpu.CompilerParams(use_tc_tiling_on_sc=False),
        out_type=jax.ShapeDtypeStruct((_WIN, batch // 2, _LANE), jnp.float32),
        scratch_types=[
            idx_t, idx_t, idx_t, idx_t, idx_t, idx_t, idx_t, idx_t,
            row_t, row_t, row_t, row_t, row_t, row_t,
            out_t, out_t,
            pltpu.SemaphoreType.DMA, pltpu.SemaphoreType.DMA,
            pltpu.SemaphoreType.DMA, pltpu.SemaphoreType.DMA,
            pltpu.SemaphoreType.DMA, pltpu.SemaphoreType.DMA,
        ],
    )
    def gather_kernel(vi_hbm, ve_hbm, pm_hbm, sm_hbm, e_hbm, ep_hbm, es_hbm,
                      out_hbm,
                      vi_a, vi_b, ve_a, ve_b, pi_a, pi_b, si_a, si_b,
                      be_a, bp_a, bs_a, be_b, bp_b, bs_b,
                      ob_a, ob_b,
                      sem_ia, sem_ib, sem_ra, sem_rb, sem_wa, sem_wb):
        wid = lax.axis_index("s") * nc + lax.axis_index("c")
        cbase = wid * per_w

        def load_idx(ci, vbuf, vebuf):
            pltpu.sync_copy(vi_hbm.at[pl.ds(ci * _C, _C)], vbuf)
            pltpu.sync_copy(ve_hbm.at[pl.ds(ci * _C, _C)], vebuf)

        def start_maps(vbuf, pbuf, sbuf, sem):
            return (pltpu.async_copy(pm_hbm.at[vbuf], pbuf, sem),
                    pltpu.async_copy(sm_hbm.at[vbuf], sbuf, sem))

        def start_rows(vebuf, pbuf, sbuf, be, bp, bs, sem):
            return (pltpu.async_copy(e_hbm.at[vebuf], be, sem),
                    pltpu.async_copy(ep_hbm.at[pbuf], bp, sem),
                    pltpu.async_copy(es_hbm.at[sbuf], bs, sem))

        zeros16 = jnp.zeros((16,), jnp.float32)

        def zero_pad_cols(ob):
            def zrow(i, c2):
                ob[i, pl.ds(48, 16)] = zeros16
                ob[i, pl.ds(112, 16)] = zeros16
                return c2

            lax.fori_loop(0, _CP, zrow, 0)

        def add_chunk(be, bp, bs, ob):
            def row_body(i, c2):
                for half in (0, 1):
                    src = 2 * i + half
                    for o in (0, 16, 32, 34):
                        ob[i, pl.ds(64 * half + o, 16)] = (
                            be[src, pl.ds(o, 16)]
                            + bp[src, pl.ds(o, 16)]
                            + bs[src, pl.ds(o, 16)]
                        )
                return c2

            lax.fori_loop(0, _CP, row_body, 0)

        def start_wb(ci, ob, sem):
            w = ci // nb
            p0 = (ci % nb) * _CP
            return pltpu.async_copy(ob, out_hbm.at[w, pl.ds(p0, _CP)], sem)

        def wait_wb(ob, sem):
            pltpu.make_async_copy(ob, out_hbm.at[0, pl.ds(0, _CP)], sem).wait()

        zero_pad_cols(ob_a)
        zero_pad_cols(ob_b)
        load_idx(cbase, vi_a, ve_a)
        m1, m2 = start_maps(vi_a, pi_a, si_a, sem_ia)
        m1.wait()
        m2.wait()

        def pair_body(j, carry):
            c0 = cbase + 2 * j
            c1 = c0 + 1
            c2 = lax.min(c0 + 2, nchunks - 1)

            r = start_rows(ve_a, pi_a, si_a, be_a, bp_a, bs_a, sem_ra)
            load_idx(c1, vi_b, ve_b)
            mb = start_maps(vi_b, pi_b, si_b, sem_ib)

            @pl.when(j > 0)
            def _():
                wait_wb(ob_a, sem_wa)

            for d in r:
                d.wait()
            add_chunk(be_a, bp_a, bs_a, ob_a)
            start_wb(c0, ob_a, sem_wa)
            for d in mb:
                d.wait()

            r = start_rows(ve_b, pi_b, si_b, be_b, bp_b, bs_b, sem_rb)
            load_idx(c2, vi_a, ve_a)
            ma = start_maps(vi_a, pi_a, si_a, sem_ia)

            @pl.when(j > 0)
            def _():
                wait_wb(ob_b, sem_wb)

            for d in r:
                d.wait()
            add_chunk(be_b, bp_b, bs_b, ob_b)
            start_wb(c1, ob_b, sem_wb)
            for d in ma:
                d.wait()
            return carry

        lax.fori_loop(0, pairs, pair_body, 0)
        wait_wb(ob_a, sem_wa)
        wait_wb(ob_b, sem_wb)

    return gather_kernel(vi_flat, ve_flat, pref_map, suff_map,
                         e64, ep64, es64)


def _mlp_tc(h, w0d, b0d, w1d, b1d, batch):
    pblk = 512

    def body(h_ref, w0_ref, b0_ref, w1_ref, b1_ref, o_ref):
        acc = jnp.broadcast_to(b0_ref[...], (pblk, 2 * _HID))
        for w in range(_WIN):
            acc = acc + jnp.dot(h_ref[w], w0_ref[w],
                                preferred_element_type=jnp.float32)
        z = jnp.tanh(acc)
        logits = (
            jnp.dot(z, w1_ref[...], preferred_element_type=jnp.float32)
            + b1_ref[...]
        )
        halves = []
        for half in (0, 1):
            lg = logits[:, half * _TAGS:(half + 1) * _TAGS]
            m = jnp.max(lg, axis=1, keepdims=True)
            s = jnp.sum(jnp.exp(lg - m), axis=1, keepdims=True)
            halves.append(lg - (m + jnp.log(s)))
        o_ref[...] = jnp.concatenate(halves, axis=1)

    return pl.pallas_call(
        body,
        grid=(batch // 2 // pblk,),
        in_specs=[
            pl.BlockSpec((_WIN, pblk, _LANE), lambda i: (0, i, 0)),
            pl.BlockSpec((_WIN, _LANE, 2 * _HID), lambda i: (0, 0, 0)),
            pl.BlockSpec((1, 2 * _HID), lambda i: (0, 0)),
            pl.BlockSpec((2 * _HID, 2 * _TAGS), lambda i: (0, 0)),
            pl.BlockSpec((1, 2 * _TAGS), lambda i: (0, 0)),
        ],
        out_specs=pl.BlockSpec((pblk, 2 * _TAGS), lambda i: (i, 0)),
        out_shape=jax.ShapeDtypeStruct((batch // 2, 2 * _TAGS), jnp.float32),
    )(h, w0d, b0d, w1d, b1d)


def kernel(v, pref_map, suff_map, E, E_pref, E_suff, W0, b0, W1, b1):
    half_v = _VOCAB // 2
    ar = jnp.arange(_EMB)
    s1 = jnp.zeros((_EMB, _LANE), jnp.float32).at[ar, ar].set(1.0)
    s2 = jnp.zeros((_EMB, _LANE), jnp.float32).at[ar, ar + _EMBP].set(1.0)
    e_pack = (jnp.dot(E[:half_v], s1, preferred_element_type=jnp.float32)
              + jnp.dot(E[half_v:], s2, preferred_element_type=jnp.float32))
    e64 = e_pack.reshape(_VOCAB, _EMBP)

    pad = ((0, 0), (0, _EMBP - _EMB))
    ep64 = jnp.pad(E_pref, pad)
    es64 = jnp.pad(E_suff, pad)

    w0p = jnp.pad(W0.reshape(_WIN, _EMB, _HID),
                  ((0, 0), (0, _EMBP - _EMB), (0, 0)))
    w0d = jnp.zeros((_WIN, _LANE, 2 * _HID), jnp.float32)
    w0d = w0d.at[:, :_EMBP, :_HID].set(w0p)
    w0d = w0d.at[:, _EMBP:, _HID:].set(w0p)
    b0d = jnp.concatenate([b0, b0]).reshape(1, 2 * _HID)
    w1d = jnp.zeros((2 * _HID, 2 * _TAGS), jnp.float32)
    w1d = w1d.at[:_HID, :_TAGS].set(W1)
    w1d = w1d.at[_HID:, _TAGS:].set(W1)
    b1d = jnp.concatenate([b1, b1]).reshape(1, 2 * _TAGS)

    hb = _BATCH // 2
    vt2 = v.T
    outs = []
    hs = []
    for p in range(2):
        vth = vt2[:, p * hb:(p + 1) * hb].reshape(-1)
        veh = jnp.where(vth < half_v, 2 * vth, 2 * (vth - half_v) + 1)
        hs.append(_gather_sum_sc(vth, veh, pref_map, suff_map,
                                 e64, ep64, es64, hb))
    for p in range(2):
        packed = _mlp_tc(hs[p], w0d, b0d, w1d, b1d, hb)
        outs.append(packed.reshape(hb, _TAGS))
    return jnp.concatenate(outs, axis=0)

# --- scband reference (transcript-rebuilt; emitter-appended) ---
"""Pipeline reference for scband-neural-net-52965536694671 (READ-ONLY COPY).

The authoritative reference and input builder live on the scoring server;
editing this copy changes nothing except your own understanding.
"""

import jax, jax.numpy as jnp
import numpy as np

VOCAB = 100000
N_PREF = 8000
N_SUFF = 8000
EMB = 50
WIN = 5
HID = 150
TAGS = 45
BATCH = 16384


def setup_inputs(seed: int = 0) -> dict:
    key = jax.random.key(seed)
    ks = jax.random.split(key, 12)
    v = jax.random.randint(ks[0], (BATCH, WIN), 0, VOCAB, dtype=jnp.int32)
    # precomputed word-index -> prefix/suffix-index maps (replaces the python
    # string-slicing dict lookups in the original forward)
    pref_map = jax.random.randint(ks[1], (VOCAB,), 0, N_PREF, dtype=jnp.int32)
    suff_map = jax.random.randint(ks[2], (VOCAB,), 0, N_SUFF, dtype=jnp.int32)
    E = jax.random.normal(ks[3], (VOCAB, EMB), dtype=jnp.float32) * 0.1
    E_pref = jax.random.normal(ks[4], (N_PREF, EMB), dtype=jnp.float32) * 0.1
    E_suff = jax.random.normal(ks[5], (N_SUFF, EMB), dtype=jnp.float32) * 0.1
    W0 = jax.random.normal(ks[6], (WIN * EMB, HID), dtype=jnp.float32) * (1.0 / np.sqrt(WIN * EMB))
    b0 = jnp.zeros((HID,), dtype=jnp.float32)
    W1 = jax.random.normal(ks[7], (HID, TAGS), dtype=jnp.float32) * (1.0 / np.sqrt(HID))
    b1 = jnp.zeros((TAGS,), dtype=jnp.float32)
    return {"v": v, "pref_map": pref_map, "suff_map": suff_map, "E": E,
            "E_pref": E_pref, "E_suff": E_suff, "W0": W0, "b0": b0,
            "W1": W1, "b1": b1}


def reference(v, pref_map, suff_map, E, E_pref, E_suff, W0, b0, W1, b1):
    pref_idx = jnp.take(pref_map, v, axis=0)
    suff_idx = jnp.take(suff_map, v, axis=0)
    emb = jnp.take(E, v, axis=0) + jnp.take(E_pref, pref_idx, axis=0) + jnp.take(E_suff, suff_idx, axis=0)
    h = emb.reshape(-1, WIN * EMB)
    h = jnp.tanh(h @ W0 + b0)
    logits = h @ W1 + b1
    return jax.nn.log_softmax(logits, axis=1)

if __name__ == "__main__":
    import jax
    _d = setup_inputs()
    print(jax.jit(kernel)(*tuple(_d.values())))

</pallas_src>

<mosaic_0001>
#map = affine_map<(d0, d1) -> (0)>
#map1 = affine_map<(d0, d1) -> (0, 0)>
#map2 = affine_map<(d0, d1) -> (0, 0, 0)>
module attributes {stable_mosaic.version = 14 : i64} {
  func.func @gather_kernel(%arg0: i32, %arg1: i32, %arg2: memref<40960xi32, #tpu.memory_space<hbm>>, %arg3: memref<40960xi32, #tpu.memory_space<hbm>>, %arg4: memref<100000xi32, #tpu.memory_space<hbm>>, %arg5: memref<100000xi32, #tpu.memory_space<hbm>>, %arg6: memref<100000x64xf32, #tpu.memory_space<hbm>>, %arg7: memref<8000x64xf32, #tpu.memory_space<hbm>>, %arg8: memref<8000x64xf32, #tpu.memory_space<hbm>>, %arg9: memref<5x4096x128xf32, #tpu.memory_space<hbm>>, %arg10: memref<128xi32, #tpu.memory_space<vmem>>, %arg11: memref<128xi32, #tpu.memory_space<vmem>>, %arg12: memref<128xi32, #tpu.memory_space<vmem>>, %arg13: memref<128xi32, #tpu.memory_space<vmem>>, %arg14: memref<128xi32, #tpu.memory_space<vmem>>, %arg15: memref<128xi32, #tpu.memory_space<vmem>>, %arg16: memref<128xi32, #tpu.memory_space<vmem>>, %arg17: memref<128xi32, #tpu.memory_space<vmem>>, %arg18: memref<128x64xf32, #tpu.memory_space<vmem>>, %arg19: memref<128x64xf32, #tpu.memory_space<vmem>>, %arg20: memref<128x64xf32, #tpu.memory_space<vmem>>, %arg21: memref<128x64xf32, #tpu.memory_space<vmem>>, %arg22: memref<128x64xf32, #tpu.memory_space<vmem>>, %arg23: memref<128x64xf32, #tpu.memory_space<vmem>>, %arg24: memref<64x128xf32, #tpu.memory_space<vmem>>, %arg25: memref<64x128xf32, #tpu.memory_space<vmem>>, %arg26: memref<!tpu.dma_semaphore, #tpu.memory_space<semaphore_mem>>, %arg27: memref<!tpu.dma_semaphore, #tpu.memory_space<semaphore_mem>>, %arg28: memref<!tpu.dma_semaphore, #tpu.memory_space<semaphore_mem>>, %arg29: memref<!tpu.dma_semaphore, #tpu.memory_space<semaphore_mem>>, %arg30: memref<!tpu.dma_semaphore, #tpu.memory_space<semaphore_mem>>, %arg31: memref<!tpu.dma_semaphore, #tpu.memory_space<semaphore_mem>>) attributes {dimension_semantics = [#tpu.dimension_semantics<core_parallel>, #tpu.dimension_semantics<subcore_parallel>], iteration_bounds = array<i64: 2, 16>, scalar_prefetch = 0 : i64, scratch_operands = 22 : i64, tpu.core_type = #tpu.core_type<sc_vector_subcore>, window_params = [{transform_indices = #map}, {transform_indices = #map}, {transform_indices = #map}, {transform_indices = #map}, {transform_indices = #map1}, {transform_indices = #map1}, {transform_indices = #map1}, {transform_indices = #map2}]} {
    %mul3A = arith.constant 2 : i32
    %mul3A_0 = arith.muli %arg1, %mul3A : i32
    %add3A = arith.addi %mul3A_0, %arg0 : i32
    %mul3A_1 = arith.constant 10 : i32
    %mul3A_2 = arith.muli %add3A, %mul3A_1 : i32
    %broadcast_in_dim3A = arith.constant 0.000000e+00 : f32
    %broadcast_in_dim3A_3 = vector.broadcast %broadcast_in_dim3A : f32 to vector<16xf32>
    %scan3A = arith.constant 0 : i32
    %scan3A_4 = arith.constant 0 : i32
    %scan3A_5 = arith.constant 64 : i32
    %scan3A_6 = arith.addi %scan3A_4, %scan3A_5 : i32
    %scan3A_7 = arith.constant 1 : i32
    scf.for %scan3A_49 = %scan3A_4 to %scan3A_6 step %scan3A_7  : i32 {
      %swap3A = arith.index_cast %scan3A_49 : i32 to index
      %swap3A_50 = arith.constant 48 : index
      %swap3A_51 = tpu.vector_load %arg24[%swap3A, %swap3A_50] {strides = array<i32>} : memref<64x128xf32, #tpu.memory_space<vmem>>, vector<1x16xf32>,
      %swap3A_52 = vector.shape_cast %swap3A_51 : vector<1x16xf32> to vector<16xf32>
      %swap3A_53 = vector.shape_cast %broadcast_in_dim3A_3 : vector<16xf32> to vector<1x16xf32>
      tpu.vector_store %arg24[%swap3A, %swap3A_50], %swap3A_53 {strides = array<i32>} : memref<64x128xf32, #tpu.memory_space<vmem>>, vector<1x16xf32>,
      %swap3A_54 = arith.index_cast %scan3A_49 : i32 to index
      %swap3A_55 = arith.constant 112 : index
      %swap3A_56 = tpu.vector_load %arg24[%swap3A_54, %swap3A_55] {strides = array<i32>} : memref<64x128xf32, #tpu.memory_space<vmem>>, vector<1x16xf32>,
      %swap3A_57 = vector.shape_cast %swap3A_56 : vector<1x16xf32> to vector<16xf32>
      %swap3A_58 = vector.shape_cast %broadcast_in_dim3A_3 : vector<16xf32> to vector<1x16xf32>
      tpu.vector_store %arg24[%swap3A_54, %swap3A_55], %swap3A_58 {strides = array<i32>} : memref<64x128xf32, #tpu.memory_space<vmem>>, vector<1x16xf32>,
    }
    %scan3A_8 = arith.constant 64 : i32
    %scan3A_9 = arith.constant 0 : i32
    %scan3A_10 = arith.constant 0 : i32
    %scan3A_11 = arith.constant 64 : i32
    %scan3A_12 = arith.addi %scan3A_10, %scan3A_11 : i32
    %scan3A_13 = arith.constant 1 : i32
    scf.for %scan3A_49 = %scan3A_10 to %scan3A_12 step %scan3A_13  : i32 {
      %swap3A = arith.index_cast %scan3A_49 : i32 to index
      %swap3A_50 = arith.constant 48 : index
      %swap3A_51 = tpu.vector_load %arg25[%swap3A, %swap3A_50] {strides = array<i32>} : memref<64x128xf32, #tpu.memory_space<vmem>>, vector<1x16xf32>,
      %swap3A_52 = vector.shape_cast %swap3A_51 : vector<1x16xf32> to vector<16xf32>
      %swap3A_53 = vector.shape_cast %broadcast_in_dim3A_3 : vector<16xf32> to vector<1x16xf32>
      tpu.vector_store %arg25[%swap3A, %swap3A_50], %swap3A_53 {strides = array<i32>} : memref<64x128xf32, #tpu.memory_space<vmem>>, vector<1x16xf32>,
      %swap3A_54 = arith.index_cast %scan3A_49 : i32 to index
      %swap3A_55 = arith.constant 112 : index
      %swap3A_56 = tpu.vector_load %arg25[%swap3A_54, %swap3A_55] {strides = array<i32>} : memref<64x128xf32, #tpu.memory_space<vmem>>, vector<1x16xf32>,
      %swap3A_57 = vector.shape_cast %swap3A_56 : vector<1x16xf32> to vector<16xf32>
      %swap3A_58 = vector.shape_cast %broadcast_in_dim3A_3 : vector<16xf32> to vector<1x16xf32>
      tpu.vector_store %arg25[%swap3A_54, %swap3A_55], %swap3A_58 {strides = array<i32>} : memref<64x128xf32, #tpu.memory_space<vmem>>, vector<1x16xf32>,
    }
    %scan3A_14 = arith.constant 64 : i32
    %mul3A_15 = arith.constant 128 : i32
    %mul3A_16 = arith.muli %mul3A_2, %mul3A_15 : i32
    "tpu.region"() ({
      %run_scoped3A = tpu.sem_alloc : memref<!tpu.dma_semaphore, #tpu.memory_space<semaphore_mem>>
      %dma_start3A_49 = tpu.memref_slice %arg2[%mul3A_16] : memref<40960xi32, #tpu.memory_space<hbm>> -> memref<128xi32, #tpu.memory_space<hbm>>
      %dma_start3A_50 = tpu.memref_slice %arg2[%mul3A_16] : memref<40960xi32, #tpu.memory_space<hbm>> -> memref<128xi32, #tpu.memory_space<hbm>>
      tpu.enqueue_dma source(%dma_start3A_50 : memref<128xi32, #tpu.memory_space<hbm>>) target(%arg10 : memref<128xi32, #tpu.memory_space<vmem>>) target_semaphore(%run_scoped3A : memref<!tpu.dma_semaphore, #tpu.memory_space<semaphore_mem>>)
      %dma_wait3A_51 = tpu.memref_slice %arg2[%mul3A_16] : memref<40960xi32, #tpu.memory_space<hbm>> -> memref<128xi32, #tpu.memory_space<hbm>>
      %dma_wait3A_52 = tpu.memref_slice %arg2[%mul3A_16] : memref<40960xi32, #tpu.memory_space<hbm>> -> memref<128xi32, #tpu.memory_space<hbm>>
      tpu.wait_dma2 semaphore(%run_scoped3A : memref<!tpu.dma_semaphore, #tpu.memory_space<semaphore_mem>>) src(%dma_wait3A_52 : memref<128xi32, #tpu.memory_space<hbm>>) dst(%arg10 : memref<128xi32, #tpu.memory_space<vmem>>)
      tpu.yield
    }) : () -> ()
    %mul3A_17 = arith.constant 128 : i32
    %mul3A_18 = arith.muli %mul3A_2, %mul3A_17 : i32
    "tpu.region"() ({
      %run_scoped3A = tpu.sem_alloc : memref<!tpu.dma_semaphore, #tpu.memory_space<semaphore_mem>>
      %dma_start3A_49 = tpu.memref_slice %arg3[%mul3A_18] : memref<40960xi32, #tpu.memory_space<hbm>> -> memref<128xi32, #tpu.memory_space<hbm>>
      %dma_start3A_50 = tpu.memref_slice %arg3[%mul3A_18] : memref<40960xi32, #tpu.memory_space<hbm>> -> memref<128xi32, #tpu.memory_space<hbm>>
      tpu.enqueue_dma source(%dma_start3A_50 : memref<128xi32, #tpu.memory_space<hbm>>) target(%arg12 : memref<128xi32, #tpu.memory_space<vmem>>) target_semaphore(%run_scoped3A : memref<!tpu.dma_semaphore, #tpu.memory_space<semaphore_mem>>)
      %dma_wait3A_51 = tpu.memref_slice %arg3[%mul3A_18] : memref<40960xi32, #tpu.memory_space<hbm>> -> memref<128xi32, #tpu.memory_space<hbm>>
      %dma_wait3A_52 = tpu.memref_slice %arg3[%mul3A_18] : memref<40960xi32, #tpu.memory_space<hbm>> -> memref<128xi32, #tpu.memory_space<hbm>>
      tpu.wait_dma2 semaphore(%run_scoped3A : memref<!tpu.dma_semaphore, #tpu.memory_space<semaphore_mem>>) src(%dma_wait3A_52 : memref<128xi32, #tpu.memory_space<hbm>>) dst(%arg12 : memref<128xi32, #tpu.memory_space<vmem>>)
      tpu.yield
    }) : () -> ()
    %dma_start3A = arith.constant 0 : i32
    %dma_start3A_19 = tpu.memref_slice %arg4[%dma_start3A] : memref<100000xi32, #tpu.memory_space<hbm>> -> memref<100000xi32, #tpu.memory_space<hbm>>
    tpu.enqueue_indirect_dma source(%dma_start3A_19 : memref<100000xi32, #tpu.memory_space<hbm>>) target(%arg14 : memref<128xi32, #tpu.memory_space<vmem>>) offsets(%arg10 : memref<128xi32, #tpu.memory_space<vmem>>) semaphore(%arg26 : memref<!tpu.dma_semaphore, #tpu.memory_space<semaphore_mem>>)
    %dma_start3A_20 = arith.constant 0 : i32
    %dma_start3A_21 = tpu.memref_slice %arg5[%dma_start3A_20] : memref<100000xi32, #tpu.memory_space<hbm>> -> memref<100000xi32, #tpu.memory_space<hbm>>
    tpu.enqueue_indirect_dma source(%dma_start3A_21 : memref<100000xi32, #tpu.memory_space<hbm>>) target(%arg16 : memref<128xi32, #tpu.memory_space<vmem>>) offsets(%arg10 : memref<128xi32, #tpu.memory_space<vmem>>) semaphore(%arg26 : memref<!tpu.dma_semaphore, #tpu.memory_space<semaphore_mem>>)
    %dma_wait3A = arith.constant 0 : i32
    %dma_wait3A_22 = tpu.memref_slice %arg4[%dma_wait3A] : memref<100000xi32, #tpu.memory_space<hbm>> -> memref<100000xi32, #tpu.memory_space<hbm>>
    tpu.wait_indirect_dma semaphore(%arg26 : memref<!tpu.dma_semaphore, #tpu.memory_space<semaphore_mem>>) src(%dma_wait3A_22 : memref<100000xi32, #tpu.memory_space<hbm>>) dst(%arg14 : memref<128xi32, #tpu.memory_space<vmem>>)
    %dma_wait3A_23 = arith.constant 0 : i32
    %dma_wait3A_24 = tpu.memref_slice %arg5[%dma_wait3A_23] : memref<100000xi32, #tpu.memory_space<hbm>> -> memref<100000xi32, #tpu.memory_space<hbm>>
    tpu.wait_indirect_dma semaphore(%arg26 : memref<!tpu.dma_semaphore, #tpu.memory_space<semaphore_mem>>) src(%dma_wait3A_24 : memref<100000xi32, #tpu.memory_space<hbm>>) dst(%arg16 : memref<128xi32, #tpu.memory_space<vmem>>)
    %scan3A_25 = arith.constant 0 : i32
    %scan3A_26 = arith.constant 0 : i32
    %scan3A_27 = arith.constant 5 : i32
    %scan3A_28 = arith.addi %scan3A_26, %scan3A_27 : i32
    %scan3A_29 = arith.constant 1 : i32
    scf.for %scan3A_49 = %scan3A_26 to %scan3A_28 step %scan3A_29  : i32 {
      %mul3A_50 = arith.constant 2 : i32
      %mul3A_51 = arith.muli %mul3A_50, %scan3A_49 : i32
      %add3A_52 = arith.addi %mul3A_2, %mul3A_51 : i32
      %add3A_53 = arith.constant 1 : i32
      %add3A_54 = arith.addi %add3A_52, %add3A_53 : i32
      %add3A_55 = arith.constant 2 : i32
      %add3A_56 = arith.addi %add3A_52, %add3A_55 : i32
      %min3A = arith.constant 319 : i32
      %min3A_57 = arith.minsi %add3A_56, %min3A : i32
      %dma_start3A_58 = arith.constant 0 : i32
      %dma_start3A_59 = arith.constant 0 : i32
      %dma_start3A_60 = tpu.memref_slice %arg6[%dma_start3A_58, %dma_start3A_59] : memref<100000x64xf32, #tpu.memory_space<hbm>> -> memref<100000x64xf32, #tpu.memory_space<hbm>>
      tpu.enqueue_indirect_dma source(%dma_start3A_60 : memref<100000x64xf32, #tpu.memory_space<hbm>>) target(%arg18 : memref<128x64xf32, #tpu.memory_space<vmem>>) offsets(%arg12 : memref<128xi32, #tpu.memory_space<vmem>>) semaphore(%arg28 : memref<!tpu.dma_semaphore, #tpu.memory_space<semaphore_mem>>)
      %dma_start3A_61 = arith.constant 0 : i32
      %dma_start3A_62 = arith.constant 0 : i32
      %dma_start3A_63 = tpu.memref_slice %arg7[%dma_start3A_61, %dma_start3A_62] : memref<8000x64xf32, #tpu.memory_space<hbm>> -> memref<8000x64xf32, #tpu.memory_space<hbm>>
      tpu.enqueue_indirect_dma source(%dma_start3A_63 : memref<8000x64xf32, #tpu.memory_space<hbm>>) target(%arg19 : memref<128x64xf32, #tpu.memory_space<vmem>>) offsets(%arg14 : memref<128xi32, #tpu.memory_space<vmem>>) semaphore(%arg28 : memref<!tpu.dma_semaphore, #tpu.memory_space<semaphore_mem>>)
      %dma_start3A_64 = arith.constant 0 : i32
      %dma_start3A_65 = arith.constant 0 : i32
      %dma_start3A_66 = tpu.memref_slice %arg8[%dma_start3A_64, %dma_start3A_65] : memref<8000x64xf32, #tpu.memory_space<hbm>> -> memref<8000x64xf32, #tpu.memory_space<hbm>>
      tpu.enqueue_indirect_dma source(%dma_start3A_66 : memref<8000x64xf32, #tpu.memory_space<hbm>>) target(%arg20 : memref<128x64xf32, #tpu.memory_space<vmem>>) offsets(%arg16 : memref<128xi32, #tpu.memory_space<vmem>>) semaphore(%arg28 : memref<!tpu.dma_semaphore, #tpu.memory_space<semaphore_mem>>)
      %mul3A_67 = arith.constant 128 : i32
      %mul3A_68 = arith.muli %add3A_54, %mul3A_67 : i32
      "tpu.region"() ({
        %run_scoped3A = tpu.sem_alloc : memref<!tpu.dma_semaphore, #tpu.memory_space<semaphore_mem>>
        %dma_start3A_223 = tpu.memref_slice %arg2[%mul3A_68] : memref<40960xi32, #tpu.memory_space<hbm>> -> memref<128xi32, #tpu.memory_space<hbm>>
        %dma_start3A_224 = tpu.memref_slice %arg2[%mul3A_68] : memref<40960xi32, #tpu.memory_space<hbm>> -> memref<128xi32, #tpu.memory_space<hbm>>
        tpu.enqueue_dma source(%dma_start3A_224 : memref<128xi32, #tpu.memory_space<hbm>>) target(%arg11 : memref<128xi32, #tpu.memory_space<vmem>>) target_semaphore(%run_scoped3A : memref<!tpu.dma_semaphore, #tpu.memory_space<semaphore_mem>>)
        %dma_wait3A_225 = tpu.memref_slice %arg2[%mul3A_68] : memref<40960xi32, #tpu.memory_space<hbm>> -> memref<128xi32, #tpu.memory_space<hbm>>
        %dma_wait3A_226 = tpu.memref_slice %arg2[%mul3A_68] : memref<40960xi32, #tpu.memory_space<hbm>> -> memref<128xi32, #tpu.memory_space<hbm>>
        tpu.wait_dma2 semaphore(%run_scoped3A : memref<!tpu.dma_semaphore, #tpu.memory_space<semaphore_mem>>) src(%dma_wait3A_226 : memref<128xi32, #tpu.memory_space<hbm>>) dst(%arg11 : memref<128xi32, #tpu.memory_space<vmem>>)
        tpu.yield
      }) : () -> ()
      %mul3A_69 = arith.constant 128 : i32
      %mul3A_70 = arith.muli %add3A_54, %mul3A_69 : i32
      "tpu.region"() ({
        %run_scoped3A = tpu.sem_alloc : memref<!tpu.dma_semaphore, #tpu.memory_space<semaphore_mem>>
        %dma_start3A_223 = tpu.memref_slice %arg3[%mul3A_70] : memref<40960xi32, #tpu.memory_space<hbm>> -> memref<128xi32, #tpu.memory_space<hbm>>
        %dma_start3A_224 = tpu.memref_slice %arg3[%mul3A_70] : memref<40960xi32, #tpu.memory_space<hbm>> -> memref<128xi32, #tpu.memory_space<hbm>>
        tpu.enqueue_dma source(%dma_start3A_224 : memref<128xi32, #tpu.memory_space<hbm>>) target(%arg13 : memref<128xi32, #tpu.memory_space<vmem>>) target_semaphore(%run_scoped3A : memref<!tpu.dma_semaphore, #tpu.memory_space<semaphore_mem>>)
        %dma_wait3A_225 = tpu.memref_slice %arg3[%mul3A_70] : memref<40960xi32, #tpu.memory_space<hbm>> -> memref<128xi32, #tpu.memory_space<hbm>>
        %dma_wait3A_226 = tpu.memref_slice %arg3[%mul3A_70] : memref<40960xi32, #tpu.memory_space<hbm>> -> memref<128xi32, #tpu.memory_space<hbm>>
        tpu.wait_dma2 semaphore(%run_scoped3A : memref<!tpu.dma_semaphore, #tpu.memory_space<semaphore_mem>>) src(%dma_wait3A_226 : memref<128xi32, #tpu.memory_space<hbm>>) dst(%arg13 : memref<128xi32, #tpu.memory_space<vmem>>)
        tpu.yield
      }) : () -> ()
      %dma_start3A_71 = arith.constant 0 : i32
      %dma_start3A_72 = tpu.memref_slice %arg4[%dma_start3A_71] : memref<100000xi32, #tpu.memory_space<hbm>> -> memref<100000xi32, #tpu.memory_space<hbm>>
      tpu.enqueue_indirect_dma source(%dma_start3A_72 : memref<100000xi32, #tpu.memory_space<hbm>>) target(%arg15 : memref<128xi32, #tpu.memory_space<vmem>>) offsets(%arg11 : memref<128xi32, #tpu.memory_space<vmem>>) semaphore(%arg27 : memref<!tpu.dma_semaphore, #tpu.memory_space<semaphore_mem>>)
      %dma_start3A_73 = arith.constant 0 : i32
      %dma_start3A_74 = tpu.memref_slice %arg5[%dma_start3A_73] : memref<100000xi32, #tpu.memory_space<hbm>> -> memref<100000xi32, #tpu.memory_space<hbm>>
      tpu.enqueue_indirect_dma source(%dma_start3A_74 : memref<100000xi32, #tpu.memory_space<hbm>>) target(%arg17 : memref<128xi32, #tpu.memory_space<vmem>>) offsets(%arg11 : memref<128xi32, #tpu.memory_space<vmem>>) semaphore(%arg27 : memref<!tpu.dma_semaphore, #tpu.memory_space<semaphore_mem>>)
      %gt3A = arith.constant 0 : i32
      %gt3A_75 = arith.cmpi sgt, %scan3A_49, %gt3A : i32
      %convert_element_type3A = arith.extui %gt3A_75 : i1 to i32
      %cond3A = arith.constant 0 : i32
      %cond3A_76 = arith.cmpi ne, %convert_element_type3A, %cond3A : i32
      scf.if %cond3A_76 {
        %dma_wait3A_223 = arith.constant 0 : i32
        %dma_wait3A_224 = arith.constant 0 : i32
        %dma_wait3A_225 = arith.constant 0 : i32
        %dma_wait3A_226 = tpu.memref_slice %arg9[%dma_wait3A_223, %dma_wait3A_224, %dma_wait3A_225] : memref<5x4096x128xf32, #tpu.memory_space<hbm>> -> memref<1x64x128xf32, #tpu.memory_space<hbm>>
        %dma_wait3A_227 = tpu.memref_squeeze %dma_wait3A_226 : memref<1x64x128xf32, #tpu.memory_space<hbm>> -> memref<64x128xf32, #tpu.memory_space<hbm>>
        %dma_wait3A_228 = arith.constant 0 : i32
        %dma_wait3A_229 = arith.constant 0 : i32
        %dma_wait3A_230 = tpu.memref_slice %arg9[%dma_wait3A_223, %dma_wait3A_228, %dma_wait3A_229] : memref<5x4096x128xf32, #tpu.memory_space<hbm>> -> memref<1x64x128xf32, #tpu.memory_space<hbm>>
        %dma_wait3A_231 = tpu.memref_squeeze %dma_wait3A_230 : memref<1x64x128xf32, #tpu.memory_space<hbm>> -> memref<64x128xf32, #tpu.memory_space<hbm>>
        tpu.wait_dma2 semaphore(%arg30 : memref<!tpu.dma_semaphore, #tpu.memory_space<semaphore_mem>>) src(%arg24 : memref<64x128xf32, #tpu.memory_space<vmem>>) dst(%dma_wait3A_231 : memref<64x128xf32, #tpu.memory_space<hbm>>)
      } else {
      }
      %dma_wait3A_77 = arith.constant 0 : i32
      %dma_wait3A_78 = arith.constant 0 : i32
      %dma_wait3A_79 = tpu.memref_slice %arg6[%dma_wait3A_77, %dma_wait3A_78] : memref<100000x64xf32, #tpu.memory_space<hbm>> -> memref<100000x64xf32, #tpu.memory_space<hbm>>
      tpu.wait_indirect_dma semaphore(%arg28 : memref<!tpu.dma_semaphore, #tpu.memory_space<semaphore_mem>>) src(%dma_wait3A_79 : memref<100000x64xf32, #tpu.memory_space<hbm>>) dst(%arg18 : memref<128x64xf32, #tpu.memory_space<vmem>>)
      %dma_wait3A_80 = arith.constant 0 : i32
      %dma_wait3A_81 = arith.constant 0 : i32
      %dma_wait3A_82 = tpu.memref_slice %arg7[%dma_wait3A_80, %dma_wait3A_81] : memref<8000x64xf32, #tpu.memory_space<hbm>> -> memref<8000x64xf32, #tpu.memory_space<hbm>>
      tpu.wait_indirect_dma semaphore(%arg28 : memref<!tpu.dma_semaphore, #tpu.memory_space<semaphore_mem>>) src(%dma_wait3A_82 : memref<8000x64xf32, #tpu.memory_space<hbm>>) dst(%arg19 : memref<128x64xf32, #tpu.memory_space<vmem>>)
      %dma_wait3A_83 = arith.constant 0 : i32
      %dma_wait3A_84 = arith.constant 0 : i32
      %dma_wait3A_85 = tpu.memref_slice %arg8[%dma_wait3A_83, %dma_wait3A_84] : memref<8000x64xf32, #tpu.memory_space<hbm>> -> memref<8000x64xf32, #tpu.memory_space<hbm>>
      tpu.wait_indirect_dma semaphore(%arg28 : memref<!tpu.dma_semaphore, #tpu.memory_space<semaphore_mem>>) src(%dma_wait3A_85 : memref<8000x64xf32, #tpu.memory_space<hbm>>) dst(%arg20 : memref<128x64xf32, #tpu.memory_space<vmem>>)
      %scan3A_86 = arith.constant 0 : i32
      %scan3A_87 = arith.constant 0 : i32
      %scan3A_88 = arith.constant 64 : i32
      %scan3A_89 = arith.addi %scan3A_87, %scan3A_88 : i32
      %scan3A_90 = arith.constant 1 : i32
      scf.for %scan3A_223 = %scan3A_87 to %scan3A_89 step %scan3A_90  : i32 {
        %mul3A_224 = arith.constant 2 : i32
        %mul3A_225 = arith.muli %mul3A_224, %scan3A_223 : i32
        %add3A_226 = arith.constant 0 : i32
        %add3A_227 = arith.addi %mul3A_225, %add3A_226 : i32
        %get3A = arith.index_cast %add3A_227 : i32 to index
        %get3A_228 = arith.constant 0 : index
        %get3A_229 = tpu.vector_load %arg18[%get3A, %get3A_228] {strides = array<i32>} : memref<128x64xf32, #tpu.memory_space<vmem>>, vector<1x16xf32>,
        %get3A_230 = vector.shape_cast %get3A_229 : vector<1x16xf32> to vector<16xf32>
        %get3A_231 = arith.index_cast %add3A_227 : i32 to index
        %get3A_232 = arith.constant 0 : index
        %get3A_233 = tpu.vector_load %arg19[%get3A_231, %get3A_232] {strides = array<i32>} : memref<128x64xf32, #tpu.memory_space<vmem>>, vector<1x16xf32>,
        %get3A_234 = vector.shape_cast %get3A_233 : vector<1x16xf32> to vector<16xf32>
        %add3A_235 = arith.addf %get3A_230, %get3A_234 : vector<16xf32>
        %get3A_236 = arith.index_cast %add3A_227 : i32 to index
        %get3A_237 = arith.constant 0 : index
        %get3A_238 = tpu.vector_load %arg20[%get3A_236, %get3A_237] {strides = array<i32>} : memref<128x64xf32, #tpu.memory_space<vmem>>, vector<1x16xf32>,
        %get3A_239 = vector.shape_cast %get3A_238 : vector<1x16xf32> to vector<16xf32>
        %add3A_240 = arith.addf %add3A_235, %get3A_239 : vector<16xf32>
        %swap3A = arith.index_cast %scan3A_223 : i32 to index
        %swap3A_241 = arith.constant 0 : index
        %swap3A_242 = tpu.vector_load %arg24[%swap3A, %swap3A_241] {strides = array<i32>} : memref<64x128xf32, #tpu.memory_space<vmem>>, vector<1x16xf32>,
        %swap3A_243 = vector.shape_cast %swap3A_242 : vector<1x16xf32> to vector<16xf32>
        %swap3A_244 = vector.shape_cast %add3A_240 : vector<16xf32> to vector<1x16xf32>
        tpu.vector_store %arg24[%swap3A, %swap3A_241], %swap3A_244 {strides = array<i32>} : memref<64x128xf32, #tpu.memory_space<vmem>>, vector<1x16xf32>,
        %get3A_245 = arith.index_cast %add3A_227 : i32 to index
        %get3A_246 = arith.constant 16 : index
        %get3A_247 = tpu.vector_load %arg18[%get3A_245, %get3A_246] {strides = array<i32>} : memref<128x64xf32, #tpu.memory_space<vmem>>, vector<1x16xf32>,
        %get3A_248 = vector.shape_cast %get3A_247 : vector<1x16xf32> to vector<16xf32>
        %get3A_249 = arith.index_cast %add3A_227 : i32 to index
        %get3A_250 = arith.constant 16 : index
        %get3A_251 = tpu.vector_load %arg19[%get3A_249, %get3A_250] {strides = array<i32>} : memref<128x64xf32, #tpu.memory_space<vmem>>, vector<1x16xf32>,
        %get3A_252 = vector.shape_cast %get3A_251 : vector<1x16xf32> to vector<16xf32>
        %add3A_253 = arith.addf %get3A_248, %get3A_252 : vector<16xf32>
        %get3A_254 = arith.index_cast %add3A_227 : i32 to index
        %get3A_255 = arith.constant 16 : index
        %get3A_256 = tpu.vector_load %arg20[%get3A_254, %get3A_255] {strides = array<i32>} : memref<128x64xf32, #tpu.memory_space<vmem>>, vector<1x16xf32>,
        %get3A_257 = vector.shape_cast %get3A_256 : vector<1x16xf32> to vector<16xf32>
        %add3A_258 = arith.addf %add3A_253, %get3A_257 : vector<16xf32>
        %swap3A_259 = arith.index_cast %scan3A_223 : i32 to index
        %swap3A_260 = arith.constant 16 : index
        %swap3A_261 = tpu.vector_load %arg24[%swap3A_259, %swap3A_260] {strides = array<i32>} : memref<64x128xf32, #tpu.memory_space<vmem>>, vector<1x16xf32>,
        %swap3A_262 = vector.shape_cast %swap3A_261 : vector<1x16xf32> to vector<16xf32>
        %swap3A_263 = vector.shape_cast %add3A_258 : vector<16xf32> to vector<1x16xf32>
        tpu.vector_store %arg24[%swap3A_259, %swap3A_260], %swap3A_263 {strides = array<i32>} : memref<64x128xf32, #tpu.memory_space<vmem>>, vector<1x16xf32>,
        %get3A_264 = arith.index_cast %add3A_227 : i32 to index
        %get3A_265 = arith.constant 32 : index
        %get3A_266 = tpu.vector_load %arg18[%get3A_264, %get3A_265] {strides = array<i32>} : memref<128x64xf32, #tpu.memory_space<vmem>>, vector<1x16xf32>,
        %get3A_267 = vector.shape_cast %get3A_266 : vector<1x16xf32> to vector<16xf32>
        %get3A_268 = arith.index_cast %add3A_227 : i32 to index
        %get3A_269 = arith.constant 32 : index
        %get3A_270 = tpu.vector_load %arg19[%get3A_268, %get3A_269] {strides = array<i32>} : memref<128x64xf32, #tpu.memory_space<vmem>>, vector<1x16xf32>,
        %get3A_271 = vector.shape_cast %get3A_270 : vector<1x16xf32> to vector<16xf32>
        %add3A_272 = arith.addf %get3A_267, %get3A_271 : vector<16xf32>
        %get3A_273 = arith.index_cast %add3A_227 : i32 to index
        %get3A_274 = arith.constant 32 : index
        %get3A_275 = tpu.vector_load %arg20[%get3A_273, %get3A_274] {strides = array<i32>} : memref<128x64xf32, #tpu.memory_space<vmem>>, vector<1x16xf32>,
        %get3A_276 = vector.shape_cast %get3A_275 : vector<1x16xf32> to vector<16xf32>
        %add3A_277 = arith.addf %add3A_272, %get3A_276 : vector<16xf32>
        %swap3A_278 = arith.index_cast %scan3A_223 : i32 to index
        %swap3A_279 = arith.constant 32 : index
        %swap3A_280 = tpu.vector_load %arg24[%swap3A_278, %swap3A_279] {strides = array<i32>} : memref<64x128xf32, #tpu.memory_space<vmem>>, vector<1x16xf32>,
        %swap3A_281 = vector.shape_cast %swap3A_280 : vector<1x16xf32> to vector<16xf32>
        %swap3A_282 = vector.shape_cast %add3A_277 : vector<16xf32> to vector<1x16xf32>
        tpu.vector_store %arg24[%swap3A_278, %swap3A_279], %swap3A_282 {strides = array<i32>} : memref<64x128xf32, #tpu.memory_space<vmem>>, vector<1x16xf32>,
        %get3A_283 = arith.index_cast %add3A_227 : i32 to index
        %get3A_284 = arith.constant 34 : index
        %get3A_285 = tpu.vector_load %arg18[%get3A_283, %get3A_284] {strides = array<i32>} : memref<128x64xf32, #tpu.memory_space<vmem>>, vector<1x16xf32>,
        %get3A_286 = vector.shape_cast %get3A_285 : vector<1x16xf32> to vector<16xf32>
        %get3A_287 = arith.index_cast %add3A_227 : i32 to index
        %get3A_288 = arith.constant 34 : index
        %get3A_289 = tpu.vector_load %arg19[%get3A_287, %get3A_288] {strides = array<i32>} : memref<128x64xf32, #tpu.memory_space<vmem>>, vector<1x16xf32>,
        %get3A_290 = vector.shape_cast %get3A_289 : vector<1x16xf32> to vector<16xf32>
        %add3A_291 = arith.addf %get3A_286, %get3A_290 : vector<16xf32>
        %get3A_292 = arith.index_cast %add3A_227 : i32 to index
        %get3A_293 = arith.constant 34 : index
        %get3A_294 = tpu.vector_load %arg20[%get3A_292, %get3A_293] {strides = array<i32>} : memref<128x64xf32, #tpu.memory_space<vmem>>, vector<1x16xf32>,
        %get3A_295 = vector.shape_cast %get3A_294 : vector<1x16xf32> to vector<16xf32>
        %add3A_296 = arith.addf %add3A_291, %get3A_295 : vector<16xf32>
        %swap3A_297 = arith.index_cast %scan3A_223 : i32 to index
        %swap3A_298 = arith.constant 34 : index
        %swap3A_299 = tpu.vector_load %arg24[%swap3A_297, %swap3A_298] {strides = array<i32>} : memref<64x128xf32, #tpu.memory_space<vmem>>, vector<1x16xf32>,
        %swap3A_300 = vector.shape_cast %swap3A_299 : vector<1x16xf32> to vector<16xf32>
        %swap3A_301 = vector.shape_cast %add3A_296 : vector<16xf32> to vector<1x16xf32>
        tpu.vector_store %arg24[%swap3A_297, %swap3A_298], %swap3A_301 {strides = array<i32>} : memref<64x128xf32, #tpu.memory_space<vmem>>, vector<1x16xf32>,
        %mul3A_302 = arith.constant 2 : i32
        %mul3A_303 = arith.muli %mul3A_302, %scan3A_223 : i32
        %add3A_304 = arith.constant 1 : i32
        %add3A_305 = arith.addi %mul3A_303, %add3A_304 : i32
        %get3A_306 = arith.index_cast %add3A_305 : i32 to index
        %get3A_307 = arith.constant 0 : index
        %get3A_308 = tpu.vector_load %arg18[%get3A_306, %get3A_307] {strides = array<i32>} : memref<128x64xf32, #tpu.memory_space<vmem>>, vector<1x16xf32>,
        %get3A_309 = vector.shape_cast %get3A_308 : vector<1x16xf32> to vector<16xf32>
        %get3A_310 = arith.index_cast %add3A_305 : i32 to index
        %get3A_311 = arith.constant 0 : index
        %get3A_312 = tpu.vector_load %arg19[%get3A_310, %get3A_311] {strides = array<i32>} : memref<128x64xf32, #tpu.memory_space<vmem>>, vector<1x16xf32>,
        %get3A_313 = vector.shape_cast %get3A_312 : vector<1x16xf32> to vector<16xf32>
        %add3A_314 = arith.addf %get3A_309, %get3A_313 : vector<16xf32>
        %get3A_315 = arith.index_cast %add3A_305 : i32 to index
        %get3A_316 = arith.constant 0 : index
        %get3A_317 = tpu.vector_load %arg20[%get3A_315, %get3A_316] {strides = array<i32>} : memref<128x64xf32, #tpu.memory_space<vmem>>, vector<1x16xf32>,
        %get3A_318 = vector.shape_cast %get3A_317 : vector<1x16xf32> to vector<16xf32>
        %add3A_319 = arith.addf %add3A_314, %get3A_318 : vector<16xf32>
        %swap3A_320 = arith.index_cast %scan3A_223 : i32 to index
        %swap3A_321 = arith.constant 64 : index
        %swap3A_322 = tpu.vector_load %arg24[%swap3A_320, %swap3A_321] {strides = array<i32>} : memref<64x128xf32, #tpu.memory_space<vmem>>, vector<1x16xf32>,
        %swap3A_323 = vector.shape_cast %swap3A_322 : vector<1x16xf32> to vector<16xf32>
        %swap3A_324 = vector.shape_cast %add3A_319 : vector<16xf32> to vector<1x16xf32>
        tpu.vector_store %arg24[%swap3A_320, %swap3A_321], %swap3A_324 {strides = array<i32>} : memref<64x128xf32, #tpu.memory_space<vmem>>, vector<1x16xf32>,
        %get3A_325 = arith.index_cast %add3A_305 : i32 to index
        %get3A_326 = arith.constant 16 : index
        %get3A_327 = tpu.vector_load %arg18[%get3A_325, %get3A_326] {strides = array<i32>} : memref<128x64xf32, #tpu.memory_space<vmem>>, vector<1x16xf32>,
        %get3A_328 = vector.shape_cast %get3A_327 : vector<1x16xf32> to vector<16xf32>
        %get3A_329 = arith.index_cast %add3A_305 : i32 to index
        %get3A_330 = arith.constant 16 : index
        %get3A_331 = tpu.vector_load %arg19[%get3A_329, %get3A_330] {strides = array<i32>} : memref<128x64xf32, #tpu.memory_space<vmem>>, vector<1x16xf32>,
        %get3A_332 = vector.shape_cast %get3A_331 : vector<1x16xf32> to vector<16xf32>
        %add3A_333 = arith.addf %get3A_328, %get3A_332 : vector<16xf32>
        %get3A_334 = arith.index_cast %add3A_305 : i32 to index
        %get3A_335 = arith.constant 16 : index
        %get3A_336 = tpu.vector_load %arg20[%get3A_334, %get3A_335] {strides = array<i32>} : memref<128x64xf32, #tpu.memory_space<vmem>>, vector<1x16xf32>,
        %get3A_337 = vector.shape_cast %get3A_336 : vector<1x16xf32> to vector<16xf32>
        %add3A_338 = arith.addf %add3A_333, %get3A_337 : vector<16xf32>
        %swap3A_339 = arith.index_cast %scan3A_223 : i32 to index
        %swap3A_340 = arith.constant 80 : index
        %swap3A_341 = tpu.vector_load %arg24[%swap3A_339, %swap3A_340] {strides = array<i32>} : memref<64x128xf32, #tpu.memory_space<vmem>>, vector<1x16xf32>,
        %swap3A_342 = vector.shape_cast %swap3A_341 : vector<1x16xf32> to vector<16xf32>
        %swap3A_343 = vector.shape_cast %add3A_338 : vector<16xf32> to vector<1x16xf32>
        tpu.vector_store %arg24[%swap3A_339, %swap3A_340], %swap3A_343 {strides = array<i32>} : memref<64x128xf32, #tpu.memory_space<vmem>>, vector<1x16xf32>,
        %get3A_344 = arith.index_cast %add3A_305 : i32 to index
        %get3A_345 = arith.constant 32 : index
        %get3A_346 = tpu.vector_load %arg18[%get3A_344, %get3A_345] {strides = array<i32>} : memref<128x64xf32, #tpu.memory_space<vmem>>, vector<1x16xf32>,
        %get3A_347 = vector.shape_cast %get3A_346 : vector<1x16xf32> to vector<16xf32>
        %get3A_348 = arith.index_cast %add3A_305 : i32 to index
        %get3A_349 = arith.constant 32 : index
        %get3A_350 = tpu.vector_load %arg19[%get3A_348, %get3A_349] {strides = array<i32>} : memref<128x64xf32, #tpu.memory_space<vmem>>, vector<1x16xf32>,
        %get3A_351 = vector.shape_cast %get3A_350 : vector<1x16xf32> to vector<16xf32>
        %add3A_352 = arith.addf %get3A_347, %get3A_351 : vector<16xf32>
        %get3A_353 = arith.index_cast %add3A_305 : i32 to index
        %get3A_354 = arith.constant 32 : index
        %get3A_355 = tpu.vector_load %arg20[%get3A_353, %get3A_354] {strides = array<i32>} : memref<128x64xf32, #tpu.memory_space<vmem>>, vector<1x16xf32>,
        %get3A_356 = vector.shape_cast %get3A_355 : vector<1x16xf32> to vector<16xf32>
        %add3A_357 = arith.addf %add3A_352, %get3A_356 : vector<16xf32>
        %swap3A_358 = arith.index_cast %scan3A_223 : i32 to index
        %swap3A_359 = arith.constant 96 : index
        %swap3A_360 = tpu.vector_load %arg24[%swap3A_358, %swap3A_359] {strides = array<i32>} : memref<64x128xf32, #tpu.memory_space<vmem>>, vector<1x16xf32>,
        %swap3A_361 = vector.shape_cast %swap3A_360 : vector<1x16xf32> to vector<16xf32>
        %swap3A_362 = vector.shape_cast %add3A_357 : vector<16xf32> to vector<1x16xf32>
        tpu.vector_store %arg24[%swap3A_358, %swap3A_359], %swap3A_362 {strides = array<i32>} : memref<64x128xf32, #tpu.memory_space<vmem>>, vector<1x16xf32>,
        %get3A_363 = arith.index_cast %add3A_305 : i32 to index
        %get3A_364 = arith.constant 34 : index
        %get3A_365 = tpu.vector_load %arg18[%get3A_363, %get3A_364] {strides = array<i32>} : memref<128x64xf32, #tpu.memory_space<vmem>>, vector<1x16xf32>,
        %get3A_366 = vector.shape_cast %get3A_365 : vector<1x16xf32> to vector<16xf32>
        %get3A_367 = arith.index_cast %add3A_305 : i32 to index
        %get3A_368 = arith.constant 34 : index
        %get3A_369 = tpu.vector_load %arg19[%get3A_367, %get3A_368] {strides = array<i32>} : memref<128x64xf32, #tpu.memory_space<vmem>>, vector<1x16xf32>,
        %get3A_370 = vector.shape_cast %get3A_369 : vector<1x16xf32> to vector<16xf32>
        %add3A_371 = arith.addf %get3A_366, %get3A_370 : vector<16xf32>
        %get3A_372 = arith.index_cast %add3A_305 : i32 to index
        %get3A_373 = arith.constant 34 : index
        %get3A_374 = tpu.vector_load %arg20[%get3A_372, %get3A_373] {strides = array<i32>} : memref<128x64xf32, #tpu.memory_space<vmem>>, vector<1x16xf32>,
        %get3A_375 = vector.shape_cast %get3A_374 : vector<1x16xf32> to vector<16xf32>
        %add3A_376 = arith.addf %add3A_371, %get3A_375 : vector<16xf32>
        %swap3A_377 = arith.index_cast %scan3A_223 : i32 to index
        %swap3A_378 = arith.constant 98 : index
        %swap3A_379 = tpu.vector_load %arg24[%swap3A_377, %swap3A_378] {strides = array<i32>} : memref<64x128xf32, #tpu.memory_space<vmem>>, vector<1x16xf32>,
        %swap3A_380 = vector.shape_cast %swap3A_379 : vector<1x16xf32> to vector<16xf32>
        %swap3A_381 = vector.shape_cast %add3A_376 : vector<16xf32> to vector<1x16xf32>
        tpu.vector_store %arg24[%swap3A_377, %swap3A_378], %swap3A_381 {strides = array<i32>} : memref<64x128xf32, #tpu.memory_space<vmem>>, vector<1x16xf32>,
      }
      %scan3A_91 = arith.constant 64 : i32
      %jit3A = arith.constant 64 : i32
      %div3A = arith.divsi %add3A_52, %jit3A : i32
      %sign3A = arith.constant 0 : i32
      %sign3A_92 = arith.cmpi sgt, %add3A_52, %sign3A : i32
      %sign3A_93 = arith.extui %sign3A_92 : i1 to i32
      %sign3A_94 = arith.constant 0 : i32
      %sign3A_95 = arith.cmpi slt, %add3A_52, %sign3A_94 : i32
      %sign3A_96 = arith.extui %sign3A_95 : i1 to i32
      %sign3A_97 = arith.subi %sign3A_93, %sign3A_96 : i32
      %sign3A_98 = arith.constant 0 : i32
      %sign3A_99 = arith.cmpi sgt, %jit3A, %sign3A_98 : i32
      %sign3A_100 = arith.extui %sign3A_99 : i1 to i32
      %sign3A_101 = arith.constant 0 : i32
      %sign3A_102 = arith.cmpi slt, %jit3A, %sign3A_101 : i32
      %sign3A_103 = arith.extui %sign3A_102 : i1 to i32
      %sign3A_104 = arith.subi %sign3A_100, %sign3A_103 : i32
      %ne3A = arith.cmpi ne, %sign3A_97, %sign3A_104 : i32
      %rem3A = arith.remsi %add3A_52, %jit3A : i32
      %ne3A_105 = arith.constant 0 : i32
      %ne3A_106 = arith.cmpi ne, %rem3A, %ne3A_105 : i32
      %and3A = arith.andi %ne3A, %ne3A_106 : i1
      %sub3A = arith.constant 1 : i32
      %sub3A_107 = arith.subi %div3A, %sub3A : i32
      %select_n3A = arith.select %and3A, %sub3A_107, %div3A : i32
      %jit3A_108 = arith.constant 64 : i32
      %eq3A = arith.constant 0 : i32
      %eq3A_109 = arith.cmpi eq, %jit3A_108, %eq3A : i32
      %jit3A_110 = arith.constant 1 : i32
      %select_n3A_111 = arith.select %eq3A_109, %jit3A_110, %jit3A_108 : i32
      %rem3A_112 = arith.remsi %add3A_52, %select_n3A_111 : i32
      %ne3A_113 = arith.constant 0 : i32
      %ne3A_114 = arith.cmpi ne, %rem3A_112, %ne3A_113 : i32
      %lt3A = arith.constant 0 : i32
      %lt3A_115 = arith.cmpi slt, %rem3A_112, %lt3A : i32
      %lt3A_116 = arith.constant 0 : i32
      %lt3A_117 = arith.cmpi slt, %select_n3A_111, %lt3A_116 : i32
      %ne3A_118 = arith.xori %lt3A_115, %lt3A_117 : i1
      %and3A_119 = arith.andi %ne3A_118, %ne3A_114 : i1
      %add3A_120 = arith.addi %rem3A_112, %select_n3A_111 : i32
      %select_n3A_121 = arith.select %and3A_119, %add3A_120, %rem3A_112 : i32
      %mul3A_122 = arith.constant 64 : i32
      %mul3A_123 = arith.muli %select_n3A_121, %mul3A_122 : i32
      %dma_start3A_124 = arith.constant 0 : i32
      %dma_start3A_125 = tpu.memref_slice %arg9[%select_n3A, %mul3A_123, %dma_start3A_124] : memref<5x4096x128xf32, #tpu.memory_space<hbm>> -> memref<1x64x128xf32, #tpu.memory_space<hbm>>
      %dma_start3A_126 = tpu.memref_squeeze %dma_start3A_125 : memref<1x64x128xf32, #tpu.memory_space<hbm>> -> memref<64x128xf32, #tpu.memory_space<hbm>>
      %dma_start3A_127 = arith.constant 0 : i32
      %dma_start3A_128 = tpu.memref_slice %arg9[%select_n3A, %mul3A_123, %dma_start3A_127] : memref<5x4096x128xf32, #tpu.memory_space<hbm>> -> memref<1x64x128xf32, #tpu.memory_space<hbm>>
      %dma_start3A_129 = tpu.memref_squeeze %dma_start3A_128 : memref<1x64x128xf32, #tpu.memory_space<hbm>> -> memref<64x128xf32, #tpu.memory_space<hbm>>
      tpu.enqueue_dma source(%arg24 : memref<64x128xf32, #tpu.memory_space<vmem>>) target(%dma_start3A_129 : memref<64x128xf32, #tpu.memory_space<hbm>>) target_semaphore(%arg30 : memref<!tpu.dma_semaphore, #tpu.memory_space<semaphore_mem>>)
      %dma_wait3A_130 = arith.constant 0 : i32
      %dma_wait3A_131 = tpu.memref_slice %arg4[%dma_wait3A_130] : memref<100000xi32, #tpu.memory_space<hbm>> -> memref<100000xi32, #tpu.memory_space<hbm>>
      tpu.wait_indirect_dma semaphore(%arg27 : memref<!tpu.dma_semaphore, #tpu.memory_space<semaphore_mem>>) src(%dma_wait3A_131 : memref<100000xi32, #tpu.memory_space<hbm>>) dst(%arg15 : memref<128xi32, #tpu.memory_space<vmem>>)
      %dma_wait3A_132 = arith.constant 0 : i32
      %dma_wait3A_133 = tpu.memref_slice %arg5[%dma_wait3A_132] : memref<100000xi32, #tpu.memory_space<hbm>> -> memref<100000xi32, #tpu.memory_space<hbm>>
      tpu.wait_indirect_dma semaphore(%arg27 : memref<!tpu.dma_semaphore, #tpu.memory_space<semaphore_mem>>) src(%dma_wait3A_133 : memref<100000xi32, #tpu.memory_space<hbm>>) dst(%arg17 : memref<128xi32, #tpu.memory_space<vmem>>)
      %dma_start3A_134 = arith.constant 0 : i32
      %dma_start3A_135 = arith.constant 0 : i32
      %dma_start3A_136 = tpu.memref_slice %arg6[%dma_start3A_134, %dma_start3A_135] : memref<100000x64xf32, #tpu.memory_space<hbm>> -> memref<100000x64xf32, #tpu.memory_space<hbm>>
      tpu.enqueue_indirect_dma source(%dma_start3A_136 : memref<100000x64xf32, #tpu.memory_space<hbm>>) target(%arg21 : memref<128x64xf32, #tpu.memory_space<vmem>>) offsets(%arg13 : memref<128xi32, #tpu.memory_space<vmem>>) semaphore(%arg29 : memref<!tpu.dma_semaphore, #tpu.memory_space<semaphore_mem>>)
      %dma_start3A_137 = arith.constant 0 : i32
      %dma_start3A_138 = arith.constant 0 : i32
      %dma_start3A_139 = tpu.memref_slice %arg7[%dma_start3A_137, %dma_start3A_138] : memref<8000x64xf32, #tpu.memory_space<hbm>> -> memref<8000x64xf32, #tpu.memory_space<hbm>>
      tpu.enqueue_indirect_dma source(%dma_start3A_139 : memref<8000x64xf32, #tpu.memory_space<hbm>>) target(%arg22 : memref<128x64xf32, #tpu.memory_space<vmem>>) offsets(%arg15 : memref<128xi32, #tpu.memory_space<vmem>>) semaphore(%arg29 : memref<!tpu.dma_semaphore, #tpu.memory_space<semaphore_mem>>)
      %dma_start3A_140 = arith.constant 0 : i32
      %dma_start3A_141 = arith.constant 0 : i32
      %dma_start3A_142 = tpu.memref_slice %arg8[%dma_start3A_140, %dma_start3A_141] : memref<8000x64xf32, #tpu.memory_space<hbm>> -> memref<8000x64xf32, #tpu.memory_space<hbm>>
      tpu.enqueue_indirect_dma source(%dma_start3A_142 : memref<8000x64xf32, #tpu.memory_space<hbm>>) target(%arg23 : memref<128x64xf32, #tpu.memory_space<vmem>>) offsets(%arg17 : memref<128xi32, #tpu.memory_space<vmem>>) semaphore(%arg29 : memref<!tpu.dma_semaphore, #tpu.memory_space<semaphore_mem>>)
      %mul3A_143 = arith.constant 128 : i32
      %mul3A_144 = arith.muli %min3A_57, %mul3A_143 : i32
      "tpu.region"() ({
        %run_scoped3A = tpu.sem_alloc : memref<!tpu.dma_semaphore, #tpu.memory_space<semaphore_mem>>
        %dma_start3A_223 = tpu.memref_slice %arg2[%mul3A_144] : memref<40960xi32, #tpu.memory_space<hbm>> -> memref<128xi32, #tpu.memory_space<hbm>>
        %dma_start3A_224 = tpu.memref_slice %arg2[%mul3A_144] : memref<40960xi32, #tpu.memory_space<hbm>> -> memref<128xi32, #tpu.memory_space<hbm>>
        tpu.enqueue_dma source(%dma_start3A_224 : memref<128xi32, #tpu.memory_space<hbm>>) target(%arg10 : memref<128xi32, #tpu.memory_space<vmem>>) target_semaphore(%run_scoped3A : memref<!tpu.dma_semaphore, #tpu.memory_space<semaphore_mem>>)
        %dma_wait3A_225 = tpu.memref_slice %arg2[%mul3A_144] : memref<40960xi32, #tpu.memory_space<hbm>> -> memref<128xi32, #tpu.memory_space<hbm>>
        %dma_wait3A_226 = tpu.memref_slice %arg2[%mul3A_144] : memref<40960xi32, #tpu.memory_space<hbm>> -> memref<128xi32, #tpu.memory_space<hbm>>
        tpu.wait_dma2 semaphore(%run_scoped3A : memref<!tpu.dma_semaphore, #tpu.memory_space<semaphore_mem>>) src(%dma_wait3A_226 : memref<128xi32, #tpu.memory_space<hbm>>) dst(%arg10 : memref<128xi32, #tpu.memory_space<vmem>>)
        tpu.yield
      }) : () -> ()
      %mul3A_145 = arith.constant 128 : i32
      %mul3A_146 = arith.muli %min3A_57, %mul3A_145 : i32
      "tpu.region"() ({
        %run_scoped3A = tpu.sem_alloc : memref<!tpu.dma_semaphore, #tpu.memory_space<semaphore_mem>>
        %dma_start3A_223 = tpu.memref_slice %arg3[%mul3A_146] : memref<40960xi32, #tpu.memory_space<hbm>> -> memref<128xi32, #tpu.memory_space<hbm>>
        %dma_start3A_224 = tpu.memref_slice %arg3[%mul3A_146] : memref<40960xi32, #tpu.memory_space<hbm>> -> memref<128xi32, #tpu.memory_space<hbm>>
        tpu.enqueue_dma source(%dma_start3A_224 : memref<128xi32, #tpu.memory_space<hbm>>) target(%arg12 : memref<128xi32, #tpu.memory_space<vmem>>) target_semaphore(%run_scoped3A : memref<!tpu.dma_semaphore, #tpu.memory_space<semaphore_mem>>)
        %dma_wait3A_225 = tpu.memref_slice %arg3[%mul3A_146] : memref<40960xi32, #tpu.memory_space<hbm>> -> memref<128xi32, #tpu.memory_space<hbm>>
        %dma_wait3A_226 = tpu.memref_slice %arg3[%mul3A_146] : memref<40960xi32, #tpu.memory_space<hbm>> -> memref<128xi32, #tpu.memory_space<hbm>>
        tpu.wait_dma2 semaphore(%run_scoped3A : memref<!tpu.dma_semaphore, #tpu.memory_space<semaphore_mem>>) src(%dma_wait3A_226 : memref<128xi32, #tpu.memory_space<hbm>>) dst(%arg12 : memref<128xi32, #tpu.memory_space<vmem>>)
        tpu.yield
      }) : () -> ()
      %dma_start3A_147 = arith.constant 0 : i32
      %dma_start3A_148 = tpu.memref_slice %arg4[%dma_start3A_147] : memref<100000xi32, #tpu.memory_space<hbm>> -> memref<100000xi32, #tpu.memory_space<hbm>>
      tpu.enqueue_indirect_dma source(%dma_start3A_148 : memref<100000xi32, #tpu.memory_space<hbm>>) target(%arg14 : memref<128xi32, #tpu.memory_space<vmem>>) offsets(%arg10 : memref<128xi32, #tpu.memory_space<vmem>>) semaphore(%arg26 : memref<!tpu.dma_semaphore, #tpu.memory_space<semaphore_mem>>)
      %dma_start3A_149 = arith.constant 0 : i32
      %dma_start3A_150 = tpu.memref_slice %arg5[%dma_start3A_149] : memref<100000xi32, #tpu.memory_space<hbm>> -> memref<100000xi32, #tpu.memory_space<hbm>>
      tpu.enqueue_indirect_dma source(%dma_start3A_150 : memref<100000xi32, #tpu.memory_space<hbm>>) target(%arg16 : memref<128xi32, #tpu.memory_space<vmem>>) offsets(%arg10 : memref<128xi32, #tpu.memory_space<vmem>>) semaphore(%arg26 : memref<!tpu.dma_semaphore, #tpu.memory_space<semaphore_mem>>)
      %gt3A_151 = arith.constant 0 : i32
      %gt3A_152 = arith.cmpi sgt, %scan3A_49, %gt3A_151 : i32
      %convert_element_type3A_153 = arith.extui %gt3A_152 : i1 to i32
      %cond3A_154 = arith.constant 0 : i32
      %cond3A_155 = arith.cmpi ne, %convert_element_type3A_153, %cond3A_154 : i32
      scf.if %cond3A_155 {
        %dma_wait3A_223 = arith.constant 0 : i32
        %dma_wait3A_224 = arith.constant 0 : i32
        %dma_wait3A_225 = arith.constant 0 : i32
        %dma_wait3A_226 = tpu.memref_slice %arg9[%dma_wait3A_223, %dma_wait3A_224, %dma_wait3A_225] : memref<5x4096x128xf32, #tpu.memory_space<hbm>> -> memref<1x64x128xf32, #tpu.memory_space<hbm>>
        %dma_wait3A_227 = tpu.memref_squeeze %dma_wait3A_226 : memref<1x64x128xf32, #tpu.memory_space<hbm>> -> memref<64x128xf32, #tpu.memory_space<hbm>>
        %dma_wait3A_228 = arith.constant 0 : i32
        %dma_wait3A_229 = arith.constant 0 : i32
        %dma_wait3A_230 = tpu.memref_slice %arg9[%dma_wait3A_223, %dma_wait3A_228, %dma_wait3A_229] : memref<5x4096x128xf32, #tpu.memory_space<hbm>> -> memref<1x64x128xf32, #tpu.memory_space<hbm>>
        %dma_wait3A_231 = tpu.memref_squeeze %dma_wait3A_230 : memref<1x64x128xf32, #tpu.memory_space<hbm>> -> memref<64x128xf32, #tpu.memory_space<hbm>>
        tpu.wait_dma2 semaphore(%arg31 : memref<!tpu.dma_semaphore, #tpu.memory_space<semaphore_mem>>) src(%arg25 : memref<64x128xf32, #tpu.memory_space<vmem>>) dst(%dma_wait3A_231 : memref<64x128xf32, #tpu.memory_space<hbm>>)
      } else {
      }
      %dma_wait3A_156 = arith.constant 0 : i32
      %dma_wait3A_157 = arith.constant 0 : i32
      %dma_wait3A_158 = tpu.memref_slice %arg6[%dma_wait3A_156, %dma_wait3A_157] : memref<100000x64xf32, #tpu.memory_space<hbm>> -> memref<100000x64xf32, #tpu.memory_space<hbm>>
      tpu.wait_indirect_dma semaphore(%arg29 : memref<!tpu.dma_semaphore, #tpu.memory_space<semaphore_mem>>) src(%dma_wait3A_158 : memref<100000x64xf32, #tpu.memory_space<hbm>>) dst(%arg21 : memref<128x64xf32, #tpu.memory_space<vmem>>)
      %dma_wait3A_159 = arith.constant 0 : i32
      %dma_wait3A_160 = arith.constant 0 : i32
      %dma_wait3A_161 = tpu.memref_slice %arg7[%dma_wait3A_159, %dma_wait3A_160] : memref<8000x64xf32, #tpu.memory_space<hbm>> -> memref<8000x64xf32, #tpu.memory_space<hbm>>
      tpu.wait_indirect_dma semaphore(%arg29 : memref<!tpu.dma_semaphore, #tpu.memory_space<semaphore_mem>>) src(%dma_wait3A_161 : memref<8000x64xf32, #tpu.memory_space<hbm>>) dst(%arg22 : memref<128x64xf32, #tpu.memory_space<vmem>>)
      %dma_wait3A_162 = arith.constant 0 : i32
      %dma_wait3A_163 = arith.constant 0 : i32
      %dma_wait3A_164 = tpu.memref_slice %arg8[%dma_wait3A_162, %dma_wait3A_163] : memref<8000x64xf32, #tpu.memory_space<hbm>> -> memref<8000x64xf32, #tpu.memory_space<hbm>>
      tpu.wait_indirect_dma semaphore(%arg29 : memref<!tpu.dma_semaphore, #tpu.memory_space<semaphore_mem>>) src(%dma_wait3A_164 : memref<8000x64xf32, #tpu.memory_space<hbm>>) dst(%arg23 : memref<128x64xf32, #tpu.memory_space<vmem>>)
      %scan3A_165 = arith.constant 0 : i32
      %scan3A_166 = arith.constant 0 : i32
      %scan3A_167 = arith.constant 64 : i32
      %scan3A_168 = arith.addi %scan3A_166, %scan3A_167 : i32
      %scan3A_169 = arith.constant 1 : i32
      scf.for %scan3A_223 = %scan3A_166 to %scan3A_168 step %scan3A_169  : i32 {
        %mul3A_224 = arith.constant 2 : i32
        %mul3A_225 = arith.muli %mul3A_224, %scan3A_223 : i32
        %add3A_226 = arith.constant 0 : i32
        %add3A_227 = arith.addi %mul3A_225, %add3A_226 : i32
        %get3A = arith.index_cast %add3A_227 : i32 to index
        %get3A_228 = arith.constant 0 : index
        %get3A_229 = tpu.vector_load %arg21[%get3A, %get3A_228] {strides = array<i32>} : memref<128x64xf32, #tpu.memory_space<vmem>>, vector<1x16xf32>,
        %get3A_230 = vector.shape_cast %get3A_229 : vector<1x16xf32> to vector<16xf32>
        %get3A_231 = arith.index_cast %add3A_227 : i32 to index
        %get3A_232 = arith.constant 0 : index
        %get3A_233 = tpu.vector_load %arg22[%get3A_231, %get3A_232] {strides = array<i32>} : memref<128x64xf32, #tpu.memory_space<vmem>>, vector<1x16xf32>,
        %get3A_234 = vector.shape_cast %get3A_233 : vector<1x16xf32> to vector<16xf32>
        %add3A_235 = arith.addf %get3A_230, %get3A_234 : vector<16xf32>
        %get3A_236 = arith.index_cast %add3A_227 : i32 to index
        %get3A_237 = arith.constant 0 : index
        %get3A_238 = tpu.vector_load %arg23[%get3A_236, %get3A_237] {strides = array<i32>} : memref<128x64xf32, #tpu.memory_space<vmem>>, vector<1x16xf32>,
        %get3A_239 = vector.shape_cast %get3A_238 : vector<1x16xf32> to vector<16xf32>
        %add3A_240 = arith.addf %add3A_235, %get3A_239 : vector<16xf32>
        %swap3A = arith.index_cast %scan3A_223 : i32 to index
        %swap3A_241 = arith.constant 0 : index
        %swap3A_242 = tpu.vector_load %arg25[%swap3A, %swap3A_241] {strides = array<i32>} : memref<64x128xf32, #tpu.memory_space<vmem>>, vector<1x16xf32>,
        %swap3A_243 = vector.shape_cast %swap3A_242 : vector<1x16xf32> to vector<16xf32>
        %swap3A_244 = vector.shape_cast %add3A_240 : vector<16xf32> to vector<1x16xf32>
        tpu.vector_store %arg25[%swap3A, %swap3A_241], %swap3A_244 {strides = array<i32>} : memref<64x128xf32, #tpu.memory_space<vmem>>, vector<1x16xf32>,
        %get3A_245 = arith.index_cast %add3A_227 : i32 to index
        %get3A_246 = arith.constant 16 : index
        %get3A_247 = tpu.vector_load %arg21[%get3A_245, %get3A_246] {strides = array<i32>} : memref<128x64xf32, #tpu.memory_space<vmem>>, vector<1x16xf32>,
        %get3A_248 = vector.shape_cast %get3A_247 : vector<1x16xf32> to vector<16xf32>
        %get3A_249 = arith.index_cast %add3A_227 : i32 to index
        %get3A_250 = arith.constant 16 : index
        %get3A_251 = tpu.vector_load %arg22[%get3A_249, %get3A_250] {strides = array<i32>} : memref<128x64xf32, #tpu.memory_space<vmem>>, vector<1x16xf32>,
        %get3A_252 = vector.shape_cast %get3A_251 : vector<1x16xf32> to vector<16xf32>
        %add3A_253 = arith.addf %get3A_248, %get3A_252 : vector<16xf32>
        %get3A_254 = arith.index_cast %add3A_227 : i32 to index
        %get3A_255 = arith.constant 16 : index
        %get3A_256 = tpu.vector_load %arg23[%get3A_254, %get3A_255] {strides = array<i32>} : memref<128x64xf32, #tpu.memory_space<vmem>>, vector<1x16xf32>,
        %get3A_257 = vector.shape_cast %get3A_256 : vector<1x16xf32> to vector<16xf32>
        %add3A_258 = arith.addf %add3A_253, %get3A_257 : vector<16xf32>
        %swap3A_259 = arith.index_cast %scan3A_223 : i32 to index
        %swap3A_260 = arith.constant 16 : index
        %swap3A_261 = tpu.vector_load %arg25[%swap3A_259, %swap3A_260] {strides = array<i32>} : memref<64x128xf32, #tpu.memory_space<vmem>>, vector<1x16xf32>,
        %swap3A_262 = vector.shape_cast %swap3A_261 : vector<1x16xf32> to vector<16xf32>
        %swap3A_263 = vector.shape_cast %add3A_258 : vector<16xf32> to vector<1x16xf32>
        tpu.vector_store %arg25[%swap3A_259, %swap3A_260], %swap3A_263 {strides = array<i32>} : memref<64x128xf32, #tpu.memory_space<vmem>>, vector<1x16xf32>,
        %get3A_264 = arith.index_cast %add3A_227 : i32 to index
        %get3A_265 = arith.constant 32 : index
        %get3A_266 = tpu.vector_load %arg21[%get3A_264, %get3A_265] {strides = array<i32>} : memref<128x64xf32, #tpu.memory_space<vmem>>, vector<1x16xf32>,
        %get3A_267 = vector.shape_cast %get3A_266 : vector<1x16xf32> to vector<16xf32>
        %get3A_268 = arith.index_cast %add3A_227 : i32 to index
        %get3A_269 = arith.constant 32 : index
        %get3A_270 = tpu.vector_load %arg22[%get3A_268, %get3A_269] {strides = array<i32>} : memref<128x64xf32, #tpu.memory_space<vmem>>, vector<1x16xf32>,
        %get3A_271 = vector.shape_cast %get3A_270 : vector<1x16xf32> to vector<16xf32>
        %add3A_272 = arith.addf %get3A_267, %get3A_271 : vector<16xf32>
        %get3A_273 = arith.index_cast %add3A_227 : i32 to index
        %get3A_274 = arith.constant 32 : index
        %get3A_275 = tpu.vector_load %arg23[%get3A_273, %get3A_274] {strides = array<i32>} : memref<128x64xf32, #tpu.memory_space<vmem>>, vector<1x16xf32>,
        %get3A_276 = vector.shape_cast %get3A_275 : vector<1x16xf32> to vector<16xf32>
        %add3A_277 = arith.addf %add3A_272, %get3A_276 : vector<16xf32>
        %swap3A_278 = arith.index_cast %scan3A_223 : i32 to index
        %swap3A_279 = arith.constant 32 : index
        %swap3A_280 = tpu.vector_load %arg25[%swap3A_278, %swap3A_279] {strides = array<i32>} : memref<64x128xf32, #tpu.memory_space<vmem>>, vector<1x16xf32>,
        %swap3A_281 = vector.shape_cast %swap3A_280 : vector<1x16xf32> to vector<16xf32>
        %swap3A_282 = vector.shape_cast %add3A_277 : vector<16xf32> to vector<1x16xf32>
        tpu.vector_store %arg25[%swap3A_278, %swap3A_279], %swap3A_282 {strides = array<i32>} : memref<64x128xf32, #tpu.memory_space<vmem>>, vector<1x16xf32>,
        %get3A_283 = arith.index_cast %add3A_227 : i32 to index
        %get3A_284 = arith.constant 34 : index
        %get3A_285 = tpu.vector_load %arg21[%get3A_283, %get3A_284] {strides = array<i32>} : memref<128x64xf32, #tpu.memory_space<vmem>>, vector<1x16xf32>,
        %get3A_286 = vector.shape_cast %get3A_285 : vector<1x16xf32> to vector<16xf32>
        %get3A_287 = arith.index_cast %add3A_227 : i32 to index
        %get3A_288 = arith.constant 34 : index
        %get3A_289 = tpu.vector_load %arg22[%get3A_287, %get3A_288] {strides = array<i32>} : memref<128x64xf32, #tpu.memory_space<vmem>>, vector<1x16xf32>,
        %get3A_290 = vector.shape_cast %get3A_289 : vector<1x16xf32> to vector<16xf32>
        %add3A_291 = arith.addf %get3A_286, %get3A_290 : vector<16xf32>
        %get3A_292 = arith.index_cast %add3A_227 : i32 to index
        %get3A_293 = arith.constant 34 : index
        %get3A_294 = tpu.vector_load %arg23[%get3A_292, %get3A_293] {strides = array<i32>} : memref<128x64xf32, #tpu.memory_space<vmem>>, vector<1x16xf32>,
        %get3A_295 = vector.shape_cast %get3A_294 : vector<1x16xf32> to vector<16xf32>
        %add3A_296 = arith.addf %add3A_291, %get3A_295 : vector<16xf32>
        %swap3A_297 = arith.index_cast %scan3A_223 : i32 to index
        %swap3A_298 = arith.constant 34 : index
        %swap3A_299 = tpu.vector_load %arg25[%swap3A_297, %swap3A_298] {strides = array<i32>} : memref<64x128xf32, #tpu.memory_space<vmem>>, vector<1x16xf32>,
        %swap3A_300 = vector.shape_cast %swap3A_299 : vector<1x16xf32> to vector<16xf32>
        %swap3A_301 = vector.shape_cast %add3A_296 : vector<16xf32> to vector<1x16xf32>
        tpu.vector_store %arg25[%swap3A_297, %swap3A_298], %swap3A_301 {strides = array<i32>} : memref<64x128xf32, #tpu.memory_space<vmem>>, vector<1x16xf32>,
        %mul3A_302 = arith.constant 2 : i32
        %mul3A_303 = arith.muli %mul3A_302, %scan3A_223 : i32
        %add3A_304 = arith.constant 1 : i32
        %add3A_305 = arith.addi %mul3A_303, %add3A_304 : i32
        %get3A_306 = arith.index_cast %add3A_305 : i32 to index
        %get3A_307 = arith.constant 0 : index
        %get3A_308 = tpu.vector_load %arg21[%get3A_306, %get3A_307] {strides = array<i32>} : memref<128x64xf32, #tpu.memory_space<vmem>>, vector<1x16xf32>,
        %get3A_309 = vector.shape_cast %get3A_308 : vector<1x16xf32> to vector<16xf32>
        %get3A_310 = arith.index_cast %add3A_305 : i32 to index
        %get3A_311 = arith.constant 0 : index
        %get3A_312 = tpu.vector_load %arg22[%get3A_310, %get3A_311] {strides = array<i32>} : memref<128x64xf32, #tpu.memory_space<vmem>>, vector<1x16xf32>,
        %get3A_313 = vector.shape_cast %get3A_312 : vector<1x16xf32> to vector<16xf32>
        %add3A_314 = arith.addf %get3A_309, %get3A_313 : vector<16xf32>
        %get3A_315 = arith.index_cast %add3A_305 : i32 to index
        %get3A_316 = arith.constant 0 : index
        %get3A_317 = tpu.vector_load %arg23[%get3A_315, %get3A_316] {strides = array<i32>} : memref<128x64xf32, #tpu.memory_space<vmem>>, vector<1x16xf32>,
        %get3A_318 = vector.shape_cast %get3A_317 : vector<1x16xf32> to vector<16xf32>
        %add3A_319 = arith.addf %add3A_314, %get3A_318 : vector<16xf32>
        %swap3A_320 = arith.index_cast %scan3A_223 : i32 to index
        %swap3A_321 = arith.constant 64 : index
        %swap3A_322 = tpu.vector_load %arg25[%swap3A_320, %swap3A_321] {strides = array<i32>} : memref<64x128xf32, #tpu.memory_space<vmem>>, vector<1x16xf32>,
        %swap3A_323 = vector.shape_cast %swap3A_322 : vector<1x16xf32> to vector<16xf32>
        %swap3A_324 = vector.shape_cast %add3A_319 : vector<16xf32> to vector<1x16xf32>
        tpu.vector_store %arg25[%swap3A_320, %swap3A_321], %swap3A_324 {strides = array<i32>} : memref<64x128xf32, #tpu.memory_space<vmem>>, vector<1x16xf32>,
        %get3A_325 = arith.index_cast %add3A_305 : i32 to index
        %get3A_326 = arith.constant 16 : index
        %get3A_327 = tpu.vector_load %arg21[%get3A_325, %get3A_326] {strides = array<i32>} : memref<128x64xf32, #tpu.memory_space<vmem>>, vector<1x16xf32>,
        %get3A_328 = vector.shape_cast %get3A_327 : vector<1x16xf32> to vector<16xf32>
        %get3A_329 = arith.index_cast %add3A_305 : i32 to index
        %get3A_330 = arith.constant 16 : index
        %get3A_331 = tpu.vector_load %arg22[%get3A_329, %get3A_330] {strides = array<i32>} : memref<128x64xf32, #tpu.memory_space<vmem>>, vector<1x16xf32>,
        %get3A_332 = vector.shape_cast %get3A_331 : vector<1x16xf32> to vector<16xf32>
        %add3A_333 = arith.addf %get3A_328, %get3A_332 : vector<16xf32>
        %get3A_334 = arith.index_cast %add3A_305 : i32 to index
        %get3A_335 = arith.constant 16 : index
        %get3A_336 = tpu.vector_load %arg23[%get3A_334, %get3A_335] {strides = array<i32>} : memref<128x64xf32, #tpu.memory_space<vmem>>, vector<1x16xf32>,
        %get3A_337 = vector.shape_cast %get3A_336 : vector<1x16xf32> to vector<16xf32>
        %add3A_338 = arith.addf %add3A_333, %get3A_337 : vector<16xf32>
        %swap3A_339 = arith.index_cast %scan3A_223 : i32 to index
        %swap3A_340 = arith.constant 80 : index
        %swap3A_341 = tpu.vector_load %arg25[%swap3A_339, %swap3A_340] {strides = array<i32>} : memref<64x128xf32, #tpu.memory_space<vmem>>, vector<1x16xf32>,
        %swap3A_342 = vector.shape_cast %swap3A_341 : vector<1x16xf32> to vector<16xf32>
        %swap3A_343 = vector.shape_cast %add3A_338 : vector<16xf32> to vector<1x16xf32>
        tpu.vector_store %arg25[%swap3A_339, %swap3A_340], %swap3A_343 {strides = array<i32>} : memref<64x128xf32, #tpu.memory_space<vmem>>, vector<1x16xf32>,
        %get3A_344 = arith.index_cast %add3A_305 : i32 to index
        %get3A_345 = arith.constant 32 : index
        %get3A_346 = tpu.vector_load %arg21[%get3A_344, %get3A_345] {strides = array<i32>} : memref<128x64xf32, #tpu.memory_space<vmem>>, vector<1x16xf32>,
        %get3A_347 = vector.shape_cast %get3A_346 : vector<1x16xf32> to vector<16xf32>
        %get3A_348 = arith.index_cast %add3A_305 : i32 to index
        %get3A_349 = arith.constant 32 : index
        %get3A_350 = tpu.vector_load %arg22[%get3A_348, %get3A_349] {strides = array<i32>} : memref<128x64xf32, #tpu.memory_space<vmem>>, vector<1x16xf32>,
        %get3A_351 = vector.shape_cast %get3A_350 : vector<1x16xf32> to vector<16xf32>
        %add3A_352 = arith.addf %get3A_347, %get3A_351 : vector<16xf32>
        %get3A_353 = arith.index_cast %add3A_305 : i32 to index
        %get3A_354 = arith.constant 32 : index
        %get3A_355 = tpu.vector_load %arg23[%get3A_353, %get3A_354] {strides = array<i32>} : memref<128x64xf32, #tpu.memory_space<vmem>>, vector<1x16xf32>,
        %get3A_356 = vector.shape_cast %get3A_355 : vector<1x16xf32> to vector<16xf32>
        %add3A_357 = arith.addf %add3A_352, %get3A_356 : vector<16xf32>
        %swap3A_358 = arith.index_cast %scan3A_223 : i32 to index
        %swap3A_359 = arith.constant 96 : index
        %swap3A_360 = tpu.vector_load %arg25[%swap3A_358, %swap3A_359] {strides = array<i32>} : memref<64x128xf32, #tpu.memory_space<vmem>>, vector<1x16xf32>,
        %swap3A_361 = vector.shape_cast %swap3A_360 : vector<1x16xf32> to vector<16xf32>
        %swap3A_362 = vector.shape_cast %add3A_357 : vector<16xf32> to vector<1x16xf32>
        tpu.vector_store %arg25[%swap3A_358, %swap3A_359], %swap3A_362 {strides = array<i32>} : memref<64x128xf32, #tpu.memory_space<vmem>>, vector<1x16xf32>,
        %get3A_363 = arith.index_cast %add3A_305 : i32 to index
        %get3A_364 = arith.constant 34 : index
        %get3A_365 = tpu.vector_load %arg21[%get3A_363, %get3A_364] {strides = array<i32>} : memref<128x64xf32, #tpu.memory_space<vmem>>, vector<1x16xf32>,
        %get3A_366 = vector.shape_cast %get3A_365 : vector<1x16xf32> to vector<16xf32>
        %get3A_367 = arith.index_cast %add3A_305 : i32 to index
        %get3A_368 = arith.constant 34 : index
        %get3A_369 = tpu.vector_load %arg22[%get3A_367, %get3A_368] {strides = array<i32>} : memref<128x64xf32, #tpu.memory_space<vmem>>, vector<1x16xf32>,
        %get3A_370 = vector.shape_cast %get3A_369 : vector<1x16xf32> to vector<16xf32>
        %add3A_371 = arith.addf %get3A_366, %get3A_370 : vector<16xf32>
        %get3A_372 = arith.index_cast %add3A_305 : i32 to index
        %get3A_373 = arith.constant 34 : index
        %get3A_374 = tpu.vector_load %arg23[%get3A_372, %get3A_373] {strides = array<i32>} : memref<128x64xf32, #tpu.memory_space<vmem>>, vector<1x16xf32>,
        %get3A_375 = vector.shape_cast %get3A_374 : vector<1x16xf32> to vector<16xf32>
        %add3A_376 = arith.addf %add3A_371, %get3A_375 : vector<16xf32>
        %swap3A_377 = arith.index_cast %scan3A_223 : i32 to index
        %swap3A_378 = arith.constant 98 : index
        %swap3A_379 = tpu.vector_load %arg25[%swap3A_377, %swap3A_378] {strides = array<i32>} : memref<64x128xf32, #tpu.memory_space<vmem>>, vector<1x16xf32>,
        %swap3A_380 = vector.shape_cast %swap3A_379 : vector<1x16xf32> to vector<16xf32>
        %swap3A_381 = vector.shape_cast %add3A_376 : vector<16xf32> to vector<1x16xf32>
        tpu.vector_store %arg25[%swap3A_377, %swap3A_378], %swap3A_381 {strides = array<i32>} : memref<64x128xf32, #tpu.memory_space<vmem>>, vector<1x16xf32>,
      }
      %scan3A_170 = arith.constant 64 : i32
      %jit3A_171 = arith.constant 64 : i32
      %div3A_172 = arith.divsi %add3A_54, %jit3A_171 : i32
      %sign3A_173 = arith.constant 0 : i32
      %sign3A_174 = arith.cmpi sgt, %add3A_54, %sign3A_173 : i32
      %sign3A_175 = arith.extui %sign3A_174 : i1 to i32
      %sign3A_176 = arith.constant 0 : i32
      %sign3A_177 = arith.cmpi slt, %add3A_54, %sign3A_176 : i32
      %sign3A_178 = arith.extui %sign3A_177 : i1 to i32
      %sign3A_179 = arith.subi %sign3A_175, %sign3A_178 : i32
      %sign3A_180 = arith.constant 0 : i32
      %sign3A_181 = arith.cmpi sgt, %jit3A_171, %sign3A_180 : i32
      %sign3A_182 = arith.extui %sign3A_181 : i1 to i32
      %sign3A_183 = arith.constant 0 : i32
      %sign3A_184 = arith.cmpi slt, %jit3A_171, %sign3A_183 : i32
      %sign3A_185 = arith.extui %sign3A_184 : i1 to i32
      %sign3A_186 = arith.subi %sign3A_182, %sign3A_185 : i32
      %ne3A_187 = arith.cmpi ne, %sign3A_179, %sign3A_186 : i32
      %rem3A_188 = arith.remsi %add3A_54, %jit3A_171 : i32
      %ne3A_189 = arith.constant 0 : i32
      %ne3A_190 = arith.cmpi ne, %rem3A_188, %ne3A_189 : i32
      %and3A_191 = arith.andi %ne3A_187, %ne3A_190 : i1
      %sub3A_192 = arith.constant 1 : i32
      %sub3A_193 = arith.subi %div3A_172, %sub3A_192 : i32
      %select_n3A_194 = arith.select %and3A_191, %sub3A_193, %div3A_172 : i32
      %jit3A_195 = arith.constant 64 : i32
      %eq3A_196 = arith.constant 0 : i32
      %eq3A_197 = arith.cmpi eq, %jit3A_195, %eq3A_196 : i32
      %jit3A_198 = arith.constant 1 : i32
      %select_n3A_199 = arith.select %eq3A_197, %jit3A_198, %jit3A_195 : i32
      %rem3A_200 = arith.remsi %add3A_54, %select_n3A_199 : i32
      %ne3A_201 = arith.constant 0 : i32
      %ne3A_202 = arith.cmpi ne, %rem3A_200, %ne3A_201 : i32
      %lt3A_203 = arith.constant 0 : i32
      %lt3A_204 = arith.cmpi slt, %rem3A_200, %lt3A_203 : i32
      %lt3A_205 = arith.constant 0 : i32
      %lt3A_206 = arith.cmpi slt, %select_n3A_199, %lt3A_205 : i32
      %ne3A_207 = arith.xori %lt3A_204, %lt3A_206 : i1
      %and3A_208 = arith.andi %ne3A_207, %ne3A_202 : i1
      %add3A_209 = arith.addi %rem3A_200, %select_n3A_199 : i32
      %select_n3A_210 = arith.select %and3A_208, %add3A_209, %rem3A_200 : i32
      %mul3A_211 = arith.constant 64 : i32
      %mul3A_212 = arith.muli %select_n3A_210, %mul3A_211 : i32
      %dma_start3A_213 = arith.constant 0 : i32
      %dma_start3A_214 = tpu.memref_slice %arg9[%select_n3A_194, %mul3A_212, %dma_start3A_213] : memref<5x4096x128xf32, #tpu.memory_space<hbm>> -> memref<1x64x128xf32, #tpu.memory_space<hbm>>
      %dma_start3A_215 = tpu.memref_squeeze %dma_start3A_214 : memref<1x64x128xf32, #tpu.memory_space<hbm>> -> memref<64x128xf32, #tpu.memory_space<hbm>>
      %dma_start3A_216 = arith.constant 0 : i32
      %dma_start3A_217 = tpu.memref_slice %arg9[%select_n3A_194, %mul3A_212, %dma_start3A_216] : memref<5x4096x128xf32, #tpu.memory_space<hbm>> -> memref<1x64x128xf32, #tpu.memory_space<hbm>>
      %dma_start3A_218 = tpu.memref_squeeze %dma_start3A_217 : memref<1x64x128xf32, #tpu.memory_space<hbm>> -> memref<64x128xf32, #tpu.memory_space<hbm>>
      tpu.enqueue_dma source(%arg25 : memref<64x128xf32, #tpu.memory_space<vmem>>) target(%dma_start3A_218 : memref<64x128xf32, #tpu.memory_space<hbm>>) target_semaphore(%arg31 : memref<!tpu.dma_semaphore, #tpu.memory_space<semaphore_mem>>)
      %dma_wait3A_219 = arith.constant 0 : i32
      %dma_wait3A_220 = tpu.memref_slice %arg4[%dma_wait3A_219] : memref<100000xi32, #tpu.memory_space<hbm>> -> memref<100000xi32, #tpu.memory_space<hbm>>
      tpu.wait_indirect_dma semaphore(%arg26 : memref<!tpu.dma_semaphore, #tpu.memory_space<semaphore_mem>>) src(%dma_wait3A_220 : memref<100000xi32, #tpu.memory_space<hbm>>) dst(%arg14 : memref<128xi32, #tpu.memory_space<vmem>>)
      %dma_wait3A_221 = arith.constant 0 : i32
      %dma_wait3A_222 = tpu.memref_slice %arg5[%dma_wait3A_221] : memref<100000xi32, #tpu.memory_space<hbm>> -> memref<100000xi32, #tpu.memory_space<hbm>>
      tpu.wait_indirect_dma semaphore(%arg26 : memref<!tpu.dma_semaphore, #tpu.memory_space<semaphore_mem>>) src(%dma_wait3A_222 : memref<100000xi32, #tpu.memory_space<hbm>>) dst(%arg16 : memref<128xi32, #tpu.memory_space<vmem>>)
    }
    %scan3A_30 = arith.constant 5 : i32
    %dma_wait3A_31 = arith.constant 0 : i32
    %dma_wait3A_32 = arith.constant 0 : i32
    %dma_wait3A_33 = arith.constant 0 : i32
    %dma_wait3A_34 = tpu.memref_slice %arg9[%dma_wait3A_31, %dma_wait3A_32, %dma_wait3A_33] : memref<5x4096x128xf32, #tpu.memory_space<hbm>> -> memref<1x64x128xf32, #tpu.memory_space<hbm>>
    %dma_wait3A_35 = tpu.memref_squeeze %dma_wait3A_34 : memref<1x64x128xf32, #tpu.memory_space<hbm>> -> memref<64x128xf32, #tpu.memory_space<hbm>>
    %dma_wait3A_36 = arith.constant 0 : i32
    %dma_wait3A_37 = arith.constant 0 : i32
    %dma_wait3A_38 = tpu.memref_slice %arg9[%dma_wait3A_31, %dma_wait3A_36, %dma_wait3A_37] : memref<5x4096x128xf32, #tpu.memory_space<hbm>> -> memref<1x64x128xf32, #tpu.memory_space<hbm>>
    %dma_wait3A_39 = tpu.memref_squeeze %dma_wait3A_38 : memref<1x64x128xf32, #tpu.memory_space<hbm>> -> memref<64x128xf32, #tpu.memory_space<hbm>>
    tpu.wait_dma2 semaphore(%arg30 : memref<!tpu.dma_semaphore, #tpu.memory_space<semaphore_mem>>) src(%arg24 : memref<64x128xf32, #tpu.memory_space<vmem>>) dst(%dma_wait3A_39 : memref<64x128xf32, #tpu.memory_space<hbm>>)
    %dma_wait3A_40 = arith.constant 0 : i32
    %dma_wait3A_41 = arith.constant 0 : i32
    %dma_wait3A_42 = arith.constant 0 : i32
    %dma_wait3A_43 = tpu.memref_slice %arg9[%dma_wait3A_40, %dma_wait3A_41, %dma_wait3A_42] : memref<5x4096x128xf32, #tpu.memory_space<hbm>> -> memref<1x64x128xf32, #tpu.memory_space<hbm>>
    %dma_wait3A_44 = tpu.memref_squeeze %dma_wait3A_43 : memref<1x64x128xf32, #tpu.memory_space<hbm>> -> memref<64x128xf32, #tpu.memory_space<hbm>>
    %dma_wait3A_45 = arith.constant 0 : i32
    %dma_wait3A_46 = arith.constant 0 : i32
    %dma_wait3A_47 = tpu.memref_slice %arg9[%dma_wait3A_40, %dma_wait3A_45, %dma_wait3A_46] : memref<5x4096x128xf32, #tpu.memory_space<hbm>> -> memref<1x64x128xf32, #tpu.memory_space<hbm>>
    %dma_wait3A_48 = tpu.memref_squeeze %dma_wait3A_47 : memref<1x64x128xf32, #tpu.memory_space<hbm>> -> memref<64x128xf32, #tpu.memory_space<hbm>>
    tpu.wait_dma2 semaphore(%arg31 : memref<!tpu.dma_semaphore, #tpu.memory_space<semaphore_mem>>) src(%arg25 : memref<64x128xf32, #tpu.memory_space<vmem>>) dst(%dma_wait3A_48 : memref<64x128xf32, #tpu.memory_space<hbm>>)
    return
  }
}

#map = affine_map<(d0, d1) -> (0)>
#map1 = affine_map<(d0, d1) -> (0, 0)>
#map2 = affine_map<(d0, d1) -> (0, 0, 0)>
module attributes {stable_mosaic.version = 14 : i64} {
  func.func @gather_kernel(%arg0: i32, %arg1: i32, %arg2: memref<40960xi32, #tpu.memory_space<hbm>>, %arg3: memref<40960xi32, #tpu.memory_space<hbm>>, %arg4: memref<100000xi32, #tpu.memory_space<hbm>>, %arg5: memref<100000xi32, #tpu.memory_space<hbm>>, %arg6: memref<100000x64xf32, #tpu.memory_space<hbm>>, %arg7: memref<8000x64xf32, #tpu.memory_space<hbm>>, %arg8: memref<8000x64xf32, #tpu.memory_space<hbm>>, %arg9: memref<5x4096x128xf32, #tpu.memory_space<hbm>>, %arg10: memref<128xi32, #tpu.memory_space<vmem>>, %arg11: memref<128xi32, #tpu.memory_space<vmem>>, %arg12: memref<128xi32, #tpu.memory_space<vmem>>, %arg13: memref<128xi32, #tpu.memory_space<vmem>>, %arg14: memref<128xi32, #tpu.memory_space<vmem>>, %arg15: memref<128xi32, #tpu.memory_space<vmem>>, %arg16: memref<128xi32, #tpu.memory_space<vmem>>, %arg17: memref<128xi32, #tpu.memory_space<vmem>>, %arg18: memref<128x64xf32, #tpu.memory_space<vmem>>, %arg19: memref<128x64xf32, #tpu.memory_space<vmem>>, %arg20: memref<128x64xf32, #tpu.memory_space<vmem>>, %arg21: memref<128x64xf32, #tpu.memory_space<vmem>>, %arg22: memref<128x64xf32, #tpu.memory_space<vmem>>, %arg23: memref<128x64xf32, #tpu.memory_space<vmem>>, %arg24: memref<64x128xf32, #tpu.memory_space<vmem>>, %arg25: memref<64x128xf32, #tpu.memory_space<vmem>>, %arg26: memref<!tpu.dma_semaphore, #tpu.memory_space<semaphore_mem>>, %arg27: memref<!tpu.dma_semaphore, #tpu.memory_space<semaphore_mem>>, %arg28: memref<!tpu.dma_semaphore, #tpu.memory_space<semaphore_mem>>, %arg29: memref<!tpu.dma_semaphore, #tpu.memory_space<semaphore_mem>>, %arg30: memref<!tpu.dma_semaphore, #tpu.memory_space<semaphore_mem>>, %arg31: memref<!tpu.dma_semaphore, #tpu.memory_space<semaphore_mem>>) attributes {dimension_semantics = [#tpu.dimension_semantics<core_parallel>, #tpu.dimension_semantics<subcore_parallel>], iteration_bounds = array<i64: 2, 16>, scalar_prefetch = 0 : i64, scratch_operands = 22 : i64, tpu.core_type = #tpu.core_type<sc_vector_subcore>, window_params = [{transform_indices = #map}, {transform_indices = #map}, {transform_indices = #map}, {transform_indices = #map}, {transform_indices = #map1}, {transform_indices = #map1}, {transform_indices = #map1}, {transform_indices = #map2}]} {
    %mul3A = arith.constant 2 : i32
    %mul3A_0 = arith.muli %arg1, %mul3A : i32
    %add3A = arith.addi %mul3A_0, %arg0 : i32
    %mul3A_1 = arith.constant 10 : i32
    %mul3A_2 = arith.muli %add3A, %mul3A_1 : i32
    %broadcast_in_dim3A = arith.constant 0.000000e+00 : f32
    %broadcast_in_dim3A_3 = vector.broadcast %broadcast_in_dim3A : f32 to vector<16xf32>
    %scan3A = arith.constant 0 : i32
    %scan3A_4 = arith.constant 0 : i32
    %scan3A_5 = arith.constant 64 : i32
    %scan3A_6 = arith.addi %scan3A_4, %scan3A_5 : i32
    %scan3A_7 = arith.constant 1 : i32
    scf.for %scan3A_49 = %scan3A_4 to %scan3A_6 step %scan3A_7  : i32 {
      %swap3A = arith.index_cast %scan3A_49 : i32 to index
      %swap3A_50 = arith.constant 48 : index
      %swap3A_51 = tpu.vector_load %arg24[%swap3A, %swap3A_50] {strides = array<i32>} : memref<64x128xf32, #tpu.memory_space<vmem>>, vector<1x16xf32>,
      %swap3A_52 = vector.shape_cast %swap3A_51 : vector<1x16xf32> to vector<16xf32>
      %swap3A_53 = vector.shape_cast %broadcast_in_dim3A_3 : vector<16xf32> to vector<1x16xf32>
      tpu.vector_store %arg24[%swap3A, %swap3A_50], %swap3A_53 {strides = array<i32>} : memref<64x128xf32, #tpu.memory_space<vmem>>, vector<1x16xf32>,
      %swap3A_54 = arith.index_cast %scan3A_49 : i32 to index
      %swap3A_55 = arith.constant 112 : index
      %swap3A_56 = tpu.vector_load %arg24[%swap3A_54, %swap3A_55] {strides = array<i32>} : memref<64x128xf32, #tpu.memory_space<vmem>>, vector<1x16xf32>,
      %swap3A_57 = vector.shape_cast %swap3A_56 : vector<1x16xf32> to vector<16xf32>
      %swap3A_58 = vector.shape_cast %broadcast_in_dim3A_3 : vector<16xf32> to vector<1x16xf32>
      tpu.vector_store %arg24[%swap3A_54, %swap3A_55], %swap3A_58 {strides = array<i32>} : memref<64x128xf32, #tpu.memory_space<vmem>>, vector<1x16xf32>,
    }
    %scan3A_8 = arith.constant 64 : i32
    %scan3A_9 = arith.constant 0 : i32
    %scan3A_10 = arith.constant 0 : i32
    %scan3A_11 = arith.constant 64 : i32
    %scan3A_12 = arith.addi %scan3A_10, %scan3A_11 : i32
    %scan3A_13 = arith.constant 1 : i32
    scf.for %scan3A_49 = %scan3A_10 to %scan3A_12 step %scan3A_13  : i32 {
      %swap3A = arith.index_cast %scan3A_49 : i32 to index
      %swap3A_50 = arith.constant 48 : index
      %swap3A_51 = tpu.vector_load %arg25[%swap3A, %swap3A_50] {strides = array<i32>} : memref<64x128xf32, #tpu.memory_space<vmem>>, vector<1x16xf32>,
      %swap3A_52 = vector.shape_cast %swap3A_51 : vector<1x16xf32> to vector<16xf32>
      %swap3A_53 = vector.shape_cast %broadcast_in_dim3A_3 : vector<16xf32> to vector<1x16xf32>
      tpu.vector_store %arg25[%swap3A, %swap3A_50], %swap3A_53 {strides = array<i32>} : memref<64x128xf32, #tpu.memory_space<vmem>>, vector<1x16xf32>,
      %swap3A_54 = arith.index_cast %scan3A_49 : i32 to index
      %swap3A_55 = arith.constant 112 : index
      %swap3A_56 = tpu.vector_load %arg25[%swap3A_54, %swap3A_55] {strides = array<i32>} : memref<64x128xf32, #tpu.memory_space<vmem>>, vector<1x16xf32>,
      %swap3A_57 = vector.shape_cast %swap3A_56 : vector<1x16xf32> to vector<16xf32>
      %swap3A_58 = vector.shape_cast %broadcast_in_dim3A_3 : vector<16xf32> to vector<1x16xf32>
      tpu.vector_store %arg25[%swap3A_54, %swap3A_55], %swap3A_58 {strides = array<i32>} : memref<64x128xf32, #tpu.memory_space<vmem>>, vector<1x16xf32>,
    }
    %scan3A_14 = arith.constant 64 : i32
    %mul3A_15 = arith.constant 128 : i32
    %mul3A_16 = arith.muli %mul3A_2, %mul3A_15 : i32
    "tpu.region"() ({
      %run_scoped3A = tpu.sem_alloc : memref<!tpu.dma_semaphore, #tpu.memory_space<semaphore_mem>>
      %dma_start3A_49 = tpu.memref_slice %arg2[%mul3A_16] : memref<40960xi32, #tpu.memory_space<hbm>> -> memref<128xi32, #tpu.memory_space<hbm>>
      %dma_start3A_50 = tpu.memref_slice %arg2[%mul3A_16] : memref<40960xi32, #tpu.memory_space<hbm>> -> memref<128xi32, #tpu.memory_space<hbm>>
      tpu.enqueue_dma source(%dma_start3A_50 : memref<128xi32, #tpu.memory_space<hbm>>) target(%arg10 : memref<128xi32, #tpu.memory_space<vmem>>) target_semaphore(%run_scoped3A : memref<!tpu.dma_semaphore, #tpu.memory_space<semaphore_mem>>)
      %dma_wait3A_51 = tpu.memref_slice %arg2[%mul3A_16] : memref<40960xi32, #tpu.memory_space<hbm>> -> memref<128xi32, #tpu.memory_space<hbm>>
      %dma_wait3A_52 = tpu.memref_slice %arg2[%mul3A_16] : memref<40960xi32, #tpu.memory_space<hbm>> -> memref<128xi32, #tpu.memory_space<hbm>>
      tpu.wait_dma2 semaphore(%run_scoped3A : memref<!tpu.dma_semaphore, #tpu.memory_space<semaphore_mem>>) src(%dma_wait3A_52 : memref<128xi32, #tpu.memory_space<hbm>>) dst(%arg10 : memref<128xi32, #tpu.memory_space<vmem>>)
      tpu.yield
    }) : () -> ()
    %mul3A_17 = arith.constant 128 : i32
    %mul3A_18 = arith.muli %mul3A_2, %mul3A_17 : i32
    "tpu.region"() ({
      %run_scoped3A = tpu.sem_alloc : memref<!tpu.dma_semaphore, #tpu.memory_space<semaphore_mem>>
      %dma_start3A_49 = tpu.memref_slice %arg3[%mul3A_18] : memref<40960xi32, #tpu.memory_space<hbm>> -> memref<128xi32, #tpu.memory_space<hbm>>
      %dma_start3A_50 = tpu.memref_slice %arg3[%mul3A_18] : memref<40960xi32, #tpu.memory_space<hbm>> -> memref<128xi32, #tpu.memory_space<hbm>>
      tpu.enqueue_dma source(%dma_start3A_50 : memref<128xi32, #tpu.memory_space<hbm>>) target(%arg12 : memref<128xi32, #tpu.memory_space<vmem>>) target_semaphore(%run_scoped3A : memref<!tpu.dma_semaphore, #tpu.memory_space<semaphore_mem>>)
      %dma_wait3A_51 = tpu.memref_slice %arg3[%mul3A_18] : memref<40960xi32, #tpu.memory_space<hbm>> -> memref<128xi32, #tpu.memory_space<hbm>>
      %dma_wait3A_52 = tpu.memref_slice %arg3[%mul3A_18] : memref<40960xi32, #tpu.memory_space<hbm>> -> memref<128xi32, #tpu.memory_space<hbm>>
      tpu.wait_dma2 semaphore(%run_scoped3A : memref<!tpu.dma_semaphore, #tpu.memory_space<semaphore_mem>>) src(%dma_wait3A_52 : memref<128xi32, #tpu.memory_space<hbm>>) dst(%arg12 : memref<128xi32, #tpu.memory_space<vmem>>)
      tpu.yield
    }) : () -> ()
    %dma_start3A = arith.constant 0 : i32
    %dma_start3A_19 = tpu.memref_slice %arg4[%dma_start3A] : memref<100000xi32, #tpu.memory_space<hbm>> -> memref<100000xi32, #tpu.memory_space<hbm>>
    tpu.enqueue_indirect_dma source(%dma_start3A_19 : memref<100000xi32, #tpu.memory_space<hbm>>) target(%arg14 : memref<128xi32, #tpu.memory_space<vmem>>) offsets(%arg10 : memref<128xi32, #tpu.memory_space<vmem>>) semaphore(%arg26 : memref<!tpu.dma_semaphore, #tpu.memory_space<semaphore_mem>>)
    %dma_start3A_20 = arith.constant 0 : i32
    %dma_start3A_21 = tpu.memref_slice %arg5[%dma_start3A_20] : memref<100000xi32, #tpu.memory_space<hbm>> -> memref<100000xi32, #tpu.memory_space<hbm>>
    tpu.enqueue_indirect_dma source(%dma_start3A_21 : memref<100000xi32, #tpu.memory_space<hbm>>) target(%arg16 : memref<128xi32, #tpu.memory_space<vmem>>) offsets(%arg10 : memref<128xi32, #tpu.memory_space<vmem>>) semaphore(%arg26 : memref<!tpu.dma_semaphore, #tpu.memory_space<semaphore_mem>>)
    %dma_wait3A = arith.constant 0 : i32
    %dma_wait3A_22 = tpu.memref_slice %arg4[%dma_wait3A] : memref<100000xi32, #tpu.memory_space<hbm>> -> memref<100000xi32, #tpu.memory_space<hbm>>
    tpu.wait_indirect_dma semaphore(%arg26 : memref<!tpu.dma_semaphore, #tpu.memory_space<semaphore_mem>>) src(%dma_wait3A_22 : memref<100000xi32, #tpu.memory_space<hbm>>) dst(%arg14 : memref<128xi32, #tpu.memory_space<vmem>>)
    %dma_wait3A_23 = arith.constant 0 : i32
    %dma_wait3A_24 = tpu.memref_slice %arg5[%dma_wait3A_23] : memref<100000xi32, #tpu.memory_space<hbm>> -> memref<100000xi32, #tpu.memory_space<hbm>>
    tpu.wait_indirect_dma semaphore(%arg26 : memref<!tpu.dma_semaphore, #tpu.memory_space<semaphore_mem>>) src(%dma_wait3A_24 : memref<100000xi32, #tpu.memory_space<hbm>>) dst(%arg16 : memref<128xi32, #tpu.memory_space<vmem>>)
    %scan3A_25 = arith.constant 0 : i32
    %scan3A_26 = arith.constant 0 : i32
    %scan3A_27 = arith.constant 5 : i32
    %scan3A_28 = arith.addi %scan3A_26, %scan3A_27 : i32
    %scan3A_29 = arith.constant 1 : i32
    scf.for %scan3A_49 = %scan3A_26 to %scan3A_28 step %scan3A_29  : i32 {
      %mul3A_50 = arith.constant 2 : i32
      %mul3A_51 = arith.muli %mul3A_50, %scan3A_49 : i32
      %add3A_52 = arith.addi %mul3A_2, %mul3A_51 : i32
      %add3A_53 = arith.constant 1 : i32
      %add3A_54 = arith.addi %add3A_52, %add3A_53 : i32
      %add3A_55 = arith.constant 2 : i32
      %add3A_56 = arith.addi %add3A_52, %add3A_55 : i32
      %min3A = arith.constant 319 : i32
      %min3A_57 = arith.minsi %add3A_56, %min3A : i32
      %dma_start3A_58 = arith.constant 0 : i32
      %dma_start3A_59 = arith.constant 0 : i32
      %dma_start3A_60 = tpu.memref_slice %arg6[%dma_start3A_58, %dma_start3A_59] : memref<100000x64xf32, #tpu.memory_space<hbm>> -> memref<100000x64xf32, #tpu.memory_space<hbm>>
      tpu.enqueue_indirect_dma source(%dma_start3A_60 : memref<100000x64xf32, #tpu.memory_space<hbm>>) target(%arg18 : memref<128x64xf32, #tpu.memory_space<vmem>>) offsets(%arg12 : memref<128xi32, #tpu.memory_space<vmem>>) semaphore(%arg28 : memref<!tpu.dma_semaphore, #tpu.memory_space<semaphore_mem>>)
      %dma_start3A_61 = arith.constant 0 : i32
      %dma_start3A_62 = arith.constant 0 : i32
      %dma_start3A_63 = tpu.memref_slice %arg7[%dma_start3A_61, %dma_start3A_62] : memref<8000x64xf32, #tpu.memory_space<hbm>> -> memref<8000x64xf32, #tpu.memory_space<hbm>>
      tpu.enqueue_indirect_dma source(%dma_start3A_63 : memref<8000x64xf32, #tpu.memory_space<hbm>>) target(%arg19 : memref<128x64xf32, #tpu.memory_space<vmem>>) offsets(%arg14 : memref<128xi32, #tpu.memory_space<vmem>>) semaphore(%arg28 : memref<!tpu.dma_semaphore, #tpu.memory_space<semaphore_mem>>)
      %dma_start3A_64 = arith.constant 0 : i32
      %dma_start3A_65 = arith.constant 0 : i32
      %dma_start3A_66 = tpu.memref_slice %arg8[%dma_start3A_64, %dma_start3A_65] : memref<8000x64xf32, #tpu.memory_space<hbm>> -> memref<8000x64xf32, #tpu.memory_space<hbm>>
      tpu.enqueue_indirect_dma source(%dma_start3A_66 : memref<8000x64xf32, #tpu.memory_space<hbm>>) target(%arg20 : memref<128x64xf32, #tpu.memory_space<vmem>>) offsets(%arg16 : memref<128xi32, #tpu.memory_space<vmem>>) semaphore(%arg28 : memref<!tpu.dma_semaphore, #tpu.memory_space<semaphore_mem>>)
      %mul3A_67 = arith.constant 128 : i32
      %mul3A_68 = arith.muli %add3A_54, %mul3A_67 : i32
      "tpu.region"() ({
        %run_scoped3A = tpu.sem_alloc : memref<!tpu.dma_semaphore, #tpu.memory_space<semaphore_mem>>
        %dma_start3A_223 = tpu.memref_slice %arg2[%mul3A_68] : memref<40960xi32, #tpu.memory_space<hbm>> -> memref<128xi32, #tpu.memory_space<hbm>>
        %dma_start3A_224 = tpu.memref_slice %arg2[%mul3A_68] : memref<40960xi32, #tpu.memory_space<hbm>> -> memref<128xi32, #tpu.memory_space<hbm>>
        tpu.enqueue_dma source(%dma_start3A_224 : memref<128xi32, #tpu.memory_space<hbm>>) target(%arg11 : memref<128xi32, #tpu.memory_space<vmem>>) target_semaphore(%run_scoped3A : memref<!tpu.dma_semaphore, #tpu.memory_space<semaphore_mem>>)
        %dma_wait3A_225 = tpu.memref_slice %arg2[%mul3A_68] : memref<40960xi32, #tpu.memory_space<hbm>> -> memref<128xi32, #tpu.memory_space<hbm>>
        %dma_wait3A_226 = tpu.memref_slice %arg2[%mul3A_68] : memref<40960xi32, #tpu.memory_space<hbm>> -> memref<128xi32, #tpu.memory_space<hbm>>
        tpu.wait_dma2 semaphore(%run_scoped3A : memref<!tpu.dma_semaphore, #tpu.memory_space<semaphore_mem>>) src(%dma_wait3A_226 : memref<128xi32, #tpu.memory_space<hbm>>) dst(%arg11 : memref<128xi32, #tpu.memory_space<vmem>>)
        tpu.yield
      }) : () -> ()
      %mul3A_69 = arith.constant 128 : i32
      %mul3A_70 = arith.muli %add3A_54, %mul3A_69 : i32
      "tpu.region"() ({
        %run_scoped3A = tpu.sem_alloc : memref<!tpu.dma_semaphore, #tpu.memory_space<semaphore_mem>>
        %dma_start3A_223 = tpu.memref_slice %arg3[%mul3A_70] : memref<40960xi32, #tpu.memory_space<hbm>> -> memref<128xi32, #tpu.memory_space<hbm>>
        %dma_start3A_224 = tpu.memref_slice %arg3[%mul3A_70] : memref<40960xi32, #tpu.memory_space<hbm>> -> memref<128xi32, #tpu.memory_space<hbm>>
        tpu.enqueue_dma source(%dma_start3A_224 : memref<128xi32, #tpu.memory_space<hbm>>) target(%arg13 : memref<128xi32, #tpu.memory_space<vmem>>) target_semaphore(%run_scoped3A : memref<!tpu.dma_semaphore, #tpu.memory_space<semaphore_mem>>)
        %dma_wait3A_225 = tpu.memref_slice %arg3[%mul3A_70] : memref<40960xi32, #tpu.memory_space<hbm>> -> memref<128xi32, #tpu.memory_space<hbm>>
        %dma_wait3A_226 = tpu.memref_slice %arg3[%mul3A_70] : memref<40960xi32, #tpu.memory_space<hbm>> -> memref<128xi32, #tpu.memory_space<hbm>>
        tpu.wait_dma2 semaphore(%run_scoped3A : memref<!tpu.dma_semaphore, #tpu.memory_space<semaphore_mem>>) src(%dma_wait3A_226 : memref<128xi32, #tpu.memory_space<hbm>>) dst(%arg13 : memref<128xi32, #tpu.memory_space<vmem>>)
        tpu.yield
      }) : () -> ()
      %dma_start3A_71 = arith.constant 0 : i32
      %dma_start3A_72 = tpu.memref_slice %arg4[%dma_start3A_71] : memref<100000xi32, #tpu.memory_space<hbm>> -> memref<100000xi32, #tpu.memory_space<hbm>>
      tpu.enqueue_indirect_dma source(%dma_start3A_72 : memref<100000xi32, #tpu.memory_space<hbm>>) target(%arg15 : memref<128xi32, #tpu.memory_space<vmem>>) offsets(%arg11 : memref<128xi32, #tpu.memory_space<vmem>>) semaphore(%arg27 : memref<!tpu.dma_semaphore, #tpu.memory_space<semaphore_mem>>)
      %dma_start3A_73 = arith.constant 0 : i32
      %dma_start3A_74 = tpu.memref_slice %arg5[%dma_start3A_73] : memref<100000xi32, #tpu.memory_space<hbm>> -> memref<100000xi32, #tpu.memory_space<hbm>>
      tpu.enqueue_indirect_dma source(%dma_start3A_74 : memref<100000xi32, #tpu.memory_space<hbm>>) target(%arg17 : memref<128xi32, #tpu.memory_space<vmem>>) offsets(%arg11 : memref<128xi32, #tpu.memory_space<vmem>>) semaphore(%arg27 : memref<!tpu.dma_semaphore, #tpu.memory_space<semaphore_mem>>)
      %gt3A = arith.constant 0 : i32
      %gt3A_75 = arith.cmpi sgt, %scan3A_49, %gt3A : i32
      %convert_element_type3A = arith.extui %gt3A_75 : i1 to i32
      %cond3A = arith.constant 0 : i32
      %cond3A_76 = arith.cmpi ne, %convert_element_type3A, %cond3A : i32
      scf.if %cond3A_76 {
        %dma_wait3A_223 = arith.constant 0 : i32
        %dma_wait3A_224 = arith.constant 0 : i32
        %dma_wait3A_225 = arith.constant 0 : i32
        %dma_wait3A_226 = tpu.memref_slice %arg9[%dma_wait3A_223, %dma_wait3A_224, %dma_wait3A_225] : memref<5x4096x128xf32, #tpu.memory_space<hbm>> -> memref<1x64x128xf32, #tpu.memory_space<hbm>>
        %dma_wait3A_227 = tpu.memref_squeeze %dma_wait3A_226 : memref<1x64x128xf32, #tpu.memory_space<hbm>> -> memref<64x128xf32, #tpu.memory_space<hbm>>
        %dma_wait3A_228 = arith.constant 0 : i32
        %dma_wait3A_229 = arith.constant 0 : i32
        %dma_wait3A_230 = tpu.memref_slice %arg9[%dma_wait3A_223, %dma_wait3A_228, %dma_wait3A_229] : memref<5x4096x128xf32, #tpu.memory_space<hbm>> -> memref<1x64x128xf32, #tpu.memory_space<hbm>>
        %dma_wait3A_231 = tpu.memref_squeeze %dma_wait3A_230 : memref<1x64x128xf32, #tpu.memory_space<hbm>> -> memref<64x128xf32, #tpu.memory_space<hbm>>
        tpu.wait_dma2 semaphore(%arg30 : memref<!tpu.dma_semaphore, #tpu.memory_space<semaphore_mem>>) src(%arg24 : memref<64x128xf32, #tpu.memory_space<vmem>>) dst(%dma_wait3A_231 : memref<64x128xf32, #tpu.memory_space<hbm>>)
      } else {
      }
      %dma_wait3A_77 = arith.constant 0 : i32
      %dma_wait3A_78 = arith.constant 0 : i32
      %dma_wait3A_79 = tpu.memref_slice %arg6[%dma_wait3A_77, %dma_wait3A_78] : memref<100000x64xf32, #tpu.memory_space<hbm>> -> memref<100000x64xf32, #tpu.memory_space<hbm>>
      tpu.wait_indirect_dma semaphore(%arg28 : memref<!tpu.dma_semaphore, #tpu.memory_space<semaphore_mem>>) src(%dma_wait3A_79 : memref<100000x64xf32, #tpu.memory_space<hbm>>) dst(%arg18 : memref<128x64xf32, #tpu.memory_space<vmem>>)
      %dma_wait3A_80 = arith.constant 0 : i32
      %dma_wait3A_81 = arith.constant 0 : i32
      %dma_wait3A_82 = tpu.memref_slice %arg7[%dma_wait3A_80, %dma_wait3A_81] : memref<8000x64xf32, #tpu.memory_space<hbm>> -> memref<8000x64xf32, #tpu.memory_space<hbm>>
      tpu.wait_indirect_dma semaphore(%arg28 : memref<!tpu.dma_semaphore, #tpu.memory_space<semaphore_mem>>) src(%dma_wait3A_82 : memref<8000x64xf32, #tpu.memory_space<hbm>>) dst(%arg19 : memref<128x64xf32, #tpu.memory_space<vmem>>)
      %dma_wait3A_83 = arith.constant 0 : i32
      %dma_wait3A_84 = arith.constant 0 : i32
      %dma_wait3A_85 = tpu.memref_slice %arg8[%dma_wait3A_83, %dma_wait3A_84] : memref<8000x64xf32, #tpu.memory_space<hbm>> -> memref<8000x64xf32, #tpu.memory_space<hbm>>
      tpu.wait_indirect_dma semaphore(%arg28 : memref<!tpu.dma_semaphore, #tpu.memory_space<semaphore_mem>>) src(%dma_wait3A_85 : memref<8000x64xf32, #tpu.memory_space<hbm>>) dst(%arg20 : memref<128x64xf32, #tpu.memory_space<vmem>>)
      %scan3A_86 = arith.constant 0 : i32
      %scan3A_87 = arith.constant 0 : i32
      %scan3A_88 = arith.constant 64 : i32
      %scan3A_89 = arith.addi %scan3A_87, %scan3A_88 : i32
      %scan3A_90 = arith.constant 1 : i32
      scf.for %scan3A_223 = %scan3A_87 to %scan3A_89 step %scan3A_90  : i32 {
        %mul3A_224 = arith.constant 2 : i32
        %mul3A_225 = arith.muli %mul3A_224, %scan3A_223 : i32
        %add3A_226 = arith.constant 0 : i32
        %add3A_227 = arith.addi %mul3A_225, %add3A_226 : i32
        %get3A = arith.index_cast %add3A_227 : i32 to index
        %get3A_228 = arith.constant 0 : index
        %get3A_229 = tpu.vector_load %arg18[%get3A, %get3A_228] {strides = array<i32>} : memref<128x64xf32, #tpu.memory_space<vmem>>, vector<1x16xf32>,
        %get3A_230 = vector.shape_cast %get3A_229 : vector<1x16xf32> to vector<16xf32>
        %get3A_231 = arith.index_cast %add3A_227 : i32 to index
        %get3A_232 = arith.constant 0 : index
        %get3A_233 = tpu.vector_load %arg19[%get3A_231, %get3A_232] {strides = array<i32>} : memref<128x64xf32, #tpu.memory_space<vmem>>, vector<1x16xf32>,
        %get3A_234 = vector.shape_cast %get3A_233 : vector<1x16xf32> to vector<16xf32>
        %add3A_235 = arith.addf %get3A_230, %get3A_234 : vector<16xf32>
        %get3A_236 = arith.index_cast %add3A_227 : i32 to index
        %get3A_237 = arith.constant 0 : index
        %get3A_238 = tpu.vector_load %arg20[%get3A_236, %get3A_237] {strides = array<i32>} : memref<128x64xf32, #tpu.memory_space<vmem>>, vector<1x16xf32>,
        %get3A_239 = vector.shape_cast %get3A_238 : vector<1x16xf32> to vector<16xf32>
        %add3A_240 = arith.addf %add3A_235, %get3A_239 : vector<16xf32>
        %swap3A = arith.index_cast %scan3A_223 : i32 to index
        %swap3A_241 = arith.constant 0 : index
        %swap3A_242 = tpu.vector_load %arg24[%swap3A, %swap3A_241] {strides = array<i32>} : memref<64x128xf32, #tpu.memory_space<vmem>>, vector<1x16xf32>,
        %swap3A_243 = vector.shape_cast %swap3A_242 : vector<1x16xf32> to vector<16xf32>
        %swap3A_244 = vector.shape_cast %add3A_240 : vector<16xf32> to vector<1x16xf32>
        tpu.vector_store %arg24[%swap3A, %swap3A_241], %swap3A_244 {strides = array<i32>} : memref<64x128xf32, #tpu.memory_space<vmem>>, vector<1x16xf32>,
        %get3A_245 = arith.index_cast %add3A_227 : i32 to index
        %get3A_246 = arith.constant 16 : index
        %get3A_247 = tpu.vector_load %arg18[%get3A_245, %get3A_246] {strides = array<i32>} : memref<128x64xf32, #tpu.memory_space<vmem>>, vector<1x16xf32>,
        %get3A_248 = vector.shape_cast %get3A_247 : vector<1x16xf32> to vector<16xf32>
        %get3A_249 = arith.index_cast %add3A_227 : i32 to index
        %get3A_250 = arith.constant 16 : index
        %get3A_251 = tpu.vector_load %arg19[%get3A_249, %get3A_250] {strides = array<i32>} : memref<128x64xf32, #tpu.memory_space<vmem>>, vector<1x16xf32>,
        %get3A_252 = vector.shape_cast %get3A_251 : vector<1x16xf32> to vector<16xf32>
        %add3A_253 = arith.addf %get3A_248, %get3A_252 : vector<16xf32>
        %get3A_254 = arith.index_cast %add3A_227 : i32 to index
        %get3A_255 = arith.constant 16 : index
        %get3A_256 = tpu.vector_load %arg20[%get3A_254, %get3A_255] {strides = array<i32>} : memref<128x64xf32, #tpu.memory_space<vmem>>, vector<1x16xf32>,
        %get3A_257 = vector.shape_cast %get3A_256 : vector<1x16xf32> to vector<16xf32>
        %add3A_258 = arith.addf %add3A_253, %get3A_257 : vector<16xf32>
        %swap3A_259 = arith.index_cast %scan3A_223 : i32 to index
        %swap3A_260 = arith.constant 16 : index
        %swap3A_261 = tpu.vector_load %arg24[%swap3A_259, %swap3A_260] {strides = array<i32>} : memref<64x128xf32, #tpu.memory_space<vmem>>, vector<1x16xf32>,
        %swap3A_262 = vector.shape_cast %swap3A_261 : vector<1x16xf32> to vector<16xf32>
        %swap3A_263 = vector.shape_cast %add3A_258 : vector<16xf32> to vector<1x16xf32>
        tpu.vector_store %arg24[%swap3A_259, %swap3A_260], %swap3A_263 {strides = array<i32>} : memref<64x128xf32, #tpu.memory_space<vmem>>, vector<1x16xf32>,
        %get3A_264 = arith.index_cast %add3A_227 : i32 to index
        %get3A_265 = arith.constant 32 : index
        %get3A_266 = tpu.vector_load %arg18[%get3A_264, %get3A_265] {strides = array<i32>} : memref<128x64xf32, #tpu.memory_space<vmem>>, vector<1x16xf32>,
        %get3A_267 = vector.shape_cast %get3A_266 : vector<1x16xf32> to vector<16xf32>
        %get3A_268 = arith.index_cast %add3A_227 : i32 to index
        %get3A_269 = arith.constant 32 : index
        %get3A_270 = tpu.vector_load %arg19[%get3A_268, %get3A_269] {strides = array<i32>} : memref<128x64xf32, #tpu.memory_space<vmem>>, vector<1x16xf32>,
        %get3A_271 = vector.shape_cast %get3A_270 : vector<1x16xf32> to vector<16xf32>
        %add3A_272 = arith.addf %get3A_267, %get3A_271 : vector<16xf32>
        %get3A_273 = arith.index_cast %add3A_227 : i32 to index
        %get3A_274 = arith.constant 32 : index
        %get3A_275 = tpu.vector_load %arg20[%get3A_273, %get3A_274] {strides = array<i32>} : memref<128x64xf32, #tpu.memory_space<vmem>>, vector<1x16xf32>,
        %get3A_276 = vector.shape_cast %get3A_275 : vector<1x16xf32> to vector<16xf32>
        %add3A_277 = arith.addf %add3A_272, %get3A_276 : vector<16xf32>
        %swap3A_278 = arith.index_cast %scan3A_223 : i32 to index
        %swap3A_279 = arith.constant 32 : index
        %swap3A_280 = tpu.vector_load %arg24[%swap3A_278, %swap3A_279] {strides = array<i32>} : memref<64x128xf32, #tpu.memory_space<vmem>>, vector<1x16xf32>,
        %swap3A_281 = vector.shape_cast %swap3A_280 : vector<1x16xf32> to vector<16xf32>
        %swap3A_282 = vector.shape_cast %add3A_277 : vector<16xf32> to vector<1x16xf32>
        tpu.vector_store %arg24[%swap3A_278, %swap3A_279], %swap3A_282 {strides = array<i32>} : memref<64x128xf32, #tpu.memory_space<vmem>>, vector<1x16xf32>,
        %get3A_283 = arith.index_cast %add3A_227 : i32 to index
        %get3A_284 = arith.constant 34 : index
        %get3A_285 = tpu.vector_load %arg18[%get3A_283, %get3A_284] {strides = array<i32>} : memref<128x64xf32, #tpu.memory_space<vmem>>, vector<1x16xf32>,
        %get3A_286 = vector.shape_cast %get3A_285 : vector<1x16xf32> to vector<16xf32>
        %get3A_287 = arith.index_cast %add3A_227 : i32 to index
        %get3A_288 = arith.constant 34 : index
        %get3A_289 = tpu.vector_load %arg19[%get3A_287, %get3A_288] {strides = array<i32>} : memref<128x64xf32, #tpu.memory_space<vmem>>, vector<1x16xf32>,
        %get3A_290 = vector.shape_cast %get3A_289 : vector<1x16xf32> to vector<16xf32>
        %add3A_291 = arith.addf %get3A_286, %get3A_290 : vector<16xf32>
        %get3A_292 = arith.index_cast %add3A_227 : i32 to index
        %get3A_293 = arith.constant 34 : index
        %get3A_294 = tpu.vector_load %arg20[%get3A_292, %get3A_293] {strides = array<i32>} : memref<128x64xf32, #tpu.memory_space<vmem>>, vector<1x16xf32>,
        %get3A_295 = vector.shape_cast %get3A_294 : vector<1x16xf32> to vector<16xf32>
        %add3A_296 = arith.addf %add3A_291, %get3A_295 : vector<16xf32>
        %swap3A_297 = arith.index_cast %scan3A_223 : i32 to index
        %swap3A_298 = arith.constant 34 : index
        %swap3A_299 = tpu.vector_load %arg24[%swap3A_297, %swap3A_298] {strides = array<i32>} : memref<64x128xf32, #tpu.memory_space<vmem>>, vector<1x16xf32>,
        %swap3A_300 = vector.shape_cast %swap3A_299 : vector<1x16xf32> to vector<16xf32>
        %swap3A_301 = vector.shape_cast %add3A_296 : vector<16xf32> to vector<1x16xf32>
        tpu.vector_store %arg24[%swap3A_297, %swap3A_298], %swap3A_301 {strides = array<i32>} : memref<64x128xf32, #tpu.memory_space<vmem>>, vector<1x16xf32>,
        %mul3A_302 = arith.constant 2 : i32
        %mul3A_303 = arith.muli %mul3A_302, %scan3A_223 : i32
        %add3A_304 = arith.constant 1 : i32
        %add3A_305 = arith.addi %mul3A_303, %add3A_304 : i32
        %get3A_306 = arith.index_cast %add3A_305 : i32 to index
        %get3A_307 = arith.constant 0 : index
        %get3A_308 = tpu.vector_load %arg18[%get3A_306, %get3A_307] {strides = array<i32>} : memref<128x64xf32, #tpu.memory_space<vmem>>, vector<1x16xf32>,
        %get3A_309 = vector.shape_cast %get3A_308 : vector<1x16xf32> to vector<16xf32>
        %get3A_310 = arith.index_cast %add3A_305 : i32 to index
        %get3A_311 = arith.constant 0 : index
        %get3A_312 = tpu.vector_load %arg19[%get3A_310, %get3A_311] {strides = array<i32>} : memref<128x64xf32, #tpu.memory_space<vmem>>, vector<1x16xf32>,
        %get3A_313 = vector.shape_cast %get3A_312 : vector<1x16xf32> to vector<16xf32>
        %add3A_314 = arith.addf %get3A_309, %get3A_313 : vector<16xf32>
        %get3A_315 = arith.index_cast %add3A_305 : i32 to index
        %get3A_316 = arith.constant 0 : index
        %get3A_317 = tpu.vector_load %arg20[%get3A_315, %get3A_316] {strides = array<i32>} : memref<128x64xf32, #tpu.memory_space<vmem>>, vector<1x16xf32>,
        %get3A_318 = vector.shape_cast %get3A_317 : vector<1x16xf32> to vector<16xf32>
        %add3A_319 = arith.addf %add3A_314, %get3A_318 : vector<16xf32>
        %swap3A_320 = arith.index_cast %scan3A_223 : i32 to index
        %swap3A_321 = arith.constant 64 : index
        %swap3A_322 = tpu.vector_load %arg24[%swap3A_320, %swap3A_321] {strides = array<i32>} : memref<64x128xf32, #tpu.memory_space<vmem>>, vector<1x16xf32>,
        %swap3A_323 = vector.shape_cast %swap3A_322 : vector<1x16xf32> to vector<16xf32>
        %swap3A_324 = vector.shape_cast %add3A_319 : vector<16xf32> to vector<1x16xf32>
        tpu.vector_store %arg24[%swap3A_320, %swap3A_321], %swap3A_324 {strides = array<i32>} : memref<64x128xf32, #tpu.memory_space<vmem>>, vector<1x16xf32>,
        %get3A_325 = arith.index_cast %add3A_305 : i32 to index
        %get3A_326 = arith.constant 16 : index
        %get3A_327 = tpu.vector_load %arg18[%get3A_325, %get3A_326] {strides = array<i32>} : memref<128x64xf32, #tpu.memory_space<vmem>>, vector<1x16xf32>,
        %get3A_328 = vector.shape_cast %get3A_327 : vector<1x16xf32> to vector<16xf32>
        %get3A_329 = arith.index_cast %add3A_305 : i32 to index
        %get3A_330 = arith.constant 16 : index
        %get3A_331 = tpu.vector_load %arg19[%get3A_329, %get3A_330] {strides = array<i32>} : memref<128x64xf32, #tpu.memory_space<vmem>>, vector<1x16xf32>,
        %get3A_332 = vector.shape_cast %get3A_331 : vector<1x16xf32> to vector<16xf32>
        %add3A_333 = arith.addf %get3A_328, %get3A_332 : vector<16xf32>
        %get3A_334 = arith.index_cast %add3A_305 : i32 to index
        %get3A_335 = arith.constant 16 : index
        %get3A_336 = tpu.vector_load %arg20[%get3A_334, %get3A_335] {strides = array<i32>} : memref<128x64xf32, #tpu.memory_space<vmem>>, vector<1x16xf32>,
        %get3A_337 = vector.shape_cast %get3A_336 : vector<1x16xf32> to vector<16xf32>
        %add3A_338 = arith.addf %add3A_333, %get3A_337 : vector<16xf32>
        %swap3A_339 = arith.index_cast %scan3A_223 : i32 to index
        %swap3A_340 = arith.constant 80 : index
        %swap3A_341 = tpu.vector_load %arg24[%swap3A_339, %swap3A_340] {strides = array<i32>} : memref<64x128xf32, #tpu.memory_space<vmem>>, vector<1x16xf32>,
        %swap3A_342 = vector.shape_cast %swap3A_341 : vector<1x16xf32> to vector<16xf32>
        %swap3A_343 = vector.shape_cast %add3A_338 : vector<16xf32> to vector<1x16xf32>
        tpu.vector_store %arg24[%swap3A_339, %swap3A_340], %swap3A_343 {strides = array<i32>} : memref<64x128xf32, #tpu.memory_space<vmem>>, vector<1x16xf32>,
        %get3A_344 = arith.index_cast %add3A_305 : i32 to index
        %get3A_345 = arith.constant 32 : index
        %get3A_346 = tpu.vector_load %arg18[%get3A_344, %get3A_345] {strides = array<i32>} : memref<128x64xf32, #tpu.memory_space<vmem>>, vector<1x16xf32>,
        %get3A_347 = vector.shape_cast %get3A_346 : vector<1x16xf32> to vector<16xf32>
        %get3A_348 = arith.index_cast %add3A_305 : i32 to index
        %get3A_349 = arith.constant 32 : index
        %get3A_350 = tpu.vector_load %arg19[%get3A_348, %get3A_349] {strides = array<i32>} : memref<128x64xf32, #tpu.memory_space<vmem>>, vector<1x16xf32>,
        %get3A_351 = vector.shape_cast %get3A_350 : vector<1x16xf32> to vector<16xf32>
        %add3A_352 = arith.addf %get3A_347, %get3A_351 : vector<16xf32>
        %get3A_353 = arith.index_cast %add3A_305 : i32 to index
        %get3A_354 = arith.constant 32 : index
        %get3A_355 = tpu.vector_load %arg20[%get3A_353, %get3A_354] {strides = array<i32>} : memref<128x64xf32, #tpu.memory_space<vmem>>, vector<1x16xf32>,
        %get3A_356 = vector.shape_cast %get3A_355 : vector<1x16xf32> to vector<16xf32>
        %add3A_357 = arith.addf %add3A_352, %get3A_356 : vector<16xf32>
        %swap3A_358 = arith.index_cast %scan3A_223 : i32 to index
        %swap3A_359 = arith.constant 96 : index
        %swap3A_360 = tpu.vector_load %arg24[%swap3A_358, %swap3A_359] {strides = array<i32>} : memref<64x128xf32, #tpu.memory_space<vmem>>, vector<1x16xf32>,
        %swap3A_361 = vector.shape_cast %swap3A_360 : vector<1x16xf32> to vector<16xf32>
        %swap3A_362 = vector.shape_cast %add3A_357 : vector<16xf32> to vector<1x16xf32>
        tpu.vector_store %arg24[%swap3A_358, %swap3A_359], %swap3A_362 {strides = array<i32>} : memref<64x128xf32, #tpu.memory_space<vmem>>, vector<1x16xf32>,
        %get3A_363 = arith.index_cast %add3A_305 : i32 to index
        %get3A_364 = arith.constant 34 : index
        %get3A_365 = tpu.vector_load %arg18[%get3A_363, %get3A_364] {strides = array<i32>} : memref<128x64xf32, #tpu.memory_space<vmem>>, vector<1x16xf32>,
        %get3A_366 = vector.shape_cast %get3A_365 : vector<1x16xf32> to vector<16xf32>
        %get3A_367 = arith.index_cast %add3A_305 : i32 to index
        %get3A_368 = arith.constant 34 : index
        %get3A_369 = tpu.vector_load %arg19[%get3A_367, %get3A_368] {strides = array<i32>} : memref<128x64xf32, #tpu.memory_space<vmem>>, vector<1x16xf32>,
        %get3A_370 = vector.shape_cast %get3A_369 : vector<1x16xf32> to vector<16xf32>
        %add3A_371 = arith.addf %get3A_366, %get3A_370 : vector<16xf32>
        %get3A_372 = arith.index_cast %add3A_305 : i32 to index
        %get3A_373 = arith.constant 34 : index
        %get3A_374 = tpu.vector_load %arg20[%get3A_372, %get3A_373] {strides = array<i32>} : memref<128x64xf32, #tpu.memory_space<vmem>>, vector<1x16xf32>,
        %get3A_375 = vector.shape_cast %get3A_374 : vector<1x16xf32> to vector<16xf32>
        %add3A_376 = arith.addf %add3A_371, %get3A_375 : vector<16xf32>
        %swap3A_377 = arith.index_cast %scan3A_223 : i32 to index
        %swap3A_378 = arith.constant 98 : index
        %swap3A_379 = tpu.vector_load %arg24[%swap3A_377, %swap3A_378] {strides = array<i32>} : memref<64x128xf32, #tpu.memory_space<vmem>>, vector<1x16xf32>,
        %swap3A_380 = vector.shape_cast %swap3A_379 : vector<1x16xf32> to vector<16xf32>
        %swap3A_381 = vector.shape_cast %add3A_376 : vector<16xf32> to vector<1x16xf32>
        tpu.vector_store %arg24[%swap3A_377, %swap3A_378], %swap3A_381 {strides = array<i32>} : memref<64x128xf32, #tpu.memory_space<vmem>>, vector<1x16xf32>,
      }
      %scan3A_91 = arith.constant 64 : i32
      %jit3A = arith.constant 64 : i32
      %div3A = arith.divsi %add3A_52, %jit3A : i32
      %sign3A = arith.constant 0 : i32
      %sign3A_92 = arith.cmpi sgt, %add3A_52, %sign3A : i32
      %sign3A_93 = arith.extui %sign3A_92 : i1 to i32
      %sign3A_94 = arith.constant 0 : i32
      %sign3A_95 = arith.cmpi slt, %add3A_52, %sign3A_94 : i32
      %sign3A_96 = arith.extui %sign3A_95 : i1 to i32
      %sign3A_97 = arith.subi %sign3A_93, %sign3A_96 : i32
      %sign3A_98 = arith.constant 0 : i32
      %sign3A_99 = arith.cmpi sgt, %jit3A, %sign3A_98 : i32
      %sign3A_100 = arith.extui %sign3A_99 : i1 to i32
      %sign3A_101 = arith.constant 0 : i32
      %sign3A_102 = arith.cmpi slt, %jit3A, %sign3A_101 : i32
      %sign3A_103 = arith.extui %sign3A_102 : i1 to i32
      %sign3A_104 = arith.subi %sign3A_100, %sign3A_103 : i32
      %ne3A = arith.cmpi ne, %sign3A_97, %sign3A_104 : i32
      %rem3A = arith.remsi %add3A_52, %jit3A : i32
      %ne3A_105 = arith.constant 0 : i32
      %ne3A_106 = arith.cmpi ne, %rem3A, %ne3A_105 : i32
      %and3A = arith.andi %ne3A, %ne3A_106 : i1
      %sub3A = arith.constant 1 : i32
      %sub3A_107 = arith.subi %div3A, %sub3A : i32
      %select_n3A = arith.select %and3A, %sub3A_107, %div3A : i32
      %jit3A_108 = arith.constant 64 : i32
      %eq3A = arith.constant 0 : i32
      %eq3A_109 = arith.cmpi eq, %jit3A_108, %eq3A : i32
      %jit3A_110 = arith.constant 1 : i32
      %select_n3A_111 = arith.select %eq3A_109, %jit3A_110, %jit3A_108 : i32
      %rem3A_112 = arith.remsi %add3A_52, %select_n3A_111 : i32
      %ne3A_113 = arith.constant 0 : i32
      %ne3A_114 = arith.cmpi ne, %rem3A_112, %ne3A_113 : i32
      %lt3A = arith.constant 0 : i32
      %lt3A_115 = arith.cmpi slt, %rem3A_112, %lt3A : i32
      %lt3A_116 = arith.constant 0 : i32
      %lt3A_117 = arith.cmpi slt, %select_n3A_111, %lt3A_116 : i32
      %ne3A_118 = arith.xori %lt3A_115, %lt3A_117 : i1
      %and3A_119 = arith.andi %ne3A_118, %ne3A_114 : i1
      %add3A_120 = arith.addi %rem3A_112, %select_n3A_111 : i32
      %select_n3A_121 = arith.select %and3A_119, %add3A_120, %rem3A_112 : i32
      %mul3A_122 = arith.constant 64 : i32
      %mul3A_123 = arith.muli %select_n3A_121, %mul3A_122 : i32
      %dma_start3A_124 = arith.constant 0 : i32
      %dma_start3A_125 = tpu.memref_slice %arg9[%select_n3A, %mul3A_123, %dma_start3A_124] : memref<5x4096x128xf32, #tpu.memory_space<hbm>> -> memref<1x64x128xf32, #tpu.memory_space<hbm>>
      %dma_start3A_126 = tpu.memref_squeeze %dma_start3A_125 : memref<1x64x128xf32, #tpu.memory_space<hbm>> -> memref<64x128xf32, #tpu.memory_space<hbm>>
      %dma_start3A_127 = arith.constant 0 : i32
      %dma_start3A_128 = tpu.memref_slice %arg9[%select_n3A, %mul3A_123, %dma_start3A_127] : memref<5x4096x128xf32, #tpu.memory_space<hbm>> -> memref<1x64x128xf32, #tpu.memory_space<hbm>>
      %dma_start3A_129 = tpu.memref_squeeze %dma_start3A_128 : memref<1x64x128xf32, #tpu.memory_space<hbm>> -> memref<64x128xf32, #tpu.memory_space<hbm>>
      tpu.enqueue_dma source(%arg24 : memref<64x128xf32, #tpu.memory_space<vmem>>) target(%dma_start3A_129 : memref<64x128xf32, #tpu.memory_space<hbm>>) target_semaphore(%arg30 : memref<!tpu.dma_semaphore, #tpu.memory_space<semaphore_mem>>)
      %dma_wait3A_130 = arith.constant 0 : i32
      %dma_wait3A_131 = tpu.memref_slice %arg4[%dma_wait3A_130] : memref<100000xi32, #tpu.memory_space<hbm>> -> memref<100000xi32, #tpu.memory_space<hbm>>
      tpu.wait_indirect_dma semaphore(%arg27 : memref<!tpu.dma_semaphore, #tpu.memory_space<semaphore_mem>>) src(%dma_wait3A_131 : memref<100000xi32, #tpu.memory_space<hbm>>) dst(%arg15 : memref<128xi32, #tpu.memory_space<vmem>>)
      %dma_wait3A_132 = arith.constant 0 : i32
      %dma_wait3A_133 = tpu.memref_slice %arg5[%dma_wait3A_132] : memref<100000xi32, #tpu.memory_space<hbm>> -> memref<100000xi32, #tpu.memory_space<hbm>>
      tpu.wait_indirect_dma semaphore(%arg27 : memref<!tpu.dma_semaphore, #tpu.memory_space<semaphore_mem>>) src(%dma_wait3A_133 : memref<100000xi32, #tpu.memory_space<hbm>>) dst(%arg17 : memref<128xi32, #tpu.memory_space<vmem>>)
      %dma_start3A_134 = arith.constant 0 : i32
      %dma_start3A_135 = arith.constant 0 : i32
      %dma_start3A_136 = tpu.memref_slice %arg6[%dma_start3A_134, %dma_start3A_135] : memref<100000x64xf32, #tpu.memory_space<hbm>> -> memref<100000x64xf32, #tpu.memory_space<hbm>>
      tpu.enqueue_indirect_dma source(%dma_start3A_136 : memref<100000x64xf32, #tpu.memory_space<hbm>>) target(%arg21 : memref<128x64xf32, #tpu.memory_space<vmem>>) offsets(%arg13 : memref<128xi32, #tpu.memory_space<vmem>>) semaphore(%arg29 : memref<!tpu.dma_semaphore, #tpu.memory_space<semaphore_mem>>)
      %dma_start3A_137 = arith.constant 0 : i32
      %dma_start3A_138 = arith.constant 0 : i32
      %dma_start3A_139 = tpu.memref_slice %arg7[%dma_start3A_137, %dma_start3A_138] : memref<8000x64xf32, #tpu.memory_space<hbm>> -> memref<8000x64xf32, #tpu.memory_space<hbm>>
      tpu.enqueue_indirect_dma source(%dma_start3A_139 : memref<8000x64xf32, #tpu.memory_space<hbm>>) target(%arg22 : memref<128x64xf32, #tpu.memory_space<vmem>>) offsets(%arg15 : memref<128xi32, #tpu.memory_space<vmem>>) semaphore(%arg29 : memref<!tpu.dma_semaphore, #tpu.memory_space<semaphore_mem>>)
      %dma_start3A_140 = arith.constant 0 : i32
      %dma_start3A_141 = arith.constant 0 : i32
      %dma_start3A_142 = tpu.memref_slice %arg8[%dma_start3A_140, %dma_start3A_141] : memref<8000x64xf32, #tpu.memory_space<hbm>> -> memref<8000x64xf32, #tpu.memory_space<hbm>>
      tpu.enqueue_indirect_dma source(%dma_start3A_142 : memref<8000x64xf32, #tpu.memory_space<hbm>>) target(%arg23 : memref<128x64xf32, #tpu.memory_space<vmem>>) offsets(%arg17 : memref<128xi32, #tpu.memory_space<vmem>>) semaphore(%arg29 : memref<!tpu.dma_semaphore, #tpu.memory_space<semaphore_mem>>)
      %mul3A_143 = arith.constant 128 : i32
      %mul3A_144 = arith.muli %min3A_57, %mul3A_143 : i32
      "tpu.region"() ({
        %run_scoped3A = tpu.sem_alloc : memref<!tpu.dma_semaphore, #tpu.memory_space<semaphore_mem>>
        %dma_start3A_223 = tpu.memref_slice %arg2[%mul3A_144] : memref<40960xi32, #tpu.memory_space<hbm>> -> memref<128xi32, #tpu.memory_space<hbm>>
        %dma_start3A_224 = tpu.memref_slice %arg2[%mul3A_144] : memref<40960xi32, #tpu.memory_space<hbm>> -> memref<128xi32, #tpu.memory_space<hbm>>
        tpu.enqueue_dma source(%dma_start3A_224 : memref<128xi32, #tpu.memory_space<hbm>>) target(%arg10 : memref<128xi32, #tpu.memory_space<vmem>>) target_semaphore(%run_scoped3A : memref<!tpu.dma_semaphore, #tpu.memory_space<semaphore_mem>>)
        %dma_wait3A_225 = tpu.memref_slice %arg2[%mul3A_144] : memref<40960xi32, #tpu.memory_space<hbm>> -> memref<128xi32, #tpu.memory_space<hbm>>
        %dma_wait3A_226 = tpu.memref_slice %arg2[%mul3A_144] : memref<40960xi32, #tpu.memory_space<hbm>> -> memref<128xi32, #tpu.memory_space<hbm>>
        tpu.wait_dma2 semaphore(%run_scoped3A : memref<!tpu.dma_semaphore, #tpu.memory_space<semaphore_mem>>) src(%dma_wait3A_226 : memref<128xi32, #tpu.memory_space<hbm>>) dst(%arg10 : memref<128xi32, #tpu.memory_space<vmem>>)
        tpu.yield
      }) : () -> ()
      %mul3A_145 = arith.constant 128 : i32
      %mul3A_146 = arith.muli %min3A_57, %mul3A_145 : i32
      "tpu.region"() ({
        %run_scoped3A = tpu.sem_alloc : memref<!tpu.dma_semaphore, #tpu.memory_space<semaphore_mem>>
        %dma_start3A_223 = tpu.memref_slice %arg3[%mul3A_146] : memref<40960xi32, #tpu.memory_space<hbm>> -> memref<128xi32, #tpu.memory_space<hbm>>
        %dma_start3A_224 = tpu.memref_slice %arg3[%mul3A_146] : memref<40960xi32, #tpu.memory_space<hbm>> -> memref<128xi32, #tpu.memory_space<hbm>>
        tpu.enqueue_dma source(%dma_start3A_224 : memref<128xi32, #tpu.memory_space<hbm>>) target(%arg12 : memref<128xi32, #tpu.memory_space<vmem>>) target_semaphore(%run_scoped3A : memref<!tpu.dma_semaphore, #tpu.memory_space<semaphore_mem>>)
        %dma_wait3A_225 = tpu.memref_slice %arg3[%mul3A_146] : memref<40960xi32, #tpu.memory_space<hbm>> -> memref<128xi32, #tpu.memory_space<hbm>>
        %dma_wait3A_226 = tpu.memref_slice %arg3[%mul3A_146] : memref<40960xi32, #tpu.memory_space<hbm>> -> memref<128xi32, #tpu.memory_space<hbm>>
        tpu.wait_dma2 semaphore(%run_scoped3A : memref<!tpu.dma_semaphore, #tpu.memory_space<semaphore_mem>>) src(%dma_wait3A_226 : memref<128xi32, #tpu.memory_space<hbm>>) dst(%arg12 : memref<128xi32, #tpu.memory_space<vmem>>)
        tpu.yield
      }) : () -> ()
      %dma_start3A_147 = arith.constant 0 : i32
      %dma_start3A_148 = tpu.memref_slice %arg4[%dma_start3A_147] : memref<100000xi32, #tpu.memory_space<hbm>> -> memref<100000xi32, #tpu.memory_space<hbm>>
      tpu.enqueue_indirect_dma source(%dma_start3A_148 : memref<100000xi32, #tpu.memory_space<hbm>>) target(%arg14 : memref<128xi32, #tpu.memory_space<vmem>>) offsets(%arg10 : memref<128xi32, #tpu.memory_space<vmem>>) semaphore(%arg26 : memref<!tpu.dma_semaphore, #tpu.memory_space<semaphore_mem>>)
      %dma_start3A_149 = arith.constant 0 : i32
      %dma_start3A_150 = tpu.memref_slice %arg5[%dma_start3A_149] : memref<100000xi32, #tpu.memory_space<hbm>> -> memref<100000xi32, #tpu.memory_space<hbm>>
      tpu.enqueue_indirect_dma source(%dma_start3A_150 : memref<100000xi32, #tpu.memory_space<hbm>>) target(%arg16 : memref<128xi32, #tpu.memory_space<vmem>>) offsets(%arg10 : memref<128xi32, #tpu.memory_space<vmem>>) semaphore(%arg26 : memref<!tpu.dma_semaphore, #tpu.memory_space<semaphore_mem>>)
      %gt3A_151 = arith.constant 0 : i32
      %gt3A_152 = arith.cmpi sgt, %scan3A_49, %gt3A_151 : i32
      %convert_element_type3A_153 = arith.extui %gt3A_152 : i1 to i32
      %cond3A_154 = arith.constant 0 : i32
      %cond3A_155 = arith.cmpi ne, %convert_element_type3A_153, %cond3A_154 : i32
      scf.if %cond3A_155 {
        %dma_wait3A_223 = arith.constant 0 : i32
        %dma_wait3A_224 = arith.constant 0 : i32
        %dma_wait3A_225 = arith.constant 0 : i32
        %dma_wait3A_226 = tpu.memref_slice %arg9[%dma_wait3A_223, %dma_wait3A_224, %dma_wait3A_225] : memref<5x4096x128xf32, #tpu.memory_space<hbm>> -> memref<1x64x128xf32, #tpu.memory_space<hbm>>
        %dma_wait3A_227 = tpu.memref_squeeze %dma_wait3A_226 : memref<1x64x128xf32, #tpu.memory_space<hbm>> -> memref<64x128xf32, #tpu.memory_space<hbm>>
        %dma_wait3A_228 = arith.constant 0 : i32
        %dma_wait3A_229 = arith.constant 0 : i32
        %dma_wait3A_230 = tpu.memref_slice %arg9[%dma_wait3A_223, %dma_wait3A_228, %dma_wait3A_229] : memref<5x4096x128xf32, #tpu.memory_space<hbm>> -> memref<1x64x128xf32, #tpu.memory_space<hbm>>
        %dma_wait3A_231 = tpu.memref_squeeze %dma_wait3A_230 : memref<1x64x128xf32, #tpu.memory_space<hbm>> -> memref<64x128xf32, #tpu.memory_space<hbm>>
        tpu.wait_dma2 semaphore(%arg31 : memref<!tpu.dma_semaphore, #tpu.memory_space<semaphore_mem>>) src(%arg25 : memref<64x128xf32, #tpu.memory_space<vmem>>) dst(%dma_wait3A_231 : memref<64x128xf32, #tpu.memory_space<hbm>>)
      } else {
      }
      %dma_wait3A_156 = arith.constant 0 : i32
      %dma_wait3A_157 = arith.constant 0 : i32
      %dma_wait3A_158 = tpu.memref_slice %arg6[%dma_wait3A_156, %dma_wait3A_157] : memref<100000x64xf32, #tpu.memory_space<hbm>> -> memref<100000x64xf32, #tpu.memory_space<hbm>>
      tpu.wait_indirect_dma semaphore(%arg29 : memref<!tpu.dma_semaphore, #tpu.memory_space<semaphore_mem>>) src(%dma_wait3A_158 : memref<100000x64xf32, #tpu.memory_space<hbm>>) dst(%arg21 : memref<128x64xf32, #tpu.memory_space<vmem>>)
      %dma_wait3A_159 = arith.constant 0 : i32
      %dma_wait3A_160 = arith.constant 0 : i32
      %dma_wait3A_161 = tpu.memref_slice %arg7[%dma_wait3A_159, %dma_wait3A_160] : memref<8000x64xf32, #tpu.memory_space<hbm>> -> memref<8000x64xf32, #tpu.memory_space<hbm>>
      tpu.wait_indirect_dma semaphore(%arg29 : memref<!tpu.dma_semaphore, #tpu.memory_space<semaphore_mem>>) src(%dma_wait3A_161 : memref<8000x64xf32, #tpu.memory_space<hbm>>) dst(%arg22 : memref<128x64xf32, #tpu.memory_space<vmem>>)
      %dma_wait3A_162 = arith.constant 0 : i32
      %dma_wait3A_163 = arith.constant 0 : i32
      %dma_wait3A_164 = tpu.memref_slice %arg8[%dma_wait3A_162, %dma_wait3A_163] : memref<8000x64xf32, #tpu.memory_space<hbm>> -> memref<8000x64xf32, #tpu.memory_space<hbm>>
      tpu.wait_indirect_dma semaphore(%arg29 : memref<!tpu.dma_semaphore, #tpu.memory_space<semaphore_mem>>) src(%dma_wait3A_164 : memref<8000x64xf32, #tpu.memory_space<hbm>>) dst(%arg23 : memref<128x64xf32, #tpu.memory_space<vmem>>)
      %scan3A_165 = arith.constant 0 : i32
      %scan3A_166 = arith.constant 0 : i32
      %scan3A_167 = arith.constant 64 : i32
      %scan3A_168 = arith.addi %scan3A_166, %scan3A_167 : i32
      %scan3A_169 = arith.constant 1 : i32
      scf.for %scan3A_223 = %scan3A_166 to %scan3A_168 step %scan3A_169  : i32 {
        %mul3A_224 = arith.constant 2 : i32
        %mul3A_225 = arith.muli %mul3A_224, %scan3A_223 : i32
        %add3A_226 = arith.constant 0 : i32
        %add3A_227 = arith.addi %mul3A_225, %add3A_226 : i32
        %get3A = arith.index_cast %add3A_227 : i32 to index
        %get3A_228 = arith.constant 0 : index
        %get3A_229 = tpu.vector_load %arg21[%get3A, %get3A_228] {strides = array<i32>} : memref<128x64xf32, #tpu.memory_space<vmem>>, vector<1x16xf32>,
        %get3A_230 = vector.shape_cast %get3A_229 : vector<1x16xf32> to vector<16xf32>
        %get3A_231 = arith.index_cast %add3A_227 : i32 to index
        %get3A_232 = arith.constant 0 : index
        %get3A_233 = tpu.vector_load %arg22[%get3A_231, %get3A_232] {strides = array<i32>} : memref<128x64xf32, #tpu.memory_space<vmem>>, vector<1x16xf32>,
        %get3A_234 = vector.shape_cast %get3A_233 : vector<1x16xf32> to vector<16xf32>
        %add3A_235 = arith.addf %get3A_230, %get3A_234 : vector<16xf32>
        %get3A_236 = arith.index_cast %add3A_227 : i32 to index
        %get3A_237 = arith.constant 0 : index
        %get3A_238 = tpu.vector_load %arg23[%get3A_236, %get3A_237] {strides = array<i32>} : memref<128x64xf32, #tpu.memory_space<vmem>>, vector<1x16xf32>,
        %get3A_239 = vector.shape_cast %get3A_238 : vector<1x16xf32> to vector<16xf32>
        %add3A_240 = arith.addf %add3A_235, %get3A_239 : vector<16xf32>
        %swap3A = arith.index_cast %scan3A_223 : i32 to index
        %swap3A_241 = arith.constant 0 : index
        %swap3A_242 = tpu.vector_load %arg25[%swap3A, %swap3A_241] {strides = array<i32>} : memref<64x128xf32, #tpu.memory_space<vmem>>, vector<1x16xf32>,
        %swap3A_243 = vector.shape_cast %swap3A_242 : vector<1x16xf32> to vector<16xf32>
        %swap3A_244 = vector.shape_cast %add3A_240 : vector<16xf32> to vector<1x16xf32>
        tpu.vector_store %arg25[%swap3A, %swap3A_241], %swap3A_244 {strides = array<i32>} : memref<64x128xf32, #tpu.memory_space<vmem>>, vector<1x16xf32>,
        %get3A_245 = arith.index_cast %add3A_227 : i32 to index
        %get3A_246 = arith.constant 16 : index
        %get3A_247 = tpu.vector_load %arg21[%get3A_245, %get3A_246] {strides = array<i32>} : memref<128x64xf32, #tpu.memory_space<vmem>>, vector<1x16xf32>,
        %get3A_248 = vector.shape_cast %get3A_247 : vector<1x16xf32> to vector<16xf32>
        %get3A_249 = arith.index_cast %add3A_227 : i32 to index
        %get3A_250 = arith.constant 16 : index
        %get3A_251 = tpu.vector_load %arg22[%get3A_249, %get3A_250] {strides = array<i32>} : memref<128x64xf32, #tpu.memory_space<vmem>>, vector<1x16xf32>,
        %get3A_252 = vector.shape_cast %get3A_251 : vector<1x16xf32> to vector<16xf32>
        %add3A_253 = arith.addf %get3A_248, %get3A_252 : vector<16xf32>
        %get3A_254 = arith.index_cast %add3A_227 : i32 to index
        %get3A_255 = arith.constant 16 : index
        %get3A_256 = tpu.vector_load %arg23[%get3A_254, %get3A_255] {strides = array<i32>} : memref<128x64xf32, #tpu.memory_space<vmem>>, vector<1x16xf32>,
        %get3A_257 = vector.shape_cast %get3A_256 : vector<1x16xf32> to vector<16xf32>
        %add3A_258 = arith.addf %add3A_253, %get3A_257 : vector<16xf32>
        %swap3A_259 = arith.index_cast %scan3A_223 : i32 to index
        %swap3A_260 = arith.constant 16 : index
        %swap3A_261 = tpu.vector_load %arg25[%swap3A_259, %swap3A_260] {strides = array<i32>} : memref<64x128xf32, #tpu.memory_space<vmem>>, vector<1x16xf32>,
        %swap3A_262 = vector.shape_cast %swap3A_261 : vector<1x16xf32> to vector<16xf32>
        %swap3A_263 = vector.shape_cast %add3A_258 : vector<16xf32> to vector<1x16xf32>
        tpu.vector_store %arg25[%swap3A_259, %swap3A_260], %swap3A_263 {strides = array<i32>} : memref<64x128xf32, #tpu.memory_space<vmem>>, vector<1x16xf32>,
        %get3A_264 = arith.index_cast %add3A_227 : i32 to index
        %get3A_265 = arith.constant 32 : index
        %get3A_266 = tpu.vector_load %arg21[%get3A_264, %get3A_265] {strides = array<i32>} : memref<128x64xf32, #tpu.memory_space<vmem>>, vector<1x16xf32>,
        %get3A_267 = vector.shape_cast %get3A_266 : vector<1x16xf32> to vector<16xf32>
        %get3A_268 = arith.index_cast %add3A_227 : i32 to index
        %get3A_269 = arith.constant 32 : index
        %get3A_270 = tpu.vector_load %arg22[%get3A_268, %get3A_269] {strides = array<i32>} : memref<128x64xf32, #tpu.memory_space<vmem>>, vector<1x16xf32>,
        %get3A_271 = vector.shape_cast %get3A_270 : vector<1x16xf32> to vector<16xf32>
        %add3A_272 = arith.addf %get3A_267, %get3A_271 : vector<16xf32>
        %get3A_273 = arith.index_cast %add3A_227 : i32 to index
        %get3A_274 = arith.constant 32 : index
        %get3A_275 = tpu.vector_load %arg23[%get3A_273, %get3A_274] {strides = array<i32>} : memref<128x64xf32, #tpu.memory_space<vmem>>, vector<1x16xf32>,
        %get3A_276 = vector.shape_cast %get3A_275 : vector<1x16xf32> to vector<16xf32>
        %add3A_277 = arith.addf %add3A_272, %get3A_276 : vector<16xf32>
        %swap3A_278 = arith.index_cast %scan3A_223 : i32 to index
        %swap3A_279 = arith.constant 32 : index
        %swap3A_280 = tpu.vector_load %arg25[%swap3A_278, %swap3A_279] {strides = array<i32>} : memref<64x128xf32, #tpu.memory_space<vmem>>, vector<1x16xf32>,
        %swap3A_281 = vector.shape_cast %swap3A_280 : vector<1x16xf32> to vector<16xf32>
        %swap3A_282 = vector.shape_cast %add3A_277 : vector<16xf32> to vector<1x16xf32>
        tpu.vector_store %arg25[%swap3A_278, %swap3A_279], %swap3A_282 {strides = array<i32>} : memref<64x128xf32, #tpu.memory_space<vmem>>, vector<1x16xf32>,
        %get3A_283 = arith.index_cast %add3A_227 : i32 to index
        %get3A_284 = arith.constant 34 : index
        %get3A_285 = tpu.vector_load %arg21[%get3A_283, %get3A_284] {strides = array<i32>} : memref<128x64xf32, #tpu.memory_space<vmem>>, vector<1x16xf32>,
        %get3A_286 = vector.shape_cast %get3A_285 : vector<1x16xf32> to vector<16xf32>
        %get3A_287 = arith.index_cast %add3A_227 : i32 to index
        %get3A_288 = arith.constant 34 : index
        %get3A_289 = tpu.vector_load %arg22[%get3A_287, %get3A_288] {strides = array<i32>} : memref<128x64xf32, #tpu.memory_space<vmem>>, vector<1x16xf32>,
        %get3A_290 = vector.shape_cast %get3A_289 : vector<1x16xf32> to vector<16xf32>
        %add3A_291 = arith.addf %get3A_286, %get3A_290 : vector<16xf32>
        %get3A_292 = arith.index_cast %add3A_227 : i32 to index
        %get3A_293 = arith.constant 34 : index
        %get3A_294 = tpu.vector_load %arg23[%get3A_292, %get3A_293] {strides = array<i32>} : memref<128x64xf32, #tpu.memory_space<vmem>>, vector<1x16xf32>,
        %get3A_295 = vector.shape_cast %get3A_294 : vector<1x16xf32> to vector<16xf32>
        %add3A_296 = arith.addf %add3A_291, %get3A_295 : vector<16xf32>
        %swap3A_297 = arith.index_cast %scan3A_223 : i32 to index
        %swap3A_298 = arith.constant 34 : index
        %swap3A_299 = tpu.vector_load %arg25[%swap3A_297, %swap3A_298] {strides = array<i32>} : memref<64x128xf32, #tpu.memory_space<vmem>>, vector<1x16xf32>,
        %swap3A_300 = vector.shape_cast %swap3A_299 : vector<1x16xf32> to vector<16xf32>
        %swap3A_301 = vector.shape_cast %add3A_296 : vector<16xf32> to vector<1x16xf32>
        tpu.vector_store %arg25[%swap3A_297, %swap3A_298], %swap3A_301 {strides = array<i32>} : memref<64x128xf32, #tpu.memory_space<vmem>>, vector<1x16xf32>,
        %mul3A_302 = arith.constant 2 : i32
        %mul3A_303 = arith.muli %mul3A_302, %scan3A_223 : i32
        %add3A_304 = arith.constant 1 : i32
        %add3A_305 = arith.addi %mul3A_303, %add3A_304 : i32
        %get3A_306 = arith.index_cast %add3A_305 : i32 to index
        %get3A_307 = arith.constant 0 : index
        %get3A_308 = tpu.vector_load %arg21[%get3A_306, %get3A_307] {strides = array<i32>} : memref<128x64xf32, #tpu.memory_space<vmem>>, vector<1x16xf32>,
        %get3A_309 = vector.shape_cast %get3A_308 : vector<1x16xf32> to vector<16xf32>
        %get3A_310 = arith.index_cast %add3A_305 : i32 to index
        %get3A_311 = arith.constant 0 : index
        %get3A_312 = tpu.vector_load %arg22[%get3A_310, %get3A_311] {strides = array<i32>} : memref<128x64xf32, #tpu.memory_space<vmem>>, vector<1x16xf32>,
        %get3A_313 = vector.shape_cast %get3A_312 : vector<1x16xf32> to vector<16xf32>
        %add3A_314 = arith.addf %get3A_309, %get3A_313 : vector<16xf32>
        %get3A_315 = arith.index_cast %add3A_305 : i32 to index
        %get3A_316 = arith.constant 0 : index
        %get3A_317 = tpu.vector_load %arg23[%get3A_315, %get3A_316] {strides = array<i32>} : memref<128x64xf32, #tpu.memory_space<vmem>>, vector<1x16xf32>,
        %get3A_318 = vector.shape_cast %get3A_317 : vector<1x16xf32> to vector<16xf32>
        %add3A_319 = arith.addf %add3A_314, %get3A_318 : vector<16xf32>
        %swap3A_320 = arith.index_cast %scan3A_223 : i32 to index
        %swap3A_321 = arith.constant 64 : index
        %swap3A_322 = tpu.vector_load %arg25[%swap3A_320, %swap3A_321] {strides = array<i32>} : memref<64x128xf32, #tpu.memory_space<vmem>>, vector<1x16xf32>,
        %swap3A_323 = vector.shape_cast %swap3A_322 : vector<1x16xf32> to vector<16xf32>
        %swap3A_324 = vector.shape_cast %add3A_319 : vector<16xf32> to vector<1x16xf32>
        tpu.vector_store %arg25[%swap3A_320, %swap3A_321], %swap3A_324 {strides = array<i32>} : memref<64x128xf32, #tpu.memory_space<vmem>>, vector<1x16xf32>,
        %get3A_325 = arith.index_cast %add3A_305 : i32 to index
        %get3A_326 = arith.constant 16 : index
        %get3A_327 = tpu.vector_load %arg21[%get3A_325, %get3A_326] {strides = array<i32>} : memref<128x64xf32, #tpu.memory_space<vmem>>, vector<1x16xf32>,
        %get3A_328 = vector.shape_cast %get3A_327 : vector<1x16xf32> to vector<16xf32>
        %get3A_329 = arith.index_cast %add3A_305 : i32 to index
        %get3A_330 = arith.constant 16 : index
        %get3A_331 = tpu.vector_load %arg22[%get3A_329, %get3A_330] {strides = array<i32>} : memref<128x64xf32, #tpu.memory_space<vmem>>, vector<1x16xf32>,
        %get3A_332 = vector.shape_cast %get3A_331 : vector<1x16xf32> to vector<16xf32>
        %add3A_333 = arith.addf %get3A_328, %get3A_332 : vector<16xf32>
        %get3A_334 = arith.index_cast %add3A_305 : i32 to index
        %get3A_335 = arith.constant 16 : index
        %get3A_336 = tpu.vector_load %arg23[%get3A_334, %get3A_335] {strides = array<i32>} : memref<128x64xf32, #tpu.memory_space<vmem>>, vector<1x16xf32>,
        %get3A_337 = vector.shape_cast %get3A_336 : vector<1x16xf32> to vector<16xf32>
        %add3A_338 = arith.addf %add3A_333, %get3A_337 : vector<16xf32>
        %swap3A_339 = arith.index_cast %scan3A_223 : i32 to index
        %swap3A_340 = arith.constant 80 : index
        %swap3A_341 = tpu.vector_load %arg25[%swap3A_339, %swap3A_340] {strides = array<i32>} : memref<64x128xf32, #tpu.memory_space<vmem>>, vector<1x16xf32>,
        %swap3A_342 = vector.shape_cast %swap3A_341 : vector<1x16xf32> to vector<16xf32>
        %swap3A_343 = vector.shape_cast %add3A_338 : vector<16xf32> to vector<1x16xf32>
        tpu.vector_store %arg25[%swap3A_339, %swap3A_340], %swap3A_343 {strides = array<i32>} : memref<64x128xf32, #tpu.memory_space<vmem>>, vector<1x16xf32>,
        %get3A_344 = arith.index_cast %add3A_305 : i32 to index
        %get3A_345 = arith.constant 32 : index
        %get3A_346 = tpu.vector_load %arg21[%get3A_344, %get3A_345] {strides = array<i32>} : memref<128x64xf32, #tpu.memory_space<vmem>>, vector<1x16xf32>,
        %get3A_347 = vector.shape_cast %get3A_346 : vector<1x16xf32> to vector<16xf32>
        %get3A_348 = arith.index_cast %add3A_305 : i32 to index
        %get3A_349 = arith.constant 32 : index
        %get3A_350 = tpu.vector_load %arg22[%get3A_348, %get3A_349] {strides = array<i32>} : memref<128x64xf32, #tpu.memory_space<vmem>>, vector<1x16xf32>,
        %get3A_351 = vector.shape_cast %get3A_350 : vector<1x16xf32> to vector<16xf32>
        %add3A_352 = arith.addf %get3A_347, %get3A_351 : vector<16xf32>
        %get3A_353 = arith.index_cast %add3A_305 : i32 to index
        %get3A_354 = arith.constant 32 : index
        %get3A_355 = tpu.vector_load %arg23[%get3A_353, %get3A_354] {strides = array<i32>} : memref<128x64xf32, #tpu.memory_space<vmem>>, vector<1x16xf32>,
        %get3A_356 = vector.shape_cast %get3A_355 : vector<1x16xf32> to vector<16xf32>
        %add3A_357 = arith.addf %add3A_352, %get3A_356 : vector<16xf32>
        %swap3A_358 = arith.index_cast %scan3A_223 : i32 to index
        %swap3A_359 = arith.constant 96 : index
        %swap3A_360 = tpu.vector_load %arg25[%swap3A_358, %swap3A_359] {strides = array<i32>} : memref<64x128xf32, #tpu.memory_space<vmem>>, vector<1x16xf32>,
        %swap3A_361 = vector.shape_cast %swap3A_360 : vector<1x16xf32> to vector<16xf32>
        %swap3A_362 = vector.shape_cast %add3A_357 : vector<16xf32> to vector<1x16xf32>
        tpu.vector_store %arg25[%swap3A_358, %swap3A_359], %swap3A_362 {strides = array<i32>} : memref<64x128xf32, #tpu.memory_space<vmem>>, vector<1x16xf32>,
        %get3A_363 = arith.index_cast %add3A_305 : i32 to index
        %get3A_364 = arith.constant 34 : index
        %get3A_365 = tpu.vector_load %arg21[%get3A_363, %get3A_364] {strides = array<i32>} : memref<128x64xf32, #tpu.memory_space<vmem>>, vector<1x16xf32>,
        %get3A_366 = vector.shape_cast %get3A_365 : vector<1x16xf32> to vector<16xf32>
        %get3A_367 = arith.index_cast %add3A_305 : i32 to index
        %get3A_368 = arith.constant 34 : index
        %get3A_369 = tpu.vector_load %arg22[%get3A_367, %get3A_368] {strides = array<i32>} : memref<128x64xf32, #tpu.memory_space<vmem>>, vector<1x16xf32>,
        %get3A_370 = vector.shape_cast %get3A_369 : vector<1x16xf32> to vector<16xf32>
        %add3A_371 = arith.addf %get3A_366, %get3A_370 : vector<16xf32>
        %get3A_372 = arith.index_cast %add3A_305 : i32 to index
        %get3A_373 = arith.constant 34 : index
        %get3A_374 = tpu.vector_load %arg23[%get3A_372, %get3A_373] {strides = array<i32>} : memref<128x64xf32, #tpu.memory_space<vmem>>, vector<1x16xf32>,
        %get3A_375 = vector.shape_cast %get3A_374 : vector<1x16xf32> to vector<16xf32>
        %add3A_376 = arith.addf %add3A_371, %get3A_375 : vector<16xf32>
        %swap3A_377 = arith.index_cast %scan3A_223 : i32 to index
        %swap3A_378 = arith.constant 98 : index
        %swap3A_379 = tpu.vector_load %arg25[%swap3A_377, %swap3A_378] {strides = array<i32>} : memref<64x128xf32, #tpu.memory_space<vmem>>, vector<1x16xf32>,
        %swap3A_380 = vector.shape_cast %swap3A_379 : vector<1x16xf32> to vector<16xf32>
        %swap3A_381 = vector.shape_cast %add3A_376 : vector<16xf32> to vector<1x16xf32>
        tpu.vector_store %arg25[%swap3A_377, %swap3A_378], %swap3A_381 {strides = array<i32>} : memref<64x128xf32, #tpu.memory_space<vmem>>, vector<1x16xf32>,
      }
      %scan3A_170 = arith.constant 64 : i32
      %jit3A_171 = arith.constant 64 : i32
      %div3A_172 = arith.divsi %add3A_54, %jit3A_171 : i32
      %sign3A_173 = arith.constant 0 : i32
      %sign3A_174 = arith.cmpi sgt, %add3A_54, %sign3A_173 : i32
      %sign3A_175 = arith.extui %sign3A_174 : i1 to i32
      %sign3A_176 = arith.constant 0 : i32
      %sign3A_177 = arith.cmpi slt, %add3A_54, %sign3A_176 : i32
      %sign3A_178 = arith.extui %sign3A_177 : i1 to i32
      %sign3A_179 = arith.subi %sign3A_175, %sign3A_178 : i32
      %sign3A_180 = arith.constant 0 : i32
      %sign3A_181 = arith.cmpi sgt, %jit3A_171, %sign3A_180 : i32
      %sign3A_182 = arith.extui %sign3A_181 : i1 to i32
      %sign3A_183 = arith.constant 0 : i32
      %sign3A_184 = arith.cmpi slt, %jit3A_171, %sign3A_183 : i32
      %sign3A_185 = arith.extui %sign3A_184 : i1 to i32
      %sign3A_186 = arith.subi %sign3A_182, %sign3A_185 : i32
      %ne3A_187 = arith.cmpi ne, %sign3A_179, %sign3A_186 : i32
      %rem3A_188 = arith.remsi %add3A_54, %jit3A_171 : i32
      %ne3A_189 = arith.constant 0 : i32
      %ne3A_190 = arith.cmpi ne, %rem3A_188, %ne3A_189 : i32
      %and3A_191 = arith.andi %ne3A_187, %ne3A_190 : i1
      %sub3A_192 = arith.constant 1 : i32
      %sub3A_193 = arith.subi %div3A_172, %sub3A_192 : i32
      %select_n3A_194 = arith.select %and3A_191, %sub3A_193, %div3A_172 : i32
      %jit3A_195 = arith.constant 64 : i32
      %eq3A_196 = arith.constant 0 : i32
      %eq3A_197 = arith.cmpi eq, %jit3A_195, %eq3A_196 : i32
      %jit3A_198 = arith.constant 1 : i32
      %select_n3A_199 = arith.select %eq3A_197, %jit3A_198, %jit3A_195 : i32
      %rem3A_200 = arith.remsi %add3A_54, %select_n3A_199 : i32
      %ne3A_201 = arith.constant 0 : i32
      %ne3A_202 = arith.cmpi ne, %rem3A_200, %ne3A_201 : i32
      %lt3A_203 = arith.constant 0 : i32
      %lt3A_204 = arith.cmpi slt, %rem3A_200, %lt3A_203 : i32
      %lt3A_205 = arith.constant 0 : i32
      %lt3A_206 = arith.cmpi slt, %select_n3A_199, %lt3A_205 : i32
      %ne3A_207 = arith.xori %lt3A_204, %lt3A_206 : i1
      %and3A_208 = arith.andi %ne3A_207, %ne3A_202 : i1
      %add3A_209 = arith.addi %rem3A_200, %select_n3A_199 : i32
      %select_n3A_210 = arith.select %and3A_208, %add3A_209, %rem3A_200 : i32
      %mul3A_211 = arith.constant 64 : i32
      %mul3A_212 = arith.muli %select_n3A_210, %mul3A_211 : i32
      %dma_start3A_213 = arith.constant 0 : i32
      %dma_start3A_214 = tpu.memref_slice %arg9[%select_n3A_194, %mul3A_212, %dma_start3A_213] : memref<5x4096x128xf32, #tpu.memory_space<hbm>> -> memref<1x64x128xf32, #tpu.memory_space<hbm>>
      %dma_start3A_215 = tpu.memref_squeeze %dma_start3A_214 : memref<1x64x128xf32, #tpu.memory_space<hbm>> -> memref<64x128xf32, #tpu.memory_space<hbm>>
      %dma_start3A_216 = arith.constant 0 : i32
      %dma_start3A_217 = tpu.memref_slice %arg9[%select_n3A_194, %mul3A_212, %dma_start3A_216] : memref<5x4096x128xf32, #tpu.memory_space<hbm>> -> memref<1x64x128xf32, #tpu.memory_space<hbm>>
      %dma_start3A_218 = tpu.memref_squeeze %dma_start3A_217 : memref<1x64x128xf32, #tpu.memory_space<hbm>> -> memref<64x128xf32, #tpu.memory_space<hbm>>
      tpu.enqueue_dma source(%arg25 : memref<64x128xf32, #tpu.memory_space<vmem>>) target(%dma_start3A_218 : memref<64x128xf32, #tpu.memory_space<hbm>>) target_semaphore(%arg31 : memref<!tpu.dma_semaphore, #tpu.memory_space<semaphore_mem>>)
      %dma_wait3A_219 = arith.constant 0 : i32
      %dma_wait3A_220 = tpu.memref_slice %arg4[%dma_wait3A_219] : memref<100000xi32, #tpu.memory_space<hbm>> -> memref<100000xi32, #tpu.memory_space<hbm>>
      tpu.wait_indirect_dma semaphore(%arg26 : memref<!tpu.dma_semaphore, #tpu.memory_space<semaphore_mem>>) src(%dma_wait3A_220 : memref<100000xi32, #tpu.memory_space<hbm>>) dst(%arg14 : memref<128xi32, #tpu.memory_space<vmem>>)
      %dma_wait3A_221 = arith.constant 0 : i32
      %dma_wait3A_222 = tpu.memref_slice %arg5[%dma_wait3A_221] : memref<100000xi32, #tpu.memory_space<hbm>> -> memref<100000xi32, #tpu.memory_space<hbm>>
      tpu.wait_indirect_dma semaphore(%arg26 : memref<!tpu.dma_semaphore, #tpu.memory_space<semaphore_mem>>) src(%dma_wait3A_222 : memref<100000xi32, #tpu.memory_space<hbm>>) dst(%arg16 : memref<128xi32, #tpu.memory_space<vmem>>)
    }
    %scan3A_30 = arith.constant 5 : i32
    %dma_wait3A_31 = arith.constant 0 : i32
    %dma_wait3A_32 = arith.constant 0 : i32
    %dma_wait3A_33 = arith.constant 0 : i32
    %dma_wait3A_34 = tpu.memref_slice %arg9[%dma_wait3A_31, %dma_wait3A_32, %dma_wait3A_33] : memref<5x4096x128xf32, #tpu.memory_space<hbm>> -> memref<1x64x128xf32, #tpu.memory_space<hbm>>
    %dma_wait3A_35 = tpu.memref_squeeze %dma_wait3A_34 : memref<1x64x128xf32, #tpu.memory_space<hbm>> -> memref<64x128xf32, #tpu.memory_space<hbm>>
    %dma_wait3A_36 = arith.constant 0 : i32
    %dma_wait3A_37 = arith.constant 0 : i32
    %dma_wait3A_38 = tpu.memref_slice %arg9[%dma_wait3A_31, %dma_wait3A_36, %dma_wait3A_37] : memref<5x4096x128xf32, #tpu.memory_space<hbm>> -> memref<1x64x128xf32, #tpu.memory_space<hbm>>
    %dma_wait3A_39 = tpu.memref_squeeze %dma_wait3A_38 : memref<1x64x128xf32, #tpu.memory_space<hbm>> -> memref<64x128xf32, #tpu.memory_space<hbm>>
    tpu.wait_dma2 semaphore(%arg30 : memref<!tpu.dma_semaphore, #tpu.memory_space<semaphore_mem>>) src(%arg24 : memref<64x128xf32, #tpu.memory_space<vmem>>) dst(%dma_wait3A_39 : memref<64x128xf32, #tpu.memory_space<hbm>>)
    %dma_wait3A_40 = arith.constant 0 : i32
    %dma_wait3A_41 = arith.constant 0 : i32
    %dma_wait3A_42 = arith.constant 0 : i32
    %dma_wait3A_43 = tpu.memref_slice %arg9[%dma_wait3A_40, %dma_wait3A_41, %dma_wait3A_42] : memref<5x4096x128xf32, #tpu.memory_space<hbm>> -> memref<1x64x128xf32, #tpu.memory_space<hbm>>
    %dma_wait3A_44 = tpu.memref_squeeze %dma_wait3A_43 : memref<1x64x128xf32, #tpu.memory_space<hbm>> -> memref<64x128xf32, #tpu.memory_space<hbm>>
    %dma_wait3A_45 = arith.constant 0 : i32
    %dma_wait3A_46 = arith.constant 0 : i32
    %dma_wait3A_47 = tpu.memref_slice %arg9[%dma_wait3A_40, %dma_wait3A_45, %dma_wait3A_46] : memref<5x4096x128xf32, #tpu.memory_space<hbm>> -> memref<1x64x128xf32, #tpu.memory_space<hbm>>
    %dma_wait3A_48 = tpu.memref_squeeze %dma_wait3A_47 : memref<1x64x128xf32, #tpu.memory_space<hbm>> -> memref<64x128xf32, #tpu.memory_space<hbm>>
    tpu.wait_dma2 semaphore(%arg31 : memref<!tpu.dma_semaphore, #tpu.memory_space<semaphore_mem>>) src(%arg25 : memref<64x128xf32, #tpu.memory_space<vmem>>) dst(%dma_wait3A_48 : memref<64x128xf32, #tpu.memory_space<hbm>>)
    return
  }
}

module attributes {stable_mosaic.version = 14 : i64} {
  func.func @body(%arg0: i32, %arg1: memref<5x512x128xf32, #tpu.memory_space<vmem>>, %arg2: memref<5x128x300xf32, #tpu.memory_space<vmem>>, %arg3: memref<1x300xf32, #tpu.memory_space<vmem>>, %arg4: memref<300x90xf32, #tpu.memory_space<vmem>>, %arg5: memref<1x90xf32, #tpu.memory_space<vmem>>, %arg6: memref<512x90xf32, #tpu.memory_space<vmem>>) attributes {dimension_semantics = [#tpu.dimension_semantics<arbitrary>], iteration_bounds = array<i64: 8>, scalar_prefetch = 0 : i64, scratch_operands = 0 : i64, tpu.core_type = #tpu.core_type<tc>, window_params = [{transform_indices = @transform_0, window_bounds = array<i64: 5, 512, 128>}, {pipeline_mode = #tpu.pipeline_mode<synchronous>, transform_indices = @transform_1, window_bounds = array<i64: 5, 128, 300>}, {pipeline_mode = #tpu.pipeline_mode<synchronous>, transform_indices = @transform_2, window_bounds = array<i64: 1, 300>}, {pipeline_mode = #tpu.pipeline_mode<synchronous>, transform_indices = @transform_3, window_bounds = array<i64: 300, 90>}, {pipeline_mode = #tpu.pipeline_mode<synchronous>, transform_indices = @transform_4, window_bounds = array<i64: 1, 90>}, {transform_indices = @transform_5, window_bounds = array<i64: 512, 90>}]} {
    %get3A = arith.constant 0 : index
    %get3A_0 = arith.constant 0 : index
    %get3A_1 = vector.load %arg3[%get3A, %get3A_0] : memref<1x300xf32, #tpu.memory_space<vmem>>, vector<1x300xf32>
    %broadcast_in_dim3A = vector.shape_cast %get3A_1 : vector<1x300xf32> to vector<1x300xf32>
    %broadcast_in_dim3A_2 = vector.broadcast %broadcast_in_dim3A : vector<1x300xf32> to vector<512x300xf32>
    %get3A_3 = arith.constant 0 : index
    %get3A_4 = arith.constant 0 : index
    %get3A_5 = arith.constant 0 : index
    %get3A_6 = vector.load %arg1[%get3A_3, %get3A_4, %get3A_5] : memref<5x512x128xf32, #tpu.memory_space<vmem>>, vector<1x512x128xf32>
    %get3A_7 = vector.shape_cast %get3A_6 : vector<1x512x128xf32> to vector<512x128xf32>
    %get3A_8 = arith.constant 0 : index
    %get3A_9 = arith.constant 0 : index
    %get3A_10 = arith.constant 0 : index
    %get3A_11 = vector.load %arg2[%get3A_8, %get3A_9, %get3A_10] : memref<5x128x300xf32, #tpu.memory_space<vmem>>, vector<1x128x300xf32>
    %get3A_12 = vector.shape_cast %get3A_11 : vector<1x128x300xf32> to vector<128x300xf32>
    %dot_general3A = arith.constant dense<0.000000e+00> : vector<512x300xf32>
    %dot_general3A_13 = tpu.matmul %get3A_7, %get3A_12, %dot_general3A {dimension_numbers = #tpu.dot_dimension_numbers<[1], [0], [0], [1], [0, 0, 1, 1], [], []>, transpose_lhs_hint = false} : vector<512x128xf32>, vector<128x300xf32>, vector<512x300xf32> -> vector<512x300xf32>
    %add3A = arith.addf %broadcast_in_dim3A_2, %dot_general3A_13 : vector<512x300xf32>
    %get3A_14 = arith.constant 1 : index
    %get3A_15 = arith.constant 0 : index
    %get3A_16 = arith.constant 0 : index
    %get3A_17 = vector.load %arg1[%get3A_14, %get3A_15, %get3A_16] : memref<5x512x128xf32, #tpu.memory_space<vmem>>, vector<1x512x128xf32>
    %get3A_18 = vector.shape_cast %get3A_17 : vector<1x512x128xf32> to vector<512x128xf32>
    %get3A_19 = arith.constant 1 : index
    %get3A_20 = arith.constant 0 : index
    %get3A_21 = arith.constant 0 : index
    %get3A_22 = vector.load %arg2[%get3A_19, %get3A_20, %get3A_21] : memref<5x128x300xf32, #tpu.memory_space<vmem>>, vector<1x128x300xf32>
    %get3A_23 = vector.shape_cast %get3A_22 : vector<1x128x300xf32> to vector<128x300xf32>
    %dot_general3A_24 = arith.constant dense<0.000000e+00> : vector<512x300xf32>
    %dot_general3A_25 = tpu.matmul %get3A_18, %get3A_23, %dot_general3A_24 {dimension_numbers = #tpu.dot_dimension_numbers<[1], [0], [0], [1], [0, 0, 1, 1], [], []>, transpose_lhs_hint = false} : vector<512x128xf32>, vector<128x300xf32>, vector<512x300xf32> -> vector<512x300xf32>
    %add3A_26 = arith.addf %add3A, %dot_general3A_25 : vector<512x300xf32>
    %get3A_27 = arith.constant 2 : index
    %get3A_28 = arith.constant 0 : index
    %get3A_29 = arith.constant 0 : index
    %get3A_30 = vector.load %arg1[%get3A_27, %get3A_28, %get3A_29] : memref<5x512x128xf32, #tpu.memory_space<vmem>>, vector<1x512x128xf32>
    %get3A_31 = vector.shape_cast %get3A_30 : vector<1x512x128xf32> to vector<512x128xf32>
    %get3A_32 = arith.constant 2 : index
    %get3A_33 = arith.constant 0 : index
    %get3A_34 = arith.constant 0 : index
    %get3A_35 = vector.load %arg2[%get3A_32, %get3A_33, %get3A_34] : memref<5x128x300xf32, #tpu.memory_space<vmem>>, vector<1x128x300xf32>
    %get3A_36 = vector.shape_cast %get3A_35 : vector<1x128x300xf32> to vector<128x300xf32>
    %dot_general3A_37 = arith.constant dense<0.000000e+00> : vector<512x300xf32>
    %dot_general3A_38 = tpu.matmul %get3A_31, %get3A_36, %dot_general3A_37 {dimension_numbers = #tpu.dot_dimension_numbers<[1], [0], [0], [1], [0, 0, 1, 1], [], []>, transpose_lhs_hint = false} : vector<512x128xf32>, vector<128x300xf32>, vector<512x300xf32> -> vector<512x300xf32>
    %add3A_39 = arith.addf %add3A_26, %dot_general3A_38 : vector<512x300xf32>
    %get3A_40 = arith.constant 3 : index
    %get3A_41 = arith.constant 0 : index
    %get3A_42 = arith.constant 0 : index
    %get3A_43 = vector.load %arg1[%get3A_40, %get3A_41, %get3A_42] : memref<5x512x128xf32, #tpu.memory_space<vmem>>, vector<1x512x128xf32>
    %get3A_44 = vector.shape_cast %get3A_43 : vector<1x512x128xf32> to vector<512x128xf32>
    %get3A_45 = arith.constant 3 : index
    %get3A_46 = arith.constant 0 : index
    %get3A_47 = arith.constant 0 : index
    %get3A_48 = vector.load %arg2[%get3A_45, %get3A_46, %get3A_47] : memref<5x128x300xf32, #tpu.memory_space<vmem>>, vector<1x128x300xf32>
    %get3A_49 = vector.shape_cast %get3A_48 : vector<1x128x300xf32> to vector<128x300xf32>
    %dot_general3A_50 = arith.constant dense<0.000000e+00> : vector<512x300xf32>
    %dot_general3A_51 = tpu.matmul %get3A_44, %get3A_49, %dot_general3A_50 {dimension_numbers = #tpu.dot_dimension_numbers<[1], [0], [0], [1], [0, 0, 1, 1], [], []>, transpose_lhs_hint = false} : vector<512x128xf32>, vector<128x300xf32>, vector<512x300xf32> -> vector<512x300xf32>
    %add3A_52 = arith.addf %add3A_39, %dot_general3A_51 : vector<512x300xf32>
    %get3A_53 = arith.constant 4 : index
    %get3A_54 = arith.constant 0 : index
    %get3A_55 = arith.constant 0 : index
    %get3A_56 = vector.load %arg1[%get3A_53, %get3A_54, %get3A_55] : memref<5x512x128xf32, #tpu.memory_space<vmem>>, vector<1x512x128xf32>
    %get3A_57 = vector.shape_cast %get3A_56 : vector<1x512x128xf32> to vector<512x128xf32>
    %get3A_58 = arith.constant 4 : index
    %get3A_59 = arith.constant 0 : index
    %get3A_60 = arith.constant 0 : index
    %get3A_61 = vector.load %arg2[%get3A_58, %get3A_59, %get3A_60] : memref<5x128x300xf32, #tpu.memory_space<vmem>>, vector<1x128x300xf32>
    %get3A_62 = vector.shape_cast %get3A_61 : vector<1x128x300xf32> to vector<128x300xf32>
    %dot_general3A_63 = arith.constant dense<0.000000e+00> : vector<512x300xf32>
    %dot_general3A_64 = tpu.matmul %get3A_57, %get3A_62, %dot_general3A_63 {dimension_numbers = #tpu.dot_dimension_numbers<[1], [0], [0], [1], [0, 0, 1, 1], [], []>, transpose_lhs_hint = false} : vector<512x128xf32>, vector<128x300xf32>, vector<512x300xf32> -> vector<512x300xf32>
    %add3A_65 = arith.addf %add3A_52, %dot_general3A_64 : vector<512x300xf32>
    %tanh3A = math.tanh %add3A_65 : vector<512x300xf32>
    %get3A_66 = arith.constant 0 : index
    %get3A_67 = arith.constant 0 : index
    %get3A_68 = vector.load %arg4[%get3A_66, %get3A_67] : memref<300x90xf32, #tpu.memory_space<vmem>>, vector<300x90xf32>
    %dot_general3A_69 = arith.constant dense<0.000000e+00> : vector<512x90xf32>
    %dot_general3A_70 = tpu.matmul %tanh3A, %get3A_68, %dot_general3A_69 {dimension_numbers = #tpu.dot_dimension_numbers<[1], [0], [0], [1], [0, 0, 1, 1], [], []>, transpose_lhs_hint = false} : vector<512x300xf32>, vector<300x90xf32>, vector<512x90xf32> -> vector<512x90xf32>
    %get3A_71 = arith.constant 0 : index
    %get3A_72 = arith.constant 0 : index
    %get3A_73 = vector.load %arg5[%get3A_71, %get3A_72] : memref<1x90xf32, #tpu.memory_space<vmem>>, vector<1x90xf32>
    %add3A_74 = vector.broadcast %get3A_73 : vector<1x90xf32> to vector<512x90xf32>
    %add3A_75 = arith.addf %dot_general3A_70, %add3A_74 : vector<512x90xf32>
    %slice3A = vector.extract_strided_slice %add3A_75 {offsets = [0, 0], sizes = [512, 45], strides = [1, 1]} : vector<512x90xf32> to vector<512x45xf32>
    %reduce_max3A = arith.constant dense<0xFF800000> : vector<512xf32>
    %reduce_max3A_76 = vector.multi_reduction <maximumf>, %slice3A, %reduce_max3A [1] : vector<512x45xf32> to vector<512xf32>
    %broadcast_in_dim3A_77 = vector.shape_cast %reduce_max3A_76 : vector<512xf32> to vector<512x1xf32>
    %sub3A = vector.broadcast %broadcast_in_dim3A_77 : vector<512x1xf32> to vector<512x45xf32>
    %sub3A_78 = arith.subf %slice3A, %sub3A : vector<512x45xf32>
    %exp3A = math.exp %sub3A_78 : vector<512x45xf32>
    %reduce_sum3A = arith.constant dense<0.000000e+00> : vector<512xf32>
    %reduce_sum3A_79 = vector.multi_reduction <add>, %exp3A, %reduce_sum3A [1] : vector<512x45xf32> to vector<512xf32>
    %broadcast_in_dim3A_80 = vector.shape_cast %reduce_sum3A_79 : vector<512xf32> to vector<512x1xf32>
    %log3A = math.log %broadcast_in_dim3A_80 : vector<512x1xf32>
    %add3A_81 = arith.addf %broadcast_in_dim3A_77, %log3A : vector<512x1xf32>
    %sub3A_82 = vector.broadcast %add3A_81 : vector<512x1xf32> to vector<512x45xf32>
    %sub3A_83 = arith.subf %slice3A, %sub3A_82 : vector<512x45xf32>
    %slice3A_84 = vector.extract_strided_slice %add3A_75 {offsets = [0, 45], sizes = [512, 45], strides = [1, 1]} : vector<512x90xf32> to vector<512x45xf32>
    %reduce_max3A_85 = arith.constant dense<0xFF800000> : vector<512xf32>
    %reduce_max3A_86 = vector.multi_reduction <maximumf>, %slice3A_84, %reduce_max3A_85 [1] : vector<512x45xf32> to vector<512xf32>
    %broadcast_in_dim3A_87 = vector.shape_cast %reduce_max3A_86 : vector<512xf32> to vector<512x1xf32>
    %sub3A_88 = vector.broadcast %broadcast_in_dim3A_87 : vector<512x1xf32> to vector<512x45xf32>
    %sub3A_89 = arith.subf %slice3A_84, %sub3A_88 : vector<512x45xf32>
    %exp3A_90 = math.exp %sub3A_89 : vector<512x45xf32>
    %reduce_sum3A_91 = arith.constant dense<0.000000e+00> : vector<512xf32>
    %reduce_sum3A_92 = vector.multi_reduction <add>, %exp3A_90, %reduce_sum3A_91 [1] : vector<512x45xf32> to vector<512xf32>
    %broadcast_in_dim3A_93 = vector.shape_cast %reduce_sum3A_92 : vector<512xf32> to vector<512x1xf32>
    %log3A_94 = math.log %broadcast_in_dim3A_93 : vector<512x1xf32>
    %add3A_95 = arith.addf %broadcast_in_dim3A_87, %log3A_94 : vector<512x1xf32>
    %sub3A_96 = vector.broadcast %add3A_95 : vector<512x1xf32> to vector<512x45xf32>
    %sub3A_97 = arith.subf %slice3A_84, %sub3A_96 : vector<512x45xf32>
    %concatenate3A = tpu.concatenate %sub3A_83, %sub3A_97 in 1 : vector<512x45xf32>, vector<512x45xf32> -> vector<512x90xf32>
    %swap3A = arith.constant 0 : index
    %swap3A_98 = arith.constant 0 : index
    %swap3A_99 = vector.load %arg6[%swap3A, %swap3A_98] : memref<512x90xf32, #tpu.memory_space<vmem>>, vector<512x90xf32>
    tpu.vector_store %arg6[%swap3A, %swap3A_98], %concatenate3A {strides = array<i32>} : memref<512x90xf32, #tpu.memory_space<vmem>>, vector<512x90xf32>,
    return
  }
  func.func @transform_0(%arg0: i32) -> (i32, i32, i32) {
    %c0_i32 = arith.constant 0 : i32
    %c0_i32_0 = arith.constant 0 : i32
    %c0_i32_1 = arith.constant 0 : i32
    return %c0_i32, %arg0, %c0_i32_0 : i32, i32, i32
  }
  func.func @transform_1(%arg0: i32) -> (i32, i32, i32) {
    %c0_i32 = arith.constant 0 : i32
    %c0_i32_0 = arith.constant 0 : i32
    %c0_i32_1 = arith.constant 0 : i32
    %c0_i32_2 = arith.constant 0 : i32
    return %c0_i32, %c0_i32_0, %c0_i32_1 : i32, i32, i32
  }
  func.func @transform_2(%arg0: i32) -> (i32, i32) {
    %c0_i32 = arith.constant 0 : i32
    %c0_i32_0 = arith.constant 0 : i32
    %c0_i32_1 = arith.constant 0 : i32
    return %c0_i32, %c0_i32_0 : i32, i32
  }
  func.func @transform_3(%arg0: i32) -> (i32, i32) {
    %c0_i32 = arith.constant 0 : i32
    %c0_i32_0 = arith.constant 0 : i32
    %c0_i32_1 = arith.constant 0 : i32
    return %c0_i32, %c0_i32_0 : i32, i32
  }
  func.func @transform_4(%arg0: i32) -> (i32, i32) {
    %c0_i32 = arith.constant 0 : i32
    %c0_i32_0 = arith.constant 0 : i32
    %c0_i32_1 = arith.constant 0 : i32
    return %c0_i32, %c0_i32_0 : i32, i32
  }
  func.func @transform_5(%arg0: i32) -> (i32, i32) {
    %c0_i32 = arith.constant 0 : i32
    %c0_i32_0 = arith.constant 0 : i32
    return %arg0, %c0_i32 : i32, i32
  }
}

</mosaic_0001>

<sc_bundles>
// kernel: kernel.6.cloned.1.call-start
scs
__scs_entry_jumppad:
0x0: {  	(pc) =	sbr.rel $0x88, $3  }
0x1: {  	(tag) =	ssettag $0x0;
	lr =	simm.s32 $0x1  }
0x2: {  	[smem:$0x3F97] =	sst lr;
	_ =	strace $0xD0000000  }
0x3: {  	_ = 	snop  }
0x4: {  	_ = 	snop  }
0x5: {  	_ = 	snop  }
0x6: {  	_ = 	snop  }
0x7: {  	_ = 	snop  }
__scs_overlays_trampoline_lowered:
0x8: {  	[smem:$0x3FA6] =	sst s0  }
0x9: {  	[smem:$0x3FA7] =	sst s1  }
0xa: {  	[smem:$0x3FA8] =	sst s2  }
0xb: {  	[smem:$0x3FA9] =	sst s3  }
0xc: {  	[smem:$0x3FAA] =	sst s4  }
0xd: {  	[smem:$0x3FAB] =	sst s5  }
0xe: {  	[smem:$0x3FAC] =	sst s6  }
0xf: {  	[smem:$0x3FAD] =	sst s7  }
0x10: {  	[smem:$0x3FAE] =	sst s8  }
0x11: {  	[smem:$0x3FAF] =	sst s9;
	s0 =	simm.s32 @!p0 $0x0  }
0x12: {  	s1 =	sld [smem:$0x3F95];
	s0 =	simm.s32 @p0 $0x1  }
0x13: {  	[smem:$0x3FB0] =	sst s0;
	s0 =	simm.s32 @!p1 $0x0  }
0x14: {  	s2 =	sld [smem:$0x3F94];
	s0 =	simm.s32 @p1 $0x1  }
0x15: {  	[smem:$0x3FB1] =	sst s0;
	s0 =	simm.s32 @!p2 $0x0  }
0x16: {  	s3 =	sld [smem:$0x3FDB];
	s0 =	simm.s32 @p2 $0x1  }
0x17: {  	s4 =	simm.s32 $0x1BF5;
	[smem:$0x3FB3] =	sst s0  }
0x18: {  	s0 =	sld [smem:$0x3F96];
	_ =	swait.ge [sflag:s4], $0x0  }
0x19: {  	s7 =	sld [smem:$0x3F97]  }
0x1a: {  	s8 =	sadd.s32 $0xFFFFE003, lr  }
0x1b: {  	s9 =	sadd.s32 $0xFFFFFEF7, lr;
	s5 =	simm.s32 $0xFFFFFFFF;
	p2 =	slt.u32 s8, $0xFFFFF086  }
0x1c: {  	p1 =	slt.u32 s9, $0xF7A;
	s5 =	simm.s32 @!p2 $0x0  }
0x1d: {  	s5 =	simm.s32 @p1 $0x1;
	p0 =	seq.s32 s7, s2  }
0x1e: {  	s7 =	smul.u32 @!p0 $0xF7A, s2;
	p2 =	seq.s32 @!p0 s5, $0x0  }
0x1f: {  	s9 =	smul.u32 $0xF7A, s1;
	s8 =	simm.s32 @!p0 $0x1BF5;
	p2 =	por !p2, p0  }
0x20: {  	[sflag:s8] =	ssyncset.s32 @!p0 $0xFFFFF086;
	s6 =	sadd.s32 @!p0 s3, s7;
	s7 =	simm.s32 @!p0 $0x108  }
0x21: {  	s3 =	sadd.s32 s3, s9;
	s6 =	sadd.s32 @!p0 $0x88, s6;
	s7 =	simm.s32 @p2 $0x1082  }
0x22: {  	[simem:s7], [sflag:s8] =	dma.local @!p0 [hbm:s6], $0xF7A  }
0x23: {  	s9 =	sor.u32 $0xD0000000, s2;
	s6 =	simm.s32 $0x108;
	_ =	swait.ge @!p0 [sflag:s8], $0x0  }
0x24: {  	s3 =	sadd.s32 $0x88, s3;
	s6 =	simm.s32 @!p1 $0x1082;
	[sflag:s4] =	ssyncset.s32 $0xFFFFF086  }
0x25: {  	[simem:s6], [sflag:s4] =	dma.local [hbm:s3], $0xF7A  }
0x26: {  	[smem:$0x3F97] =	sst s1;
	(tag) =	ssettag s2;
	_ =	strace s9  }
0x27: {  	s1 =	sld [smem:$0x3FA7]  }
0x28: {  	s2 =	sld [smem:$0x3FA8]  }
0x29: {  	s4 =	sld [smem:$0x3FAA]  }
0x2a: {  	p0 =	seq.s32 s5, $0x0;
	s5 =	sld [smem:$0x3FAB]  }
0x2b: {  	s6 =	sld [smem:$0x3FAC]  }
0x2c: {  	s7 =	sld [smem:$0x3FAD]  }
0x2d: {  	s3 =	simm.s32 $0x108;
	s8 =	sld [smem:$0x3FAE]  }
0x2e: {  	s3 =	simm.s32 @!p0 $0x1082;
	s9 =	sld [smem:$0x3FAF]  }
0x2f: {  	lr =	sadd.s32 s0, s3;
	s0 =	sld [smem:$0x3FA6]  }
0x30: {  	s3 =	sld [smem:$0x3FA9]  }
0x31: {  	[smem:$0x3FB2] =	sst s10  }
0x32: {  	s10 =	sld [smem:$0x3FB0];
	_ =	sdelay $0x3  }
0x33: {  	p0 =	seq.s32 s10, $0x1;
	s10 =	sld [smem:$0x3FB2];
	_ =	sdelay $0x3  }
0x34: {  	[smem:$0x3FB2] =	sst s10  }
0x35: {  	s10 =	sld [smem:$0x3FB1];
	_ =	sdelay $0x3  }
0x36: {  	p1 =	seq.s32 s10, $0x1;
	s10 =	sld [smem:$0x3FB2];
	_ =	sdelay $0x3  }
0x37: {  	[smem:$0x3FB2] =	sst s10  }
0x38: {  	s10 =	sld [smem:$0x3FB3]  }
0x39: {  	_ = 	snop;
	(pc) =	sbr.ind lr, $3  }
0x3a: {  	_ = 	snop  }
0x3b: {  	_ = 	snop  }
0x3c: {  	p2 =	seq.s32 s10, $0x1;
	s10 =	sld [smem:$0x3FB2]  }
0x3d: {  	_ =	shalt  }
0x3e: {  	_ =	shalt  }
0x3f: {  	_ =	shalt  }
0x40: {  	_ =	shalt  }
0x41: {  	_ =	shalt  }
0x42: {  	_ =	shalt  }
0x43: {  	_ =	shalt  }
0x44: {  	_ =	shalt  }
0x45: {  	_ =	shalt  }
0x46: {  	_ =	shalt  }
0x47: {  	_ =	shalt  }
0x48: {  	_ =	shalt  }
0x49: {  	_ =	shalt  }
0x4a: {  	_ =	shalt  }
0x4b: {  	_ =	shalt  }
0x4c: {  	_ =	shalt  }
0x4d: {  	_ =	shalt  }
0x4e: {  	_ =	shalt  }
0x4f: {  	_ =	shalt  }
0x50: {  	_ =	shalt  }
0x51: {  	_ =	shalt  }
0x52: {  	_ =	shalt  }
0x53: {  	_ =	shalt  }
0x54: {  	_ =	shalt  }
0x55: {  	_ =	shalt  }
0x56: {  	_ =	shalt  }
0x57: {  	_ =	shalt  }
0x58: {  	_ =	shalt  }
0x59: {  	_ =	shalt  }
0x5a: {  	_ =	shalt  }
0x5b: {  	_ =	shalt  }
0x5c: {  	_ =	shalt  }
0x5d: {  	_ =	shalt  }
0x5e: {  	_ =	shalt  }
0x5f: {  	_ =	shalt  }
0x60: {  	_ =	shalt  }
0x61: {  	_ =	shalt  }
0x62: {  	_ =	shalt  }
0x63: {  	_ =	shalt  }
0x64: {  	_ =	shalt  }
0x65: {  	_ =	shalt  }
0x66: {  	_ =	shalt  }
0x67: {  	_ =	shalt  }
0x68: {  	_ =	shalt  }
0x69: {  	_ =	shalt  }
0x6a: {  	_ =	shalt  }
0x6b: {  	_ =	shalt  }
0x6c: {  	_ =	shalt  }
0x6d: {  	_ =	shalt  }
0x6e: {  	_ =	shalt  }
0x6f: {  	_ =	shalt  }
0x70: {  	_ =	shalt  }
0x71: {  	_ =	shalt  }
0x72: {  	_ =	shalt  }
0x73: {  	_ =	shalt  }
0x74: {  	_ =	shalt  }
0x75: {  	_ =	shalt  }
0x76: {  	_ =	shalt  }
0x77: {  	_ =	shalt  }
0x78: {  	_ =	shalt  }
0x79: {  	_ =	shalt  }
0x7a: {  	_ =	shalt  }
0x7b: {  	_ =	shalt  }
0x7c: {  	_ =	shalt  }
0x7d: {  	_ =	shalt  }
0x7e: {  	_ =	shalt  }
0x7f: {  	_ =	shalt  }
0x80: {  	_ =	shalt  }
0x81: {  	_ =	shalt  }
0x82: {  	_ =	shalt  }
0x83: {  	_ =	shalt  }
0x84: {  	_ =	shalt  }
0x85: {  	_ =	shalt  }
0x86: {  	_ =	shalt  }
0x87: {  	_ =	shalt  }
.Lfunc_end0:
.L_simem_size_0:
called_computation_lowered:
.L_overlay_start_0:
0x88: {  	s2 =	sld [smem:$0x3FD9]  }
0x89: {  	s3 =	sld [smem:$0x3FFE];
	_ =	sdelay $0x1  }
0x8a: {  	s1 =	srdreg.scid  }
0x8b: {  	s0 =	sand.u32 $0x1, s1  }
0x8c: {  	s17 =	sshll.u32 s0, $0xA;
	s2 =	sadd.s32 s3, s2  }
0x8d: {  	s2 =	sadd.s32 s2, s17  }
0x8e: {  	[smem:$0x3FBE] =	sst s2  }
0x8f: {  	_ = 	snop  }
0x90: {  	s2 =	sld [smem:$0x3FC8]  }
0x91: {  	s18 =	sld [smem:$0x3FC7]  }
0x92: {  	s4 =	sld [smem:$0x3FD0];
	(tm) =	ssettm $0x1  }
0x93: {  	s5 =	sld [smem:$0x3FFB];
	_ =	sdelay $0x3  }
0x94: {  	_ =	strace s5  }
0x95: {  	s5 =	sld [smem:$0x3FFC];
	_ =	sdelay $0x3  }
0x96: {  	_ =	strace s5  }
0x97: {  	s5 =	sld [smem:$0x3FFD];
	_ =	sdelay $0x3  }
0x98: {  	_ =	strace s5  }
0x99: {  	_ =	strace $0x8FFFFFFF  }
0x9a: {  	s19 =	sld [smem:$0x3FDB];
	_ =	sdelay $0x1  }
0x9b: {  	s6 =	simm.s32 $_scs_section_size  }
0x9c: {  	s7 =	simm.s32 $_size__tile_overlayer_lowered;
	s8 =	simm.s32 $_tile_overlayer_lowered  }
0x9d: {  	s22 =	simm.s32 $0x1BFF;
	s21 =	sshll.u32 s8, $0x1;
	s5 =	sadd.s32 s6, s19  }
0x9e: {  	s9 =	simm.s32 $0x0;
	s20 =	sshll.u32 s7, $0x1;
	s7 =	sadd.s32 s21, s5  }
0x9f: {  	[timem:s9], [sflag:s22] =	dma.local [hbm:s7], s20  }
0xa0: {  	_ =	swait.ge [sflag:s22], s20  }
0xa1: {  	s6 =	ssub.s32 $0x0, s20;
	[sflag:s22] =	ssyncset.done $0x0  }
0xa2: {  	[sflag:s22] =	ssyncadd.s32 s6;
	_ =	sdelay $0x1  }
0xa3: {  	s23 =	simm.s32 $0x1B8B  }
0xa4: {  	_ =	swait.ge [sflag:s23], $0x1  }
0xa5: {  	[sflag:s23] =	ssyncset.done $0x0  }
0xa6: {  	s25 =	simm.s32 $0x1B8E;
	s24 =	sld [smem:$0x3FFE];
	[sflag:s23] =	ssyncadd.s32 $0xFFFFFFFF  }
0xa7: {  	s26 =	simm.s32 $execute0_lowered;
	[smem:$0x3FD2] =	sst s25  }
0xa8: {  	s7 =	sshll.u32 s26, $0x1;
	_ =	strace $0x80000046;
	[dreg:$0x1] =	wrdreg $0xFFFFFFFF  }
0xa9: {  	s28 =	simm.s32 $_size_execute0_lowered;
	s5 =	sadd.s32 s5, s7;
	[dreg:$0x0] =	wrdreg $0x0  }
0xaa: {  	s7 =	sshll.u32 s28, $0x1;
	[dreg:$0x2] =	wrdreg s5  }
0xab: {  	[dreg:$0x3] =	wrdreg s7  }
0xac: {  	[dreg:$0x4] =	wrdreg $0xC0  }
0xad: {  	_ =	task [dreg:s9], $0x5FFFF  }
0xae: {  	[dreg:$0x1] =	wrdreg $0xFFFFFFFF  }
0xaf: {  	[dreg:$0x0] =	wrdreg $0x60  }
0xb0: {  	[dreg:$0x2] =	wrdreg s24  }
0xb1: {  	[dreg:$0x3] =	wrdreg s2  }
0xb2: {  	[dreg:$0x4] =	wrdreg s18  }
0xb3: {  	[dreg:$0x5] =	wrdreg s4  }
0xb4: {  	[dreg:$0x6] =	wrdreg $0x9  }
0xb5: {  	_ =	task.clear_ibuf [dreg:s9], $0x7FFFF;
	_ =	strace $0x90000046  }
0xb6: {  	s29 =	simm.s32 $0x9;
	_ =	strace $0x80000048  }
0xb7: {  	_ =	swait.ge [sflag:s29], $0x1  }
0xb8: {  	[sflag:s29] =	ssyncadd.s32 $0xFFFFFFFF  }
0xb9: {  	_ =	strace $0x90000048  }
0xba: {  	_ =	sfence  }
0xbb: {  	s30 =	sld [smem:$0x0];
	_ =	sdelay $0x2  }
0xbc: {  	s31 =	sshll.u32 s1, $0xD;
	s1 =	sshrl.u32 s1, $0x2  }
0xbd: {  	s3 =	sand.u32 $0x4000, s31;
	s1 =	sadd.s32 s1, s30  }
0xbe: {  	s0 =	sor.u32 s3, s0;
	s1 =	sshll.u32 s1, $0x11  }
0xbf: {  	s0 =	sor.u32 s1, s0  }
0xc0: {  	s0 =	sadd.s32 $0x8F2B, s0  }
0xc1: {  	[sflag:s0] =	ssyncadd.remote.s32 $0x1  }
0xc2: {  	_ =	sfence.sel $0xFFFF  }
0xc3: {  	[dreg:$0x0] =	wrdreg $0xFFFFFFFF;
	(pc) =	sbr.abs _section_cstart, $3  }
0xc4: {  	[dreg:$0x1] =	wrdreg $0xFFFFFFFF  }
0xc5: {  	_ =	task.clear_ibuf [dreg:s9], $0x2FFFF;
	_ =	strace $0x9FFFFFFF  }
0xc6: {  	(tm) =	ssettm $0x7FFFFFFF  }
0xc7: {  	_ =	shalt  }
tec
execute0_lowered:
.L_overlay_start_1:
0x0: {  	(tag) =	ssettag $0x1  }
0x1: {  	s0 =	rddreg [dreg:$0x0]  }
0x2: {  	s1 =	rddreg [dreg:$0x1]  }
0x3: {  	s2 =	rddreg [dreg:$0x2]  }
0x4: {  	s3 =	rddreg [dreg:$0x3]  }
0x5: {  	s5 =	simm.s32 $0x0;
	s4 =	srdreg.scid;
	s7 =	stileid.u32  }
0x6: {  	s15 =	simm.s32 $0x7;
	s16 =	simm.s32 $0x100;
	s17 =	simm.s32 $0x80  }
0x7: {  	s18 =	simm.s32 $0x200;
	s19 =	simm.s32 $0x300;
	s20 =	simm.s32 $0x1  }
0x8: {  	s24 =	simm.s32 $0x180;
	s25 =	simm.s32 $0x280;
	s28 =	simm.s32 $0x3  }
0x9: {  	s30 =	simm.s32 $0x2;
	s21 =	simm.s32 $0x0;
	[smem:$0x7FF] =	sst s5  }
0xa: {  	s6 =	sadd.s32 $0x1600, s0;
	s4 =	sand.u32 $0x1, s4;
	s8 =	sshll.u32 s7, $0x1  }
0xb: {  	s7 =	sadd.s32 $0x2A00, s0;
	s11 =	ssub.s32 $0x2, s4;
	s4 =	sor.u32 s4, s8  }
0xc: {  	s9 =	sadd.s32 $0x3E00, s0;
	s10 =	sadd.s32 $0xD6E00, s0;
	s13 =	smul.u32 $0xA0, s4  }
0xd: {  	_ =	strace $0x80000047;
	s8 =	sadd.s32 $0x13800, s0;
	s12 =	sshrl.u32 s11, $0x1  }
0xe: {  	s26 =	ssub.s32 s11, s12;
	s11 =	smul.u32 $0xA, s4;
	s29 =	sadd.s32 s6, s13  }
0xf: {  	s4 =	simm.s32 $0xA400;
	s31 =	sadd.s32 s7, s13;
	[dreg:$0x5] =	wrdreg s29  }
0x10: {  	s12 =	simm.s32 $0x4;
	s0 =	smax.u32 s26, $0x1;
	[dreg:$0x6] =	wrdreg s31  }
0x11: {  	v0 =	vimm.f32 $0.0e+00;
	s26 =	simm.s32 $0x380;
	s13 =	simm.s32 $0xE400;
	[dreg:$0x7] =	wrdreg s0  }
.LBB2_1:
0x12: {  	[dreg:$0x8] =	wrdreg s21;
	s14 =	simm.s32 $0x0  }
.LBB2_2:
0x13: {  	p0 =	sne.s32 s14, $0x7E00  }
.Ltmp0:
0x14: {  	_ = 	snop;
	(pc) =	sbr.rel @p0 .LBB2_2-.Ltmp0, $4  }
0x15: {  	_ = 	snop  }
0x16: {  	s21 =	sshra.s32 s14, $0x2  }
0x17: {  	[tilespmem:s21+$0xC430] =	vst v0  }
0x18: {  	s14 =	sadd.s32 $0x200, s14;
	[tilespmem:s21+$0xC470] =	vst v0  }
0x19: {  	s14 =	simm.s32 $0x200;
	s21 =	simm.s32 $0x0  }
.LBB2_4:
0x1a: {  	p0 =	sne.s32 s14, $0x7E00;
	[tilespmem:s21+$0xE430] =	vst v0;
	s22 =	smov.u32 s14;
	s14 =	sadd.s32 $0x200, s14  }
.Ltmp1:
0x1b: {  	[tilespmem:s21+$0xE470] =	vst v0;
	(pc) =	sbr.rel @p0 .LBB2_4-.Ltmp1, $2  }
0x1c: {  	_ =	sdelay $0x2  }
0x1d: {  	s21 =	sshra.s32 s22, $0x2  }
0x1e: {  	[tilespmem:s21+$0xE430] =	vst v0  }
0x1f: {  	[tilespmem:s21+$0xE470] =	vst v0;
	s14 =	simm.s32 $0x0;
	s0 =	rddreg [dreg:$0x5]  }
0x20: {  	[tilespmem:s14], [sflag:$0x7] =	stream.linear.gather [hbm4b:s0+s14], $0x80, $0x38;
	[tilespmem:$0x10400] =	vst v63  }
0x21: {  	_ =	swait.ge [sflag:s15], $0x80  }
0x22: {  	[sflag:s15] =	ssyncset.done $0x0  }
0x23: {  	s31 =	rddreg [dreg:$0x6];
	[sflag:s15] =	ssyncadd.s32 $0xFFFFFF80  }
0x24: {  	[tilespmem:s16], [sflag:$0x7] =	stream.linear.gather [hbm4b:s31+s14], $0x80, $0x38;
	[tilespmem:$0x10400] =	vst v63  }
0x25: {  	_ =	swait.ge [sflag:s15], $0x80  }
0x26: {  	[sflag:s15] =	ssyncset.done $0x0  }
0x27: {  	[sflag:s15] =	ssyncadd.s32 $0xFFFFFF80  }
0x28: {  	[tilespmem:s18], [sflag:$0x1] =	stream.indirect.gather [hbm4b:s1+s17], $0x1, s14, s17, $0xb8;
	[tilespmem:$0x10400] =	vst v63  }
0x29: {  	_ = 	snop  }
0x2a: {  	[tilespmem:s19], [sflag:$0x1] =	stream.indirect.gather [hbm4b:s2+s17], $0x1, s14, s17, $0xb8;
	[tilespmem:$0x10400] =	vst v63  }
0x2b: {  	_ =	swait.ge [sflag:s20], $0x80  }
0x2c: {  	[sflag:s20] =	ssyncset.done $0x0  }
0x2d: {  	[sflag:s20] =	ssyncadd.s32 $0xFFFFFF80  }
0x2e: {  	_ =	swait.ge [sflag:s20], $0x80  }
0x2f: {  	[sflag:s20] =	ssyncset.done $0x0  }
0x30: {  	[sflag:s20] =	ssyncadd.s32 $0xFFFFFF80  }
.LBB2_6:
0x31: {  	s21 =	sshll.u32 s14, $0x1;
	s0 =	simm.s32 $0x400  }
0x32: {  	[tilespmem:s0], [sflag:$0x3] =	stream.indirect.gather [hbm4b:s8+s17], $0x40, s16, s17, $0xb8;
	[tilespmem:$0x10400] =	vst v63  }
0x33: {  	s22 =	sadd.s32 s11, s21;
	s21 =	simm.s32 $0x2400  }
0x34: {  	[tilespmem:s21], [sflag:$0x3] =	stream.indirect.gather [hbm4b:s3+s17], $0x40, s18, s17, $0xb8;
	[tilespmem:$0x10400] =	vst v63  }
0x35: {  	s23 =	simm.s32 $0x4400;
	s21 =	sor.u32 $0x1, s22  }
0x36: {  	[tilespmem:s23], [sflag:$0x3] =	stream.indirect.gather [hbm4b:s9+s17], $0x40, s19, s17, $0xb8;
	[tilespmem:$0x10400] =	vst v63  }
0x37: {  	s23 =	sshll.u32 s21, $0x4  }
0x38: {  	s23 =	sand.u32 $0x1FFFFFF0, s23  }
0x39: {  	s29 =	sadd.s32 s6, s23  }
0x3a: {  	[tilespmem:s17], [sflag:$0x7] =	stream.linear.gather [hbm4b:s29+s5], $0x80, $0x38;
	[tilespmem:$0x10400] =	vst v63  }
0x3b: {  	_ =	swait.ge [sflag:s15], $0x80  }
0x3c: {  	[sflag:s15] =	ssyncset.done $0x0  }
0x3d: {  	s23 =	sadd.s32 s7, s23;
	[sflag:s15] =	ssyncadd.s32 $0xFFFFFF80  }
0x3e: {  	[tilespmem:s24], [sflag:$0x7] =	stream.linear.gather [hbm4b:s23+s5], $0x80, $0x38;
	[tilespmem:$0x10400] =	vst v63  }
0x3f: {  	_ =	swait.ge [sflag:s15], $0x80  }
0x40: {  	[sflag:s15] =	ssyncset.done $0x0  }
0x41: {  	p0 =	seq.s32 s14, $0x0;
	[sflag:s15] =	ssyncadd.s32 $0xFFFFFF80  }
0x42: {  	[tilespmem:s25], [sflag:$0x2] =	stream.indirect.gather [hbm4b:s1+s17], $0x1, s17, s17, $0xb8;
	[tilespmem:$0x10400] =	vst v63  }
0x43: {  	s23 =	simm.s32 @!p0 $0x5  }
0x44: {  	[tilespmem:s26], [sflag:$0x2] =	stream.indirect.gather [hbm4b:s2+s17], $0x1, s17, s17, $0xb8;
	[tilespmem:$0x10400] =	vst v63  }
0x45: {  	_ =	swait.ge @!p0 [sflag:s23], $0x2000  }
0x46: {  	[sflag:s23] =	ssyncset.done @!p0 $0x0  }
0x47: {  	[sflag:s23] =	ssyncadd.s32 @!p0 $0xFFFFE000  }
0x48: {  	_ =	swait.ge [sflag:s28], $0x2000  }
0x49: {  	[sflag:s28] =	ssyncset.done $0x0  }
0x4a: {  	[sflag:s28] =	ssyncadd.s32 $0xFFFFE000  }
0x4b: {  	_ =	swait.ge [sflag:s28], $0x2000  }
0x4c: {  	[sflag:s28] =	ssyncset.done $0x0  }
0x4d: {  	[sflag:s28] =	ssyncadd.s32 $0xFFFFE000  }
0x4e: {  	_ =	swait.ge [sflag:s28], $0x2000  }
0x4f: {  	[sflag:s28] =	ssyncset.done $0x0  }
0x50: {  	s29 =	simm.s32 $0x0;
	[sflag:s28] =	ssyncadd.s32 $0xFFFFE000  }
0x51: {  	v2 =	vld [tilespmem:s29+$0x4420]  }
0x52: {  	v1 =	vld [tilespmem:s29+$0x4422]  }
0x53: {  	v3 =	vld [tilespmem:s29+$0x420]  }
0x54: {  	v6 =	vld [tilespmem:s29+$0x2420]  }
0x55: {  	v5 =	vld [tilespmem:s29+$0x422]  }
0x56: {  	v9 =	vld [tilespmem:s29+$0x2422]  }
0x57: {  	v4 =	vld [tilespmem:s29+$0x460]  }
0x58: {  	v8 =	vld [tilespmem:s29+$0x2460]  }
0x59: {  	s31 =	simm.s32 $0x200;
	s23 =	smin.u32 s22, $0x13D;
	v7 =	vld [tilespmem:s29+$0x462]  }
.LBB2_7:
0x5a: {  	p1 =	sne.s32 s31, $0x7E00;
	v10 =	vld [tilespmem:s29+$0x2462]  }
0x5b: {  	v11 =	vld [tilespmem:s29+$0x4460]  }
0x5c: {  	v3 =	vadd.f32 v6, v3;
	v6 =	vld [tilespmem:s29+$0x4462]  }
0x5d: {  	v5 =	vadd.f32 v9, v5;
	v12 =	vld [tilespmem:s29+$0x400]  }
0x5e: {  	v2 =	vadd.f32 v2, v3;
	v3 =	vadd.f32 v8, v4;
	v9 =	vld [tilespmem:s29+$0x2400]  }
0x5f: {  	v1 =	vadd.f32 v1, v5;
	v4 =	vld [tilespmem:s29+$0x410];
	v5 =	vadd.f32 v10, v7  }
0x60: {  	v7 =	vld [tilespmem:s29+$0x2410];
	[tilespmem:s29+$0xC420] =	vst v2;
	v2 =	vadd.f32 v11, v3  }
0x61: {  	[tilespmem:s29+$0xC422] =	vst v1;
	v1 =	vld [tilespmem:s29+$0x440];
	v3 =	vadd.f32 v6, v5  }
0x62: {  	v5 =	vld [tilespmem:s29+$0x2440];
	[tilespmem:s29+$0xC460] =	vst v2  }
0x63: {  	v6 =	vadd.f32 v9, v12;
	v8 =	vld [tilespmem:s29+$0x450];
	[tilespmem:s29+$0xC462] =	vst v3  }
0x64: {  	v3 =	vld [tilespmem:s29+$0x2450]  }
0x65: {  	v9 =	vld [tilespmem:s29+$0x4400];
	v4 =	vadd.f32 v7, v4  }
0x66: {  	v7 =	vld [tilespmem:s29+$0x4410]  }
0x67: {  	v5 =	vadd.f32 v5, v1;
	v10 =	vld [tilespmem:s29+$0x4440]  }
0x68: {  	s0 =	sshra.s32 s31, $0x2;
	v11 =	vld [tilespmem:s29+$0x4450]  }
0x69: {  	v2 =	vld [tilespmem:s0+$0x4420];
	v8 =	vadd.f32 v3, v8  }
0x6a: {  	v1 =	vld [tilespmem:s0+$0x4422];
	v9 =	vadd.f32 v9, v6  }
0x6b: {  	v3 =	vld [tilespmem:s0+$0x420];
	v4 =	vadd.f32 v7, v4  }
0x6c: {  	v6 =	vld [tilespmem:s0+$0x2420];
	[tilespmem:s29+$0xC400] =	vst v9;
	v7 =	vadd.f32 v10, v5  }
.Ltmp2:
0x6d: {  	v5 =	vld [tilespmem:s0+$0x422];
	[tilespmem:s29+$0xC410] =	vst v4;
	v8 =	vadd.f32 v11, v8;
	(pc) =	sbr.rel @p1 .LBB2_7-.Ltmp2, $4  }
0x6e: {  	v9 =	vld [tilespmem:s0+$0x2422];
	[tilespmem:s29+$0xC440] =	vst v7  }
0x6f: {  	v4 =	vld [tilespmem:s0+$0x460];
	[tilespmem:s29+$0xC450] =	vst v8;
	s29 =	smov.u32 s0  }
0x70: {  	v8 =	vld [tilespmem:s29+$0x2460]  }
0x71: {  	s31 =	sadd.s32 $0x200, s31;
	v7 =	vld [tilespmem:s29+$0x462]  }
0x72: {  	v10 =	vld [tilespmem:s29+$0x2462]  }
0x73: {  	v11 =	vld [tilespmem:s29+$0x4460]  }
0x74: {  	v12 =	vld [tilespmem:s29+$0x4462]  }
0x75: {  	v3 =	vadd.f32 v6, v3;
	v6 =	vld [tilespmem:s29+$0x400]  }
0x76: {  	v5 =	vadd.f32 v9, v5;
	v9 =	vld [tilespmem:s29+$0x2400]  }
0x77: {  	v2 =	vadd.f32 v2, v3;
	v3 =	vld [tilespmem:s29+$0x410]  }
0x78: {  	v1 =	vadd.f32 v1, v5;
	v5 =	vld [tilespmem:s29+$0x2410];
	v4 =	vadd.f32 v8, v4  }
0x79: {  	v8 =	vld [tilespmem:s29+$0x4400];
	[tilespmem:s29+$0xC420] =	vst v2  }
0x7a: {  	[tilespmem:s29+$0xC422] =	vst v1;
	v1 =	vadd.f32 v10, v7;
	v2 =	vadd.f32 v11, v4;
	v4 =	vld [tilespmem:s29+$0x440]  }
0x7b: {  	v7 =	vld [tilespmem:s29+$0x2440]  }
0x7c: {  	v10 =	vld [tilespmem:s29+$0x4410];
	v1 =	vadd.f32 v12, v1  }
0x7d: {  	[tilespmem:s29+$0xC460] =	vst v2;
	v2 =	vld [tilespmem:s29+$0x450]  }
0x7e: {  	[tilespmem:s29+$0xC462] =	vst v1;
	v1 =	vld [tilespmem:s29+$0x2450]  }
0x7f: {  	v11 =	vld [tilespmem:s29+$0x4440]  }
0x80: {  	v6 =	vadd.f32 v9, v6;
	v9 =	vld [tilespmem:s29+$0x4450]  }
0x81: {  	v3 =	vadd.f32 v5, v3  }
0x82: {  	v5 =	vadd.f32 v8, v6;
	v4 =	vadd.f32 v7, v4  }
0x83: {  	v1 =	vadd.f32 v1, v2;
	v2 =	vadd.f32 v10, v3  }
0x84: {  	[tilespmem:s29+$0xC400] =	vst v5;
	v3 =	vadd.f32 v11, v4  }
0x85: {  	[tilespmem:s29+$0xC410] =	vst v2;
	v1 =	vadd.f32 v9, v1  }
0x86: {  	s0 =	sshll.u32 s22, $0xA;
	[tilespmem:s29+$0xC440] =	vst v3  }
0x87: {  	s22 =	sadd.s32 s10, s0;
	[tilespmem:s29+$0xC450] =	vst v1;
	s29 =	simm.s32 $0xC400  }
0x88: {  	[hbm4b:s22+s5] =	stream.linear.scatter [tilespmem:s29], [sflag:$0x5], $0x2000, $0x38;
	[tilespmem:$0x10400] =	vst v63  }
0x89: {  	_ =	swait.ge [sflag:s30], $0x80  }
0x8a: {  	[sflag:s30] =	ssyncset.done $0x0  }
0x8b: {  	[sflag:s30] =	ssyncadd.s32 $0xFFFFFF80  }
0x8c: {  	_ =	swait.ge [sflag:s30], $0x80  }
0x8d: {  	[sflag:s30] =	ssyncset.done $0x0  }
0x8e: {  	s31 =	simm.s32 $0x6400;
	[sflag:s30] =	ssyncadd.s32 $0xFFFFFF80  }
0x8f: {  	[tilespmem:s31], [sflag:$0x4] =	stream.indirect.gather [hbm4b:s8+s17], $0x40, s24, s17, $0xb8;
	[tilespmem:$0x10400] =	vst v63  }
0x90: {  	s23 =	sshll.u32 s23, $0x4;
	s31 =	simm.s32 $0x8400  }
0x91: {  	[tilespmem:s31], [sflag:$0x4] =	stream.indirect.gather [hbm4b:s3+s17], $0x40, s25, s17, $0xb8;
	[tilespmem:$0x10400] =	vst v63  }
0x92: {  	s22 =	sadd.s32 $0x20, s23  }
0x93: {  	[tilespmem:s4], [sflag:$0x4] =	stream.indirect.gather [hbm4b:s9+s17], $0x40, s26, s17, $0xb8;
	[tilespmem:$0x10400] =	vst v63  }
0x94: {  	s31 =	sadd.s32 s6, s22  }
0x95: {  	[tilespmem:s5], [sflag:$0x7] =	stream.linear.gather [hbm4b:s31+s5], $0x80, $0x38;
	[tilespmem:$0x10400] =	vst v63  }
0x96: {  	_ =	swait.ge [sflag:s15], $0x80  }
0x97: {  	[sflag:s15] =	ssyncset.done $0x0  }
0x98: {  	s22 =	sadd.s32 s7, s22;
	[sflag:s15] =	ssyncadd.s32 $0xFFFFFF80  }
0x99: {  	[tilespmem:s16], [sflag:$0x7] =	stream.linear.gather [hbm4b:s22+s5], $0x80, $0x38;
	[tilespmem:$0x10400] =	vst v63  }
0x9a: {  	_ =	swait.ge [sflag:s15], $0x80  }
0x9b: {  	[sflag:s15] =	ssyncset.done $0x0  }
0x9c: {  	[sflag:s15] =	ssyncadd.s32 $0xFFFFFF80  }
0x9d: {  	[tilespmem:s18], [sflag:$0x1] =	stream.indirect.gather [hbm4b:s1+s17], $0x1, s5, s17, $0xb8;
	[tilespmem:$0x10400] =	vst v63  }
0x9e: {  	s22 =	simm.s32 @!p0 $0x6  }
0x9f: {  	[tilespmem:s19], [sflag:$0x1] =	stream.indirect.gather [hbm4b:s2+s17], $0x1, s5, s17, $0xb8;
	[tilespmem:$0x10400] =	vst v63  }
0xa0: {  	_ =	swait.ge @!p0 [sflag:s22], $0x2000  }
0xa1: {  	[sflag:s22] =	ssyncset.done @!p0 $0x0  }
0xa2: {  	[sflag:s22] =	ssyncadd.s32 @!p0 $0xFFFFE000  }
0xa3: {  	_ =	swait.ge [sflag:s12], $0x2000  }
0xa4: {  	[sflag:s12] =	ssyncset.done $0x0  }
0xa5: {  	[sflag:s12] =	ssyncadd.s32 $0xFFFFE000  }
0xa6: {  	_ =	swait.ge [sflag:s12], $0x2000  }
0xa7: {  	[sflag:s12] =	ssyncset.done $0x0  }
0xa8: {  	[sflag:s12] =	ssyncadd.s32 $0xFFFFE000  }
0xa9: {  	_ =	swait.ge [sflag:s12], $0x2000  }
0xaa: {  	[sflag:s12] =	ssyncset.done $0x0  }
0xab: {  	s22 =	simm.s32 $0x0;
	[sflag:s12] =	ssyncadd.s32 $0xFFFFE000  }
0xac: {  	v2 =	vld [tilespmem:s22+$0xA420]  }
0xad: {  	v1 =	vld [tilespmem:s22+$0xA422]  }
0xae: {  	v3 =	vld [tilespmem:s22+$0x6420]  }
0xaf: {  	v6 =	vld [tilespmem:s22+$0x8420]  }
0xb0: {  	v5 =	vld [tilespmem:s22+$0x6422]  }
0xb1: {  	v9 =	vld [tilespmem:s22+$0x8422]  }
0xb2: {  	v4 =	vld [tilespmem:s22+$0x6460]  }
0xb3: {  	v8 =	vld [tilespmem:s22+$0x8460]  }
0xb4: {  	s23 =	sand.u32 $0xFFF0000, s0;
	s29 =	simm.s32 $0x200;
	v7 =	vld [tilespmem:s22+$0x6462]  }
.LBB2_9:
0xb5: {  	p0 =	sne.s32 s29, $0x7E00;
	v10 =	vld [tilespmem:s22+$0x8462]  }
0xb6: {  	v11 =	vld [tilespmem:s22+$0xA460]  }
0xb7: {  	v3 =	vadd.f32 v6, v3;
	v6 =	vld [tilespmem:s22+$0xA462]  }
0xb8: {  	v5 =	vadd.f32 v9, v5;
	v12 =	vld [tilespmem:s22+$0x6400]  }
0xb9: {  	v2 =	vadd.f32 v2, v3;
	v3 =	vadd.f32 v8, v4;
	v9 =	vld [tilespmem:s22+$0x8400]  }
0xba: {  	v1 =	vadd.f32 v1, v5;
	v4 =	vld [tilespmem:s22+$0x6410];
	v5 =	vadd.f32 v10, v7  }
0xbb: {  	v7 =	vld [tilespmem:s22+$0x8410];
	[tilespmem:s22+$0xE420] =	vst v2;
	v2 =	vadd.f32 v11, v3  }
0xbc: {  	[tilespmem:s22+$0xE422] =	vst v1;
	v1 =	vld [tilespmem:s22+$0x6440];
	v3 =	vadd.f32 v6, v5  }
0xbd: {  	v5 =	vld [tilespmem:s22+$0x8440];
	[tilespmem:s22+$0xE460] =	vst v2  }
0xbe: {  	v6 =	vadd.f32 v9, v12;
	v8 =	vld [tilespmem:s22+$0x6450];
	[tilespmem:s22+$0xE462] =	vst v3  }
0xbf: {  	v3 =	vld [tilespmem:s22+$0x8450]  }
0xc0: {  	v9 =	vld [tilespmem:s22+$0xA400];
	v4 =	vadd.f32 v7, v4  }
0xc1: {  	v7 =	vld [tilespmem:s22+$0xA410]  }
0xc2: {  	v5 =	vadd.f32 v5, v1;
	v10 =	vld [tilespmem:s22+$0xA440]  }
0xc3: {  	s0 =	sshra.s32 s29, $0x2;
	v11 =	vld [tilespmem:s22+$0xA450]  }
0xc4: {  	v2 =	vld [tilespmem:s0+$0xA420];
	v8 =	vadd.f32 v3, v8  }
0xc5: {  	v1 =	vld [tilespmem:s0+$0xA422];
	v9 =	vadd.f32 v9, v6  }
0xc6: {  	v3 =	vld [tilespmem:s0+$0x6420];
	v4 =	vadd.f32 v7, v4  }
0xc7: {  	v6 =	vld [tilespmem:s0+$0x8420];
	[tilespmem:s22+$0xE400] =	vst v9;
	v7 =	vadd.f32 v10, v5  }
.Ltmp3:
0xc8: {  	v5 =	vld [tilespmem:s0+$0x6422];
	[tilespmem:s22+$0xE410] =	vst v4;
	v8 =	vadd.f32 v11, v8;
	(pc) =	sbr.rel @p0 .LBB2_9-.Ltmp3, $4  }
0xc9: {  	v9 =	vld [tilespmem:s0+$0x8422];
	[tilespmem:s22+$0xE440] =	vst v7  }
0xca: {  	v4 =	vld [tilespmem:s0+$0x6460];
	[tilespmem:s22+$0xE450] =	vst v8;
	s22 =	smov.u32 s0  }
0xcb: {  	v8 =	vld [tilespmem:s22+$0x8460]  }
0xcc: {  	s29 =	sadd.s32 $0x200, s29;
	v7 =	vld [tilespmem:s22+$0x6462]  }
0xcd: {  	v10 =	vld [tilespmem:s22+$0x8462]  }
0xce: {  	v11 =	vld [tilespmem:s22+$0xA460]  }
0xcf: {  	v12 =	vld [tilespmem:s22+$0xA462]  }
0xd0: {  	v3 =	vadd.f32 v6, v3;
	v54 =	vld [tilespmem:s22+$0x6400]  }
0xd1: {  	v55 =	vld [tilespmem:s22+$0x8400];
	v5 =	vadd.f32 v9, v5  }
0xd2: {  	v56 =	vld [tilespmem:s22+$0x8410];
	v2 =	vadd.f32 v2, v3  }
0xd3: {  	v57 =	vld [tilespmem:s22+$0x6440];
	v1 =	vadd.f32 v1, v5  }
0xd4: {  	v58 =	vld [tilespmem:s22+$0x8440];
	v4 =	vadd.f32 v8, v4;
	[tilespmem:s22+$0xE420] =	vst v2  }
0xd5: {  	v59 =	vld [tilespmem:s22+$0xA400];
	[tilespmem:s22+$0xE422] =	vst v1;
	v1 =	vadd.f32 v10, v7  }
0xd6: {  	v60 =	vld [tilespmem:s22+$0xA410];
	v2 =	vadd.f32 v11, v4  }
0xd7: {  	v3 =	vld [tilespmem:s22+$0x6410];
	v1 =	vadd.f32 v12, v1  }
0xd8: {  	[tilespmem:s22+$0xE460] =	vst v2;
	v2 =	vld [tilespmem:s22+$0x6450]  }
0xd9: {  	[tilespmem:s22+$0xE462] =	vst v1;
	v1 =	vld [tilespmem:s22+$0x8450]  }
0xda: {  	v61 =	vld [tilespmem:s22+$0xA440]  }
0xdb: {  	v62 =	vld [tilespmem:s22+$0xA450];
	v6 =	vadd.f32 v55, v54  }
0xdc: {  	v3 =	vadd.f32 v56, v3  }
0xdd: {  	v4 =	vadd.f32 v58, v57;
	v63 =	vadd.f32 v59, v6  }
0xde: {  	v1 =	vadd.f32 v1, v2;
	v2 =	vadd.f32 v60, v3  }
0xdf: {  	[tilespmem:s22+$0xE400] =	vst v63;
	v3 =	vadd.f32 v61, v4  }
0xe0: {  	s0 =	sshll.u32 s21, $0xA;
	[tilespmem:s22+$0xE410] =	vst v2;
	v1 =	vadd.f32 v62, v1  }
0xe1: {  	s31 =	sadd.s32 s10, s23;
	s0 =	sand.u32 $0xFC00, s0;
	[tilespmem:s22+$0xE440] =	vst v3  }
0xe2: {  	s14 =	sadd.s32 $0x1, s14;
	s0 =	sadd.s32 s0, s31;
	[tilespmem:s22+$0xE450] =	vst v1  }
0xe3: {  	[hbm4b:s0+s5] =	stream.linear.scatter [tilespmem:s13], [sflag:$0x6], $0x2000, $0x38;
	[tilespmem:$0x10400] =	vst v63  }
0xe4: {  	p0 =	sne.s32 s14, $0x5;
	_ =	swait.ge [sflag:s20], $0x80  }
.Ltmp4:
0xe5: {  	[sflag:s20] =	ssyncset.done $0x0;
	(pc) =	sbr.rel @p0 .LBB2_6-.Ltmp4, $4  }
0xe6: {  	[sflag:s20] =	ssyncadd.s32 $0xFFFFFF80  }
0xe7: {  	_ =	swait.ge [sflag:s20], $0x80  }
0xe8: {  	[sflag:s20] =	ssyncset.done $0x0  }
0xe9: {  	[sflag:s20] =	ssyncadd.s32 $0xFFFFFF80  }
0xea: {  	s0 =	simm.s32 $0x5  }
0xeb: {  	_ =	swait.ge [sflag:s0], $0x2000  }
0xec: {  	[sflag:s0] =	ssyncset.done $0x0  }
0xed: {  	s14 =	simm.s32 $0x6;
	[sflag:s0] =	ssyncadd.s32 $0xFFFFE000  }
0xee: {  	_ =	swait.ge [sflag:s14], $0x2000  }
0xef: {  	s21 =	rddreg [dreg:$0x8]  }
0xf0: {  	s31 =	rddreg [dreg:$0x7];
	s21 =	sadd.s32 $0x1, s21  }
0xf1: {  	p0 =	sne.s32 s21, s31  }
.Ltmp5:
0xf2: {  	_ = 	snop;
	(pc) =	sbr.rel @p0 .LBB2_1-.Ltmp5, $3  }
0xf3: {  	_ =	sdelay $0x1  }
0xf4: {  	[sflag:s14] =	ssyncset.done $0x0  }
0xf5: {  	[sflag:s14] =	ssyncadd.s32 $0xFFFFE000  }
0xf6: {  	_ =	sfence.sel $0x180000  }
0xf7: {  	[bflag:$0x0] =	sbarrier.arrive $0xFFFF  }
0xf8: {  	_ =	strace $0x90000047  }
0xf9: {  	s0 =	stileid.u32;
	[bflag:$0x2] =	sbarrier.arrive $0xFFFF  }
0xfa: {  	p0 =	sne.s32 s0, $0x0;
	s0 =	rddreg [dreg:$0x4]  }
0xfb: {  	s0 =	sadd.s32 @!p0 $0x100000, s0  }
0xfc: {  	[sflag:s0] =	ssyncadd.tile.s32 @!p0 $0x1;
	_ =	shalt  }
.Lfunc_end2:
_tile_overlayer_lowered:
.L_overlay_start_2:
0xfd: {  	(tag) =	ssettag $0x2  }
0xfe: {  	s0 =	rddreg [dreg:$0x0];
	s2 =	stileid.u32  }
0xff: {  	s1 =	rddreg [dreg:$0x1];
	p0 =	sne.s32 s2, $0x0  }
0x100: {  	s3 =	rddreg [dreg:$0x2];
	[bflag:$0x3] =	sbarrier.arrive $0xFFFF;
	s2 =	simm.s32 @!p0 $0x1C07  }
0x101: {  	[timem:s3], [sflag:s2] =	dma.local @!p0 [hbm:s0], s1  }
0x102: {  	s0 =	simm.s32 @!p0 $0x7  }
0x103: {  	_ =	swait.ge @!p0 [sflag:s0], s1  }
0x104: {  	s1 =	ssub.s32 @!p0 $0x0, s1;
	[sflag:s0] =	ssyncset.done @!p0 $0x0  }
0x105: {  	[sflag:s0] =	ssyncadd.s32 @!p0 s1  }
0x106: {  	[bflag:$0x3] =	sbarrier.arrive $0xFFFF  }
0x107: {  	_ =	shalt  }

// kernel: kernel.9.cloned.1.call-start
scs
__scs_entry_jumppad:
0x0: {  	(pc) =	sbr.rel $0x88, $3  }
0x1: {  	(tag) =	ssettag $0x0;
	lr =	simm.s32 $0x1  }
0x2: {  	[smem:$0x3F97] =	sst lr;
	_ =	strace $0xD0000000  }
0x3: {  	_ = 	snop  }
0x4: {  	_ = 	snop  }
0x5: {  	_ = 	snop  }
0x6: {  	_ = 	snop  }
0x7: {  	_ = 	snop  }
__scs_overlays_trampoline_lowered:
0x8: {  	[smem:$0x3FA6] =	sst s0  }
0x9: {  	[smem:$0x3FA7] =	sst s1  }
0xa: {  	[smem:$0x3FA8] =	sst s2  }
0xb: {  	[smem:$0x3FA9] =	sst s3  }
0xc: {  	[smem:$0x3FAA] =	sst s4  }
0xd: {  	[smem:$0x3FAB] =	sst s5  }
0xe: {  	[smem:$0x3FAC] =	sst s6  }
0xf: {  	[smem:$0x3FAD] =	sst s7  }
0x10: {  	[smem:$0x3FAE] =	sst s8  }
0x11: {  	[smem:$0x3FAF] =	sst s9;
	s0 =	simm.s32 @!p0 $0x0  }
0x12: {  	s1 =	sld [smem:$0x3F95];
	s0 =	simm.s32 @p0 $0x1  }
0x13: {  	[smem:$0x3FB0] =	sst s0;
	s0 =	simm.s32 @!p1 $0x0  }
0x14: {  	s2 =	sld [smem:$0x3F94];
	s0 =	simm.s32 @p1 $0x1  }
0x15: {  	[smem:$0x3FB1] =	sst s0;
	s0 =	simm.s32 @!p2 $0x0  }
0x16: {  	s3 =	sld [smem:$0x3FDB];
	s0 =	simm.s32 @p2 $0x1  }
0x17: {  	s4 =	simm.s32 $0x1BF5;
	[smem:$0x3FB3] =	sst s0  }
0x18: {  	s0 =	sld [smem:$0x3F96];
	_ =	swait.ge [sflag:s4], $0x0  }
0x19: {  	s7 =	sld [smem:$0x3F97]  }
0x1a: {  	s8 =	sadd.s32 $0xFFFFE003, lr  }
0x1b: {  	s9 =	sadd.s32 $0xFFFFFEF7, lr;
	s5 =	simm.s32 $0xFFFFFFFF;
	p2 =	slt.u32 s8, $0xFFFFF086  }
0x1c: {  	p1 =	slt.u32 s9, $0xF7A;
	s5 =	simm.s32 @!p2 $0x0  }
0x1d: {  	s5 =	simm.s32 @p1 $0x1;
	p0 =	seq.s32 s7, s2  }
0x1e: {  	s7 =	smul.u32 @!p0 $0xF7A, s2;
	p2 =	seq.s32 @!p0 s5, $0x0  }
0x1f: {  	s9 =	smul.u32 $0xF7A, s1;
	s8 =	simm.s32 @!p0 $0x1BF5;
	p2 =	por !p2, p0  }
0x20: {  	[sflag:s8] =	ssyncset.s32 @!p0 $0xFFFFF086;
	s6 =	sadd.s32 @!p0 s3, s7;
	s7 =	simm.s32 @!p0 $0x108  }
0x21: {  	s3 =	sadd.s32 s3, s9;
	s6 =	sadd.s32 @!p0 $0x88, s6;
	s7 =	simm.s32 @p2 $0x1082  }
0x22: {  	[simem:s7], [sflag:s8] =	dma.local @!p0 [hbm:s6], $0xF7A  }
0x23: {  	s9 =	sor.u32 $0xD0000000, s2;
	s6 =	simm.s32 $0x108;
	_ =	swait.ge @!p0 [sflag:s8], $0x0  }
0x24: {  	s3 =	sadd.s32 $0x88, s3;
	s6 =	simm.s32 @!p1 $0x1082;
	[sflag:s4] =	ssyncset.s32 $0xFFFFF086  }
0x25: {  	[simem:s6], [sflag:s4] =	dma.local [hbm:s3], $0xF7A  }
0x26: {  	[smem:$0x3F97] =	sst s1;
	(tag) =	ssettag s2;
	_ =	strace s9  }
0x27: {  	s1 =	sld [smem:$0x3FA7]  }
0x28: {  	s2 =	sld [smem:$0x3FA8]  }
0x29: {  	s4 =	sld [smem:$0x3FAA]  }
0x2a: {  	p0 =	seq.s32 s5, $0x0;
	s5 =	sld [smem:$0x3FAB]  }
0x2b: {  	s6 =	sld [smem:$0x3FAC]  }
0x2c: {  	s7 =	sld [smem:$0x3FAD]  }
0x2d: {  	s3 =	simm.s32 $0x108;
	s8 =	sld [smem:$0x3FAE]  }
0x2e: {  	s3 =	simm.s32 @!p0 $0x1082;
	s9 =	sld [smem:$0x3FAF]  }
0x2f: {  	lr =	sadd.s32 s0, s3;
	s0 =	sld [smem:$0x3FA6]  }
0x30: {  	s3 =	sld [smem:$0x3FA9]  }
0x31: {  	[smem:$0x3FB2] =	sst s10  }
0x32: {  	s10 =	sld [smem:$0x3FB0];
	_ =	sdelay $0x3  }
0x33: {  	p0 =	seq.s32 s10, $0x1;
	s10 =	sld [smem:$0x3FB2];
	_ =	sdelay $0x3  }
0x34: {  	[smem:$0x3FB2] =	sst s10  }
0x35: {  	s10 =	sld [smem:$0x3FB1];
	_ =	sdelay $0x3  }
0x36: {  	p1 =	seq.s32 s10, $0x1;
	s10 =	sld [smem:$0x3FB2];
	_ =	sdelay $0x3  }
0x37: {  	[smem:$0x3FB2] =	sst s10  }
0x38: {  	s10 =	sld [smem:$0x3FB3]  }
0x39: {  	_ = 	snop;
	(pc) =	sbr.ind lr, $3  }
0x3a: {  	_ = 	snop  }
0x3b: {  	_ = 	snop  }
0x3c: {  	p2 =	seq.s32 s10, $0x1;
	s10 =	sld [smem:$0x3FB2]  }
0x3d: {  	_ =	shalt  }
0x3e: {  	_ =	shalt  }
0x3f: {  	_ =	shalt  }
0x40: {  	_ =	shalt  }
0x41: {  	_ =	shalt  }
0x42: {  	_ =	shalt  }
0x43: {  	_ =	shalt  }
0x44: {  	_ =	shalt  }
0x45: {  	_ =	shalt  }
0x46: {  	_ =	shalt  }
0x47: {  	_ =	shalt  }
0x48: {  	_ =	shalt  }
0x49: {  	_ =	shalt  }
0x4a: {  	_ =	shalt  }
0x4b: {  	_ =	shalt  }
0x4c: {  	_ =	shalt  }
0x4d: {  	_ =	shalt  }
0x4e: {  	_ =	shalt  }
0x4f: {  	_ =	shalt  }
0x50: {  	_ =	shalt  }
0x51: {  	_ =	shalt  }
0x52: {  	_ =	shalt  }
0x53: {  	_ =	shalt  }
0x54: {  	_ =	shalt  }
0x55: {  	_ =	shalt  }
0x56: {  	_ =	shalt  }
0x57: {  	_ =	shalt  }
0x58: {  	_ =	shalt  }
0x59: {  	_ =	shalt  }
0x5a: {  	_ =	shalt  }
0x5b: {  	_ =	shalt  }
0x5c: {  	_ =	shalt  }
0x5d: {  	_ =	shalt  }
0x5e: {  	_ =	shalt  }
0x5f: {  	_ =	shalt  }
0x60: {  	_ =	shalt  }
0x61: {  	_ =	shalt  }
0x62: {  	_ =	shalt  }
0x63: {  	_ =	shalt  }
0x64: {  	_ =	shalt  }
0x65: {  	_ =	shalt  }
0x66: {  	_ =	shalt  }
0x67: {  	_ =	shalt  }
0x68: {  	_ =	shalt  }
0x69: {  	_ =	shalt  }
0x6a: {  	_ =	shalt  }
0x6b: {  	_ =	shalt  }
0x6c: {  	_ =	shalt  }
0x6d: {  	_ =	shalt  }
0x6e: {  	_ =	shalt  }
0x6f: {  	_ =	shalt  }
0x70: {  	_ =	shalt  }
0x71: {  	_ =	shalt  }
0x72: {  	_ =	shalt  }
0x73: {  	_ =	shalt  }
0x74: {  	_ =	shalt  }
0x75: {  	_ =	shalt  }
0x76: {  	_ =	shalt  }
0x77: {  	_ =	shalt  }
0x78: {  	_ =	shalt  }
0x79: {  	_ =	shalt  }
0x7a: {  	_ =	shalt  }
0x7b: {  	_ =	shalt  }
0x7c: {  	_ =	shalt  }
0x7d: {  	_ =	shalt  }
0x7e: {  	_ =	shalt  }
0x7f: {  	_ =	shalt  }
0x80: {  	_ =	shalt  }
0x81: {  	_ =	shalt  }
0x82: {  	_ =	shalt  }
0x83: {  	_ =	shalt  }
0x84: {  	_ =	shalt  }
0x85: {  	_ =	shalt  }
0x86: {  	_ =	shalt  }
0x87: {  	_ =	shalt  }
.Lfunc_end0:
.L_simem_size_0:
called_computation.1_lowered:
.L_overlay_start_0:
0x88: {  	s2 =	sld [smem:$0x3FD9]  }
0x89: {  	s3 =	sld [smem:$0x3FFE];
	_ =	sdelay $0x1  }
0x8a: {  	s1 =	srdreg.scid  }
0x8b: {  	s0 =	sand.u32 $0x1, s1  }
0x8c: {  	s17 =	sshll.u32 s0, $0xA;
	s2 =	sadd.s32 s3, s2  }
0x8d: {  	s2 =	sadd.s32 s2, s17  }
0x8e: {  	[smem:$0x3FBE] =	sst s2  }
0x8f: {  	_ = 	snop  }
0x90: {  	s18 =	sld [smem:$0x3FC8]  }
0x91: {  	s4 =	sld [smem:$0x3FC7]  }
0x92: {  	s5 =	sld [smem:$0x3FD0];
	(tm) =	ssettm $0x1  }
0x93: {  	s19 =	sld [smem:$0x3FFB];
	_ =	sdelay $0x3  }
0x94: {  	_ =	strace s19  }
0x95: {  	s2 =	sld [smem:$0x3FFC];
	_ =	sdelay $0x3  }
0x96: {  	_ =	strace s2  }
0x97: {  	s2 =	sld [smem:$0x3FFD];
	_ =	sdelay $0x3  }
0x98: {  	_ =	strace s2  }
0x99: {  	_ =	strace $0x8FFFFFFF  }
0x9a: {  	s20 =	sld [smem:$0x3FDB];
	_ =	sdelay $0x1  }
0x9b: {  	s6 =	simm.s32 $_scs_section_size  }
0x9c: {  	s7 =	simm.s32 $_size__tile_overlayer_lowered;
	s8 =	simm.s32 $_tile_overlayer_lowered  }
0x9d: {  	s9 =	simm.s32 $0x1BFF;
	s21 =	sshll.u32 s8, $0x1;
	s6 =	sadd.s32 s6, s20  }
0x9e: {  	s22 =	simm.s32 $0x0;
	s7 =	sshll.u32 s7, $0x1;
	s8 =	sadd.s32 s21, s6  }
0x9f: {  	[timem:s22], [sflag:s9] =	dma.local [hbm:s8], s7  }
0xa0: {  	_ =	swait.ge [sflag:s9], s7  }
0xa1: {  	s7 =	ssub.s32 $0x0, s7;
	[sflag:s9] =	ssyncset.done $0x0  }
0xa2: {  	[sflag:s9] =	ssyncadd.s32 s7;
	_ =	sdelay $0x1  }
0xa3: {  	s23 =	simm.s32 $0x1B8B  }
0xa4: {  	_ =	swait.ge [sflag:s23], $0x1  }
0xa5: {  	[sflag:s23] =	ssyncset.done $0x0  }
0xa6: {  	[sflag:s23] =	ssyncadd.s32 $0xFFFFFFFF  }
0xa7: {  	s7 =	sld [smem:$0x0]  }
0xa8: {  	s8 =	sand.u32 $0xFFFFFFFE, s1  }
0xa9: {  	p0 =	sne.s32 s1, s8  }
0xaa: {  	s8 =	sshll.u32 @p0 s8, $0xE  }
0xab: {  	s8 =	sadd.s32 @p0 $0x11B8D, s8;
	s9 =	sshll.u32 @p0 s7, $0x11  }
0xac: {  	s8 =	sor.u32 @p0 s9, s8  }
0xad: {  	[sflag:s8] =	ssyncadd.remote.s32 @p0 $0x1;
	_ =	sdelay $0x1  }
0xae: {  	s8 =	simm.s32 @p0 $0x1B8D  }
0xaf: {  	_ =	swait.eq @p0 [sflag:s8], $0x1  }
0xb0: {  	[sflag:s8] =	ssyncadd.s32 @p0 $0xFFFFFFFF  }
0xb1: {  	s9 =	sshll.u32 @!p0 s1, $0xE  }
0xb2: {  	s9 =	sor.u32 @!p0 $0x4000, s9;
	s8 =	simm.s32 @!p0 $0x1B8D  }
0xb3: {  	s7 =	sshll.u32 @!p0 s7, $0x11;
	s9 =	sadd.s32 @!p0 $0x11B8D, s9;
	_ =	swait.eq @!p0 [sflag:s8], $0x1  }
0xb4: {  	s7 =	sor.u32 @!p0 s7, s9;
	[sflag:s8] =	ssyncadd.s32 @!p0 $0xFFFFFFFF  }
0xb5: {  	s25 =	simm.s32 $0x1B8E;
	s24 =	sld [smem:$0x3FFE];
	[sflag:s7] =	ssyncadd.remote.s32 @!p0 $0x1  }
0xb6: {  	s26 =	simm.s32 $execute0_lowered;
	[smem:$0x3FD2] =	sst s25  }
0xb7: {  	s8 =	sshll.u32 s26, $0x1;
	_ =	strace $0x80000049;
	[dreg:$0x1] =	wrdreg $0xFFFFFFFF  }
0xb8: {  	s28 =	simm.s32 $_size_execute0_lowered;
	s6 =	sadd.s32 s6, s8;
	[dreg:$0x0] =	wrdreg $0x0  }
0xb9: {  	s8 =	sshll.u32 s28, $0x1;
	[dreg:$0x2] =	wrdreg s6  }
0xba: {  	[dreg:$0x3] =	wrdreg s8  }
0xbb: {  	[dreg:$0x4] =	wrdreg $0xC0  }
0xbc: {  	_ =	task [dreg:s22], $0x5FFFF  }
0xbd: {  	[dreg:$0x1] =	wrdreg $0xFFFFFFFF  }
0xbe: {  	[dreg:$0x0] =	wrdreg $0x60  }
0xbf: {  	[dreg:$0x2] =	wrdreg s24  }
0xc0: {  	[dreg:$0x3] =	wrdreg s18  }
0xc1: {  	[dreg:$0x4] =	wrdreg s4  }
0xc2: {  	[dreg:$0x5] =	wrdreg s5  }
0xc3: {  	[dreg:$0x6] =	wrdreg $0xA  }
0xc4: {  	_ =	task.clear_ibuf [dreg:s22], $0x7FFFF;
	_ =	strace $0x90000049  }
0xc5: {  	s29 =	simm.s32 $0xA;
	_ =	strace $0x8000004B  }
0xc6: {  	_ =	swait.ge [sflag:s29], $0x1  }
0xc7: {  	[sflag:s29] =	ssyncadd.s32 $0xFFFFFFFF  }
0xc8: {  	_ =	strace $0x9000004B  }
0xc9: {  	_ =	sfence  }
0xca: {  	s30 =	sld [smem:$0x0];
	_ =	sdelay $0x2  }
0xcb: {  	s31 =	sshll.u32 s1, $0xD;
	s1 =	sshrl.u32 s1, $0x2  }
0xcc: {  	s4 =	sand.u32 $0x4000, s31;
	s1 =	sadd.s32 s1, s30  }
0xcd: {  	s0 =	sor.u32 s4, s0;
	s1 =	sshll.u32 s1, $0x11  }
0xce: {  	s0 =	sor.u32 s1, s0  }
0xcf: {  	s0 =	sadd.s32 $0x8F2B, s0  }
0xd0: {  	[sflag:s0] =	ssyncadd.remote.s32 $0x1  }
0xd1: {  	_ =	sfence.sel $0xFFFF  }
0xd2: {  	[dreg:$0x0] =	wrdreg $0xFFFFFFFF;
	(pc) =	sbr.abs _section_cstart, $3  }
0xd3: {  	[dreg:$0x1] =	wrdreg $0xFFFFFFFF  }
0xd4: {  	_ =	task.clear_ibuf [dreg:s22], $0x2FFFF;
	_ =	strace $0x9FFFFFFF  }
0xd5: {  	(tm) =	ssettm $0x7FFFFFFF  }
tec
execute0_lowered:
.L_overlay_start_1:
0x0: {  	(tag) =	ssettag $0x1  }
0x1: {  	s0 =	rddreg [dreg:$0x0]  }
0x2: {  	s1 =	rddreg [dreg:$0x1]  }
0x3: {  	s2 =	rddreg [dreg:$0x2]  }
0x4: {  	s3 =	rddreg [dreg:$0x3]  }
0x5: {  	s5 =	simm.s32 $0x0;
	s4 =	srdreg.scid;
	s7 =	stileid.u32  }
0x6: {  	s15 =	simm.s32 $0x7;
	s16 =	simm.s32 $0x100;
	s17 =	simm.s32 $0x80  }
0x7: {  	s18 =	simm.s32 $0x200;
	s19 =	simm.s32 $0x300;
	s20 =	simm.s32 $0x1  }
0x8: {  	s24 =	simm.s32 $0x180;
	s25 =	simm.s32 $0x280;
	s28 =	simm.s32 $0x3  }
0x9: {  	s30 =	simm.s32 $0x2;
	s21 =	simm.s32 $0x0;
	[smem:$0x7FF] =	sst s5  }
0xa: {  	s6 =	sadd.s32 $0x126E00, s0;
	s4 =	sand.u32 $0x1, s4;
	s8 =	sshll.u32 s7, $0x1  }
0xb: {  	s7 =	sadd.s32 $0x128200, s0;
	s11 =	ssub.s32 $0x2, s4;
	s4 =	sor.u32 s4, s8  }
0xc: {  	s9 =	sadd.s32 $0x3E00, s0;
	s10 =	sadd.s32 $0x129600, s0;
	s13 =	smul.u32 $0xA0, s4  }
0xd: {  	_ =	strace $0x8000004A;
	s8 =	sadd.s32 $0x13800, s0;
	s12 =	sshrl.u32 s11, $0x1  }
0xe: {  	s26 =	ssub.s32 s11, s12;
	s11 =	smul.u32 $0xA, s4;
	s29 =	sadd.s32 s6, s13  }
0xf: {  	s4 =	simm.s32 $0xA400;
	s31 =	sadd.s32 s7, s13;
	[dreg:$0x5] =	wrdreg s29  }
0x10: {  	s12 =	simm.s32 $0x4;
	s0 =	smax.u32 s26, $0x1;
	[dreg:$0x6] =	wrdreg s31  }
0x11: {  	v0 =	vimm.f32 $0.0e+00;
	s26 =	simm.s32 $0x380;
	s13 =	simm.s32 $0xE400;
	[dreg:$0x7] =	wrdreg s0  }
.LBB2_1:
0x12: {  	[dreg:$0x8] =	wrdreg s21;
	s14 =	simm.s32 $0x0  }
.LBB2_2:
0x13: {  	p0 =	sne.s32 s14, $0x7E00  }
.Ltmp0:
0x14: {  	_ = 	snop;
	(pc) =	sbr.rel @p0 .LBB2_2-.Ltmp0, $4  }
0x15: {  	_ = 	snop  }
0x16: {  	s21 =	sshra.s32 s14, $0x2  }
0x17: {  	[tilespmem:s21+$0xC430] =	vst v0  }
0x18: {  	s14 =	sadd.s32 $0x200, s14;
	[tilespmem:s21+$0xC470] =	vst v0  }
0x19: {  	s14 =	simm.s32 $0x200;
	s21 =	simm.s32 $0x0  }
.LBB2_4:
0x1a: {  	p0 =	sne.s32 s14, $0x7E00;
	[tilespmem:s21+$0xE430] =	vst v0;
	s22 =	smov.u32 s14;
	s14 =	sadd.s32 $0x200, s14  }
.Ltmp1:
0x1b: {  	[tilespmem:s21+$0xE470] =	vst v0;
	(pc) =	sbr.rel @p0 .LBB2_4-.Ltmp1, $2  }
0x1c: {  	_ =	sdelay $0x2  }
0x1d: {  	s21 =	sshra.s32 s22, $0x2  }
0x1e: {  	[tilespmem:s21+$0xE430] =	vst v0  }
0x1f: {  	[tilespmem:s21+$0xE470] =	vst v0;
	s14 =	simm.s32 $0x0;
	s0 =	rddreg [dreg:$0x5]  }
0x20: {  	[tilespmem:s14], [sflag:$0x7] =	stream.linear.gather [hbm4b:s0+s14], $0x80, $0x38;
	[tilespmem:$0x10400] =	vst v63  }
0x21: {  	_ =	swait.ge [sflag:s15], $0x80  }
0x22: {  	[sflag:s15] =	ssyncset.done $0x0  }
0x23: {  	s31 =	rddreg [dreg:$0x6];
	[sflag:s15] =	ssyncadd.s32 $0xFFFFFF80  }
0x24: {  	[tilespmem:s16], [sflag:$0x7] =	stream.linear.gather [hbm4b:s31+s14], $0x80, $0x38;
	[tilespmem:$0x10400] =	vst v63  }
0x25: {  	_ =	swait.ge [sflag:s15], $0x80  }
0x26: {  	[sflag:s15] =	ssyncset.done $0x0  }
0x27: {  	[sflag:s15] =	ssyncadd.s32 $0xFFFFFF80  }
0x28: {  	[tilespmem:s18], [sflag:$0x1] =	stream.indirect.gather [hbm4b:s1+s17], $0x1, s14, s17, $0xb8;
	[tilespmem:$0x10400] =	vst v63  }
0x29: {  	_ = 	snop  }
0x2a: {  	[tilespmem:s19], [sflag:$0x1] =	stream.indirect.gather [hbm4b:s2+s17], $0x1, s14, s17, $0xb8;
	[tilespmem:$0x10400] =	vst v63  }
0x2b: {  	_ =	swait.ge [sflag:s20], $0x80  }
0x2c: {  	[sflag:s20] =	ssyncset.done $0x0  }
0x2d: {  	[sflag:s20] =	ssyncadd.s32 $0xFFFFFF80  }
0x2e: {  	_ =	swait.ge [sflag:s20], $0x80  }
0x2f: {  	[sflag:s20] =	ssyncset.done $0x0  }
0x30: {  	[sflag:s20] =	ssyncadd.s32 $0xFFFFFF80  }
.LBB2_6:
0x31: {  	s21 =	sshll.u32 s14, $0x1;
	s0 =	simm.s32 $0x400  }
0x32: {  	[tilespmem:s0], [sflag:$0x3] =	stream.indirect.gather [hbm4b:s8+s17], $0x40, s16, s17, $0xb8;
	[tilespmem:$0x10400] =	vst v63  }
0x33: {  	s22 =	sadd.s32 s11, s21;
	s21 =	simm.s32 $0x2400  }
0x34: {  	[tilespmem:s21], [sflag:$0x3] =	stream.indirect.gather [hbm4b:s3+s17], $0x40, s18, s17, $0xb8;
	[tilespmem:$0x10400] =	vst v63  }
0x35: {  	s23 =	simm.s32 $0x4400;
	s21 =	sor.u32 $0x1, s22  }
0x36: {  	[tilespmem:s23], [sflag:$0x3] =	stream.indirect.gather [hbm4b:s9+s17], $0x40, s19, s17, $0xb8;
	[tilespmem:$0x10400] =	vst v63  }
0x37: {  	s23 =	sshll.u32 s21, $0x4  }
0x38: {  	s23 =	sand.u32 $0x1FFFFFF0, s23  }
0x39: {  	s29 =	sadd.s32 s6, s23  }
0x3a: {  	[tilespmem:s17], [sflag:$0x7] =	stream.linear.gather [hbm4b:s29+s5], $0x80, $0x38;
	[tilespmem:$0x10400] =	vst v63  }
0x3b: {  	_ =	swait.ge [sflag:s15], $0x80  }
0x3c: {  	[sflag:s15] =	ssyncset.done $0x0  }
0x3d: {  	s23 =	sadd.s32 s7, s23;
	[sflag:s15] =	ssyncadd.s32 $0xFFFFFF80  }
0x3e: {  	[tilespmem:s24], [sflag:$0x7] =	stream.linear.gather [hbm4b:s23+s5], $0x80, $0x38;
	[tilespmem:$0x10400] =	vst v63  }
0x3f: {  	_ =	swait.ge [sflag:s15], $0x80  }
0x40: {  	[sflag:s15] =	ssyncset.done $0x0  }
0x41: {  	p0 =	seq.s32 s14, $0x0;
	[sflag:s15] =	ssyncadd.s32 $0xFFFFFF80  }
0x42: {  	[tilespmem:s25], [sflag:$0x2] =	stream.indirect.gather [hbm4b:s1+s17], $0x1, s17, s17, $0xb8;
	[tilespmem:$0x10400] =	vst v63  }
0x43: {  	s23 =	simm.s32 @!p0 $0x5  }
0x44: {  	[tilespmem:s26], [sflag:$0x2] =	stream.indirect.gather [hbm4b:s2+s17], $0x1, s17, s17, $0xb8;
	[tilespmem:$0x10400] =	vst v63  }
0x45: {  	_ =	swait.ge @!p0 [sflag:s23], $0x2000  }
0x46: {  	[sflag:s23] =	ssyncset.done @!p0 $0x0  }
0x47: {  	[sflag:s23] =	ssyncadd.s32 @!p0 $0xFFFFE000  }
0x48: {  	_ =	swait.ge [sflag:s28], $0x2000  }
0x49: {  	[sflag:s28] =	ssyncset.done $0x0  }
0x4a: {  	[sflag:s28] =	ssyncadd.s32 $0xFFFFE000  }
0x4b: {  	_ =	swait.ge [sflag:s28], $0x2000  }
0x4c: {  	[sflag:s28] =	ssyncset.done $0x0  }
0x4d: {  	[sflag:s28] =	ssyncadd.s32 $0xFFFFE000  }
0x4e: {  	_ =	swait.ge [sflag:s28], $0x2000  }
0x4f: {  	[sflag:s28] =	ssyncset.done $0x0  }
0x50: {  	s29 =	simm.s32 $0x0;
	[sflag:s28] =	ssyncadd.s32 $0xFFFFE000  }
0x51: {  	v2 =	vld [tilespmem:s29+$0x4420]  }
0x52: {  	v1 =	vld [tilespmem:s29+$0x4422]  }
0x53: {  	v3 =	vld [tilespmem:s29+$0x420]  }
0x54: {  	v6 =	vld [tilespmem:s29+$0x2420]  }
0x55: {  	v5 =	vld [tilespmem:s29+$0x422]  }
0x56: {  	v9 =	vld [tilespmem:s29+$0x2422]  }
0x57: {  	v4 =	vld [tilespmem:s29+$0x460]  }
0x58: {  	v8 =	vld [tilespmem:s29+$0x2460]  }
0x59: {  	s31 =	simm.s32 $0x200;
	s23 =	smin.u32 s22, $0x13D;
	v7 =	vld [tilespmem:s29+$0x462]  }
.LBB2_7:
0x5a: {  	p1 =	sne.s32 s31, $0x7E00;
	v10 =	vld [tilespmem:s29+$0x2462]  }
0x5b: {  	v11 =	vld [tilespmem:s29+$0x4460]  }
0x5c: {  	v3 =	vadd.f32 v6, v3;
	v6 =	vld [tilespmem:s29+$0x4462]  }
0x5d: {  	v5 =	vadd.f32 v9, v5;
	v12 =	vld [tilespmem:s29+$0x400]  }
0x5e: {  	v2 =	vadd.f32 v2, v3;
	v3 =	vadd.f32 v8, v4;
	v9 =	vld [tilespmem:s29+$0x2400]  }
0x5f: {  	v1 =	vadd.f32 v1, v5;
	v4 =	vld [tilespmem:s29+$0x410];
	v5 =	vadd.f32 v10, v7  }
0x60: {  	v7 =	vld [tilespmem:s29+$0x2410];
	[tilespmem:s29+$0xC420] =	vst v2;
	v2 =	vadd.f32 v11, v3  }
0x61: {  	[tilespmem:s29+$0xC422] =	vst v1;
	v1 =	vld [tilespmem:s29+$0x440];
	v3 =	vadd.f32 v6, v5  }
0x62: {  	v5 =	vld [tilespmem:s29+$0x2440];
	[tilespmem:s29+$0xC460] =	vst v2  }
0x63: {  	v6 =	vadd.f32 v9, v12;
	v8 =	vld [tilespmem:s29+$0x450];
	[tilespmem:s29+$0xC462] =	vst v3  }
0x64: {  	v3 =	vld [tilespmem:s29+$0x2450]  }
0x65: {  	v9 =	vld [tilespmem:s29+$0x4400];
	v4 =	vadd.f32 v7, v4  }
0x66: {  	v7 =	vld [tilespmem:s29+$0x4410]  }
0x67: {  	v5 =	vadd.f32 v5, v1;
	v10 =	vld [tilespmem:s29+$0x4440]  }
0x68: {  	s0 =	sshra.s32 s31, $0x2;
	v11 =	vld [tilespmem:s29+$0x4450]  }
0x69: {  	v2 =	vld [tilespmem:s0+$0x4420];
	v8 =	vadd.f32 v3, v8  }
0x6a: {  	v1 =	vld [tilespmem:s0+$0x4422];
	v9 =	vadd.f32 v9, v6  }
0x6b: {  	v3 =	vld [tilespmem:s0+$0x420];
	v4 =	vadd.f32 v7, v4  }
0x6c: {  	v6 =	vld [tilespmem:s0+$0x2420];
	[tilespmem:s29+$0xC400] =	vst v9;
	v7 =	vadd.f32 v10, v5  }
.Ltmp2:
0x6d: {  	v5 =	vld [tilespmem:s0+$0x422];
	[tilespmem:s29+$0xC410] =	vst v4;
	v8 =	vadd.f32 v11, v8;
	(pc) =	sbr.rel @p1 .LBB2_7-.Ltmp2, $4  }
0x6e: {  	v9 =	vld [tilespmem:s0+$0x2422];
	[tilespmem:s29+$0xC440] =	vst v7  }
0x6f: {  	v4 =	vld [tilespmem:s0+$0x460];
	[tilespmem:s29+$0xC450] =	vst v8;
	s29 =	smov.u32 s0  }
0x70: {  	v8 =	vld [tilespmem:s29+$0x2460]  }
0x71: {  	s31 =	sadd.s32 $0x200, s31;
	v7 =	vld [tilespmem:s29+$0x462]  }
0x72: {  	v10 =	vld [tilespmem:s29+$0x2462]  }
0x73: {  	v11 =	vld [tilespmem:s29+$0x4460]  }
0x74: {  	v12 =	vld [tilespmem:s29+$0x4462]  }
0x75: {  	v3 =	vadd.f32 v6, v3;
	v6 =	vld [tilespmem:s29+$0x400]  }
0x76: {  	v5 =	vadd.f32 v9, v5;
	v9 =	vld [tilespmem:s29+$0x2400]  }
0x77: {  	v2 =	vadd.f32 v2, v3;
	v3 =	vld [tilespmem:s29+$0x410]  }
0x78: {  	v1 =	vadd.f32 v1, v5;
	v5 =	vld [tilespmem:s29+$0x2410];
	v4 =	vadd.f32 v8, v4  }
0x79: {  	v8 =	vld [tilespmem:s29+$0x4400];
	[tilespmem:s29+$0xC420] =	vst v2  }
0x7a: {  	[tilespmem:s29+$0xC422] =	vst v1;
	v1 =	vadd.f32 v10, v7;
	v2 =	vadd.f32 v11, v4;
	v4 =	vld [tilespmem:s29+$0x440]  }
0x7b: {  	v7 =	vld [tilespmem:s29+$0x2440]  }
0x7c: {  	v10 =	vld [tilespmem:s29+$0x4410];
	v1 =	vadd.f32 v12, v1  }
0x7d: {  	[tilespmem:s29+$0xC460] =	vst v2;
	v2 =	vld [tilespmem:s29+$0x450]  }
0x7e: {  	[tilespmem:s29+$0xC462] =	vst v1;
	v1 =	vld [tilespmem:s29+$0x2450]  }
0x7f: {  	v11 =	vld [tilespmem:s29+$0x4440]  }
0x80: {  	v6 =	vadd.f32 v9, v6;
	v9 =	vld [tilespmem:s29+$0x4450]  }
0x81: {  	v3 =	vadd.f32 v5, v3  }
0x82: {  	v5 =	vadd.f32 v8, v6;
	v4 =	vadd.f32 v7, v4  }
0x83: {  	v1 =	vadd.f32 v1, v2;
	v2 =	vadd.f32 v10, v3  }
0x84: {  	[tilespmem:s29+$0xC400] =	vst v5;
	v3 =	vadd.f32 v11, v4  }
0x85: {  	[tilespmem:s29+$0xC410] =	vst v2;
	v1 =	vadd.f32 v9, v1  }
0x86: {  	s0 =	sshll.u32 s22, $0xA;
	[tilespmem:s29+$0xC440] =	vst v3  }
0x87: {  	s22 =	sadd.s32 s10, s0;
	[tilespmem:s29+$0xC450] =	vst v1;
	s29 =	simm.s32 $0xC400  }
0x88: {  	[hbm4b:s22+s5] =	stream.linear.scatter [tilespmem:s29], [sflag:$0x5], $0x2000, $0x38;
	[tilespmem:$0x10400] =	vst v63  }
0x89: {  	_ =	swait.ge [sflag:s30], $0x80  }
0x8a: {  	[sflag:s30] =	ssyncset.done $0x0  }
0x8b: {  	[sflag:s30] =	ssyncadd.s32 $0xFFFFFF80  }
0x8c: {  	_ =	swait.ge [sflag:s30], $0x80  }
0x8d: {  	[sflag:s30] =	ssyncset.done $0x0  }
0x8e: {  	s31 =	simm.s32 $0x6400;
	[sflag:s30] =	ssyncadd.s32 $0xFFFFFF80  }
0x8f: {  	[tilespmem:s31], [sflag:$0x4] =	stream.indirect.gather [hbm4b:s8+s17], $0x40, s24, s17, $0xb8;
	[tilespmem:$0x10400] =	vst v63  }
0x90: {  	s23 =	sshll.u32 s23, $0x4;
	s31 =	simm.s32 $0x8400  }
0x91: {  	[tilespmem:s31], [sflag:$0x4] =	stream.indirect.gather [hbm4b:s3+s17], $0x40, s25, s17, $0xb8;
	[tilespmem:$0x10400] =	vst v63  }
0x92: {  	s22 =	sadd.s32 $0x20, s23  }
0x93: {  	[tilespmem:s4], [sflag:$0x4] =	stream.indirect.gather [hbm4b:s9+s17], $0x40, s26, s17, $0xb8;
	[tilespmem:$0x10400] =	vst v63  }
0x94: {  	s31 =	sadd.s32 s6, s22  }
0x95: {  	[tilespmem:s5], [sflag:$0x7] =	stream.linear.gather [hbm4b:s31+s5], $0x80, $0x38;
	[tilespmem:$0x10400] =	vst v63  }
0x96: {  	_ =	swait.ge [sflag:s15], $0x80  }
0x97: {  	[sflag:s15] =	ssyncset.done $0x0  }
0x98: {  	s22 =	sadd.s32 s7, s22;
	[sflag:s15] =	ssyncadd.s32 $0xFFFFFF80  }
0x99: {  	[tilespmem:s16], [sflag:$0x7] =	stream.linear.gather [hbm4b:s22+s5], $0x80, $0x38;
	[tilespmem:$0x10400] =	vst v63  }
0x9a: {  	_ =	swait.ge [sflag:s15], $0x80  }
0x9b: {  	[sflag:s15] =	ssyncset.done $0x0  }
0x9c: {  	[sflag:s15] =	ssyncadd.s32 $0xFFFFFF80  }
0x9d: {  	[tilespmem:s18], [sflag:$0x1] =	stream.indirect.gather [hbm4b:s1+s17], $0x1, s5, s17, $0xb8;
	[tilespmem:$0x10400] =	vst v63  }
0x9e: {  	s22 =	simm.s32 @!p0 $0x6  }
0x9f: {  	[tilespmem:s19], [sflag:$0x1] =	stream.indirect.gather [hbm4b:s2+s17], $0x1, s5, s17, $0xb8;
	[tilespmem:$0x10400] =	vst v63  }
0xa0: {  	_ =	swait.ge @!p0 [sflag:s22], $0x2000  }
0xa1: {  	[sflag:s22] =	ssyncset.done @!p0 $0x0  }
0xa2: {  	[sflag:s22] =	ssyncadd.s32 @!p0 $0xFFFFE000  }
0xa3: {  	_ =	swait.ge [sflag:s12], $0x2000  }
0xa4: {  	[sflag:s12] =	ssyncset.done $0x0  }
0xa5: {  	[sflag:s12] =	ssyncadd.s32 $0xFFFFE000  }
0xa6: {  	_ =	swait.ge [sflag:s12], $0x2000  }
0xa7: {  	[sflag:s12] =	ssyncset.done $0x0  }
0xa8: {  	[sflag:s12] =	ssyncadd.s32 $0xFFFFE000  }
0xa9: {  	_ =	swait.ge [sflag:s12], $0x2000  }
0xaa: {  	[sflag:s12] =	ssyncset.done $0x0  }
0xab: {  	s22 =	simm.s32 $0x0;
	[sflag:s12] =	ssyncadd.s32 $0xFFFFE000  }
0xac: {  	v2 =	vld [tilespmem:s22+$0xA420]  }
0xad: {  	v1 =	vld [tilespmem:s22+$0xA422]  }
0xae: {  	v3 =	vld [tilespmem:s22+$0x6420]  }
0xaf: {  	v6 =	vld [tilespmem:s22+$0x8420]  }
0xb0: {  	v5 =	vld [tilespmem:s22+$0x6422]  }
0xb1: {  	v9 =	vld [tilespmem:s22+$0x8422]  }
0xb2: {  	v4 =	vld [tilespmem:s22+$0x6460]  }
0xb3: {  	v8 =	vld [tilespmem:s22+$0x8460]  }
0xb4: {  	s23 =	sand.u32 $0xFFF0000, s0;
	s29 =	simm.s32 $0x200;
	v7 =	vld [tilespmem:s22+$0x6462]  }
.LBB2_9:
0xb5: {  	p0 =	sne.s32 s29, $0x7E00;
	v10 =	vld [tilespmem:s22+$0x8462]  }
0xb6: {  	v11 =	vld [tilespmem:s22+$0xA460]  }
0xb7: {  	v3 =	vadd.f32 v6, v3;
	v6 =	vld [tilespmem:s22+$0xA462]  }
0xb8: {  	v5 =	vadd.f32 v9, v5;
	v12 =	vld [tilespmem:s22+$0x6400]  }
0xb9: {  	v2 =	vadd.f32 v2, v3;
	v3 =	vadd.f32 v8, v4;
	v9 =	vld [tilespmem:s22+$0x8400]  }
0xba: {  	v1 =	vadd.f32 v1, v5;
	v4 =	vld [tilespmem:s22+$0x6410];
	v5 =	vadd.f32 v10, v7  }
0xbb: {  	v7 =	vld [tilespmem:s22+$0x8410];
	[tilespmem:s22+$0xE420] =	vst v2;
	v2 =	vadd.f32 v11, v3  }
0xbc: {  	[tilespmem:s22+$0xE422] =	vst v1;
	v1 =	vld [tilespmem:s22+$0x6440];
	v3 =	vadd.f32 v6, v5  }
0xbd: {  	v5 =	vld [tilespmem:s22+$0x8440];
	[tilespmem:s22+$0xE460] =	vst v2  }
0xbe: {  	v6 =	vadd.f32 v9, v12;
	v8 =	vld [tilespmem:s22+$0x6450];
	[tilespmem:s22+$0xE462] =	vst v3  }
0xbf: {  	v3 =	vld [tilespmem:s22+$0x8450]  }
0xc0: {  	v9 =	vld [tilespmem:s22+$0xA400];
	v4 =	vadd.f32 v7, v4  }
0xc1: {  	v7 =	vld [tilespmem:s22+$0xA410]  }
0xc2: {  	v5 =	vadd.f32 v5, v1;
	v10 =	vld [tilespmem:s22+$0xA440]  }
0xc3: {  	s0 =	sshra.s32 s29, $0x2;
	v11 =	vld [tilespmem:s22+$0xA450]  }
0xc4: {  	v2 =	vld [tilespmem:s0+$0xA420];
	v8 =	vadd.f32 v3, v8  }
0xc5: {  	v1 =	vld [tilespmem:s0+$0xA422];
	v9 =	vadd.f32 v9, v6  }
0xc6: {  	v3 =	vld [tilespmem:s0+$0x6420];
	v4 =	vadd.f32 v7, v4  }
0xc7: {  	v6 =	vld [tilespmem:s0+$0x8420];
	[tilespmem:s22+$0xE400] =	vst v9;
	v7 =	vadd.f32 v10, v5  }
.Ltmp3:
0xc8: {  	v5 =	vld [tilespmem:s0+$0x6422];
	[tilespmem:s22+$0xE410] =	vst v4;
	v8 =	vadd.f32 v11, v8;
	(pc) =	sbr.rel @p0 .LBB2_9-.Ltmp3, $4  }
0xc9: {  	v9 =	vld [tilespmem:s0+$0x8422];
	[tilespmem:s22+$0xE440] =	vst v7  }
0xca: {  	v4 =	vld [tilespmem:s0+$0x6460];
	[tilespmem:s22+$0xE450] =	vst v8;
	s22 =	smov.u32 s0  }
0xcb: {  	v8 =	vld [tilespmem:s22+$0x8460]  }
0xcc: {  	s29 =	sadd.s32 $0x200, s29;
	v7 =	vld [tilespmem:s22+$0x6462]  }
0xcd: {  	v10 =	vld [tilespmem:s22+$0x8462]  }
0xce: {  	v11 =	vld [tilespmem:s22+$0xA460]  }
0xcf: {  	v12 =	vld [tilespmem:s22+$0xA462]  }
0xd0: {  	v3 =	vadd.f32 v6, v3;
	v54 =	vld [tilespmem:s22+$0x6400]  }
0xd1: {  	v55 =	vld [tilespmem:s22+$0x8400];
	v5 =	vadd.f32 v9, v5  }
0xd2: {  	v56 =	vld [tilespmem:s22+$0x8410];
	v2 =	vadd.f32 v2, v3  }
0xd3: {  	v57 =	vld [tilespmem:s22+$0x6440];
	v1 =	vadd.f32 v1, v5  }
0xd4: {  	v58 =	vld [tilespmem:s22+$0x8440];
	v4 =	vadd.f32 v8, v4;
	[tilespmem:s22+$0xE420] =	vst v2  }
0xd5: {  	v59 =	vld [tilespmem:s22+$0xA400];
	[tilespmem:s22+$0xE422] =	vst v1;
	v1 =	vadd.f32 v10, v7  }
0xd6: {  	v60 =	vld [tilespmem:s22+$0xA410];
	v2 =	vadd.f32 v11, v4  }
0xd7: {  	v3 =	vld [tilespmem:s22+$0x6410];
	v1 =	vadd.f32 v12, v1  }
0xd8: {  	[tilespmem:s22+$0xE460] =	vst v2;
	v2 =	vld [tilespmem:s22+$0x6450]  }
0xd9: {  	[tilespmem:s22+$0xE462] =	vst v1;
	v1 =	vld [tilespmem:s22+$0x8450]  }
0xda: {  	v61 =	vld [tilespmem:s22+$0xA440]  }
0xdb: {  	v62 =	vld [tilespmem:s22+$0xA450];
	v6 =	vadd.f32 v55, v54  }
0xdc: {  	v3 =	vadd.f32 v56, v3  }
0xdd: {  	v4 =	vadd.f32 v58, v57;
	v63 =	vadd.f32 v59, v6  }
0xde: {  	v1 =	vadd.f32 v1, v2;
	v2 =	vadd.f32 v60, v3  }
0xdf: {  	[tilespmem:s22+$0xE400] =	vst v63;
	v3 =	vadd.f32 v61, v4  }
0xe0: {  	s0 =	sshll.u32 s21, $0xA;
	[tilespmem:s22+$0xE410] =	vst v2;
	v1 =	vadd.f32 v62, v1  }
0xe1: {  	s31 =	sadd.s32 s10, s23;
	s0 =	sand.u32 $0xFC00, s0;
	[tilespmem:s22+$0xE440] =	vst v3  }
0xe2: {  	s14 =	sadd.s32 $0x1, s14;
	s0 =	sadd.s32 s0, s31;
	[tilespmem:s22+$0xE450] =	vst v1  }
0xe3: {  	[hbm4b:s0+s5] =	stream.linear.scatter [tilespmem:s13], [sflag:$0x6], $0x2000, $0x38;
	[tilespmem:$0x10400] =	vst v63  }
0xe4: {  	p0 =	sne.s32 s14, $0x5;
	_ =	swait.ge [sflag:s20], $0x80  }
.Ltmp4:
0xe5: {  	[sflag:s20] =	ssyncset.done $0x0;
	(pc) =	sbr.rel @p0 .LBB2_6-.Ltmp4, $4  }
0xe6: {  	[sflag:s20] =	ssyncadd.s32 $0xFFFFFF80  }
0xe7: {  	_ =	swait.ge [sflag:s20], $0x80  }
0xe8: {  	[sflag:s20] =	ssyncset.done $0x0  }
0xe9: {  	[sflag:s20] =	ssyncadd.s32 $0xFFFFFF80  }
0xea: {  	s0 =	simm.s32 $0x5  }
0xeb: {  	_ =	swait.ge [sflag:s0], $0x2000  }
0xec: {  	[sflag:s0] =	ssyncset.done $0x0  }
0xed: {  	s14 =	simm.s32 $0x6;
	[sflag:s0] =	ssyncadd.s32 $0xFFFFE000  }
0xee: {  	_ =	swait.ge [sflag:s14], $0x2000  }
0xef: {  	s21 =	rddreg [dreg:$0x8]  }
0xf0: {  	s31 =	rddreg [dreg:$0x7];
	s21 =	sadd.s32 $0x1, s21  }
0xf1: {  	p0 =	sne.s32 s21, s31  }
.Ltmp5:
0xf2: {  	_ = 	snop;
	(pc) =	sbr.rel @p0 .LBB2_1-.Ltmp5, $3  }
0xf3: {  	_ =	sdelay $0x1  }
0xf4: {  	[sflag:s14] =	ssyncset.done $0x0  }
0xf5: {  	[sflag:s14] =	ssyncadd.s32 $0xFFFFE000  }
0xf6: {  	_ =	sfence.sel $0x180000  }
0xf7: {  	[bflag:$0x0] =	sbarrier.arrive $0xFFFF  }
0xf8: {  	_ =	strace $0x9000004A  }
0xf9: {  	s0 =	stileid.u32;
	[bflag:$0x2] =	sbarrier.arrive $0xFFFF  }
0xfa: {  	p0 =	sne.s32 s0, $0x0;
	s0 =	rddreg [dreg:$0x4]  }
0xfb: {  	s0 =	sadd.s32 @!p0 $0x100000, s0  }
0xfc: {  	[sflag:s0] =	ssyncadd.tile.s32 @!p0 $0x1;
	_ =	shalt  }
.Lfunc_end2:
_tile_overlayer_lowered:
.L_overlay_start_2:
0xfd: {  	(tag) =	ssettag $0x2  }
0xfe: {  	s0 =	rddreg [dreg:$0x0];
	s2 =	stileid.u32  }
0xff: {  	s1 =	rddreg [dreg:$0x1];
	p0 =	sne.s32 s2, $0x0  }
0x100: {  	s3 =	rddreg [dreg:$0x2];
	[bflag:$0x3] =	sbarrier.arrive $0xFFFF;
	s2 =	simm.s32 @!p0 $0x1C07  }
0x101: {  	[timem:s3], [sflag:s2] =	dma.local @!p0 [hbm:s0], s1  }
0x102: {  	s0 =	simm.s32 @!p0 $0x7  }
0x103: {  	_ =	swait.ge @!p0 [sflag:s0], s1  }
0x104: {  	s1 =	ssub.s32 @!p0 $0x0, s1;
	[sflag:s0] =	ssyncset.done @!p0 $0x0  }
0x105: {  	[sflag:s0] =	ssyncadd.s32 @!p0 s1  }
0x106: {  	[bflag:$0x3] =	sbarrier.arrive $0xFFFF  }
0x107: {  	_ =	shalt  }

</sc_bundles>
